<compile_context>
chip_gen: v7x
topology: tpu7x:2x2x1
jax: 0.10.2.dev20260603
libtpu: 0.0.44.dev20260713+nightly
codegen_flags: <defaults>
</compile_context>

<pallas_src>
import functools

import jax
import jax.numpy as jnp
from jax import lax
from jax.experimental import pallas as pl
from jax.experimental.pallas import tpu as pltpu
import jax.experimental.pallas.tpu_sc as plsc

N = 10000
E = 320000
D = 128
NC = 2
NS = 16
NW = NC * NS
CH = 80
NBUF = 5
CPT = 125
EPT = CPT * CH
HW = 8
RPT = 624
RREM = N - NS * RPT
WIN = 8

_sc_mesh = plsc.VectorSubcoreMesh(core_axis_name="c", subcore_axis_name="s")


def _deg_body(dst_hbm, ones_hbm, hist_hbm, dst_vm, ones_v, ssem, acc):
    cid = lax.axis_index("c")
    sid = lax.axis_index("s")
    wid = sid * NC + cid
    r0 = pl.multiple_of(sid * RPT, 8)
    pltpu.sync_copy(ones_hbm.at[pl.ds(r0, RPT)], acc.at[pl.ds(r0, RPT)])

    @pl.when(sid == 0)
    def _():
        pltpu.sync_copy(ones_hbm.at[pl.ds(NS * RPT, RREM)],
                        acc.at[pl.ds(NS * RPT, RREM)])

    pltpu.sync_copy(dst_hbm.at[wid], dst_vm)
    pltpu.sync_copy(ones_hbm.at[pl.ds(0, CH)], ones_v)
    plsc.subcore_barrier()

    def body(k, carry):
        @pl.when(k >= WIN)
        def _():
            pltpu.make_async_copy(ones_v, acc.at[dst_vm.at[0]], ssem).wait()

        pltpu.make_async_copy(ones_v, acc.at[dst_vm.at[k]], ssem).start(add=True)
        return carry

    lax.fori_loop(0, CPT, body, 0)
    for _ in range(WIN):
        pltpu.make_async_copy(ones_v, acc.at[dst_vm.at[0]], ssem).wait()
    plsc.subcore_barrier()
    pltpu.sync_copy(acc.at[pl.ds(r0, RPT)], hist_hbm.at[cid].at[pl.ds(r0, RPT)])

    @pl.when(sid == 0)
    def _():
        pltpu.sync_copy(acc.at[pl.ds(NS * RPT, RREM)],
                        hist_hbm.at[cid].at[pl.ds(NS * RPT, RREM)])


_deg_kernel = functools.partial(
    pl.kernel,
    out_type=jax.ShapeDtypeStruct((NC, N, HW), jnp.float32),
    mesh=_sc_mesh,
    scratch_types=[
        pltpu.VMEM((CPT, CH), jnp.int32),
        pltpu.VMEM((CH, HW), jnp.float32),
        pltpu.SemaphoreType.DMA,
        pltpu.VMEM_SHARED((N, HW), jnp.float32),
    ],
)(_deg_body)


DH = D // 2


def _agg_body(shl_hbm, shr_hbm, src_hbm, dst_hbm, out_hbm,
              src_vm, dst_vm, rows_v, gsem, ssem, acc):
    cid = lax.axis_index("c")
    sid = lax.axis_index("s")
    wid = sid * NC + cid
    r0 = pl.multiple_of(sid * RPT, 8)

    e0 = pl.multiple_of(wid * EPT, 8)
    pltpu.sync_copy(src_hbm.at[pl.ds(e0, EPT)], src_vm)
    pltpu.sync_copy(dst_hbm.at[wid], dst_vm)

    for p, sh_hbm in ((0, shl_hbm), (1, shr_hbm)):
        pltpu.sync_copy(sh_hbm.at[pl.ds(r0, RPT)], acc.at[pl.ds(r0, RPT)])

        @pl.when(sid == 0)
        def _():
            pltpu.sync_copy(sh_hbm.at[pl.ds(NS * RPT, RREM)],
                            acc.at[pl.ds(NS * RPT, RREM)])

        plsc.subcore_barrier()

        def _gather(k, b):
            off = pl.multiple_of(k * CH, 8)
            pltpu.make_async_copy(sh_hbm.at[src_vm.at[pl.ds(off, CH)]],
                                  rows_v.at[b], gsem.at[b]).start()

        def _wait_gather(b):
            pltpu.make_async_copy(sh_hbm.at[src_vm.at[pl.ds(0, CH)]],
                                  rows_v.at[b], gsem.at[b]).wait()

        def _scatter(k, b):
            pltpu.make_async_copy(rows_v.at[b], acc.at[dst_vm.at[k]],
                                  ssem.at[b]).start(add=True)

        def _wait_scatter(b):
            pltpu.make_async_copy(rows_v.at[b], acc.at[dst_vm.at[0]],
                                  ssem.at[b]).wait()

        for b in range(NBUF - 1):
            _gather(b, b)

        def outer(t, carry):
            k0 = NBUF * t
            for b in range(NBUF):
                k = k0 + b
                _wait_gather(b)
                _scatter(k, b)
                bn = (b + NBUF - 1) % NBUF
                if b == 0:
                    @pl.when(t >= 1)
                    def _():
                        _wait_scatter(bn)
                        _gather(k + NBUF - 1, bn)

                    @pl.when(t < 1)
                    def _():
                        _gather(k + NBUF - 1, bn)
                else:
                    @pl.when(k + NBUF - 1 < CPT)
                    def _():
                        _wait_scatter(bn)
                        _gather(k + NBUF - 1, bn)
            return carry

        lax.fori_loop(0, CPT // NBUF, outer, 0)
        for b in range(NBUF):
            _wait_scatter(b)
        plsc.subcore_barrier()
        pltpu.sync_copy(acc.at[pl.ds(r0, RPT)],
                        out_hbm.at[cid].at[p].at[pl.ds(r0, RPT)])

        @pl.when(sid == 0)
        def _():
            pltpu.sync_copy(acc.at[pl.ds(NS * RPT, RREM)],
                            out_hbm.at[cid].at[p].at[pl.ds(NS * RPT, RREM)])


_agg_kernel = functools.partial(
    pl.kernel,
    out_type=jax.ShapeDtypeStruct((NC, 2, N, DH), jnp.float32),
    mesh=_sc_mesh,
    compiler_params=pltpu.CompilerParams(use_tc_tiling_on_sc=False),
    scratch_types=[
        pltpu.VMEM((EPT,), jnp.int32),
        pltpu.VMEM((CPT, CH), jnp.int32),
        pltpu.VMEM((NBUF, CH, DH), jnp.float32),
        pltpu.SemaphoreType.DMA((NBUF,)),
        pltpu.SemaphoreType.DMA((NBUF,)),
        pltpu.VMEM_SHARED((N, DH), jnp.float32),
    ],
)(_agg_body)


_RB = 1000


def _mm_body(x_ref, w_ref, hist_ref, shl_ref, shr_ref):
    deg = hist_ref[0, :, 0] + hist_ref[1, :, 0] - 1.0
    u = lax.rsqrt(deg)
    h = jnp.dot(x_ref[...], w_ref[...], preferred_element_type=jnp.float32)
    sh = h * u[:, None]
    shl_ref[...] = sh[:, :DH]
    shr_ref[...] = sh[:, DH:]


def _mm_call(x, w, hist):
    return pl.pallas_call(
        _mm_body,
        grid=(N // _RB,),
        in_specs=[
            pl.BlockSpec((_RB, D), lambda i: (i, 0)),
            pl.BlockSpec((D, D), lambda i: (0, 0)),
            pl.BlockSpec((NC, _RB, HW), lambda i: (0, i, 0)),
        ],
        out_specs=[
            pl.BlockSpec((_RB, DH), lambda i: (i, 0)),
            pl.BlockSpec((_RB, DH), lambda i: (i, 0)),
        ],
        out_shape=[
            jax.ShapeDtypeStruct((N, DH), jnp.float32),
            jax.ShapeDtypeStruct((N, DH), jnp.float32),
        ],
    )(x, w, hist)


def _fin_body(part_ref, shl_ref, shr_ref, hist_ref, b_ref, o_ref):
    deg = hist_ref[0, :, 0] + hist_ref[1, :, 0] - 1.0
    u = lax.rsqrt(deg)
    aggl = part_ref[0, 0] + part_ref[1, 0] - shl_ref[...]
    aggr = part_ref[0, 1] + part_ref[1, 1] - shr_ref[...]
    agg = jnp.concatenate([aggl, aggr], axis=-1)
    o_ref[...] = jnp.maximum(agg * u[:, None] + b_ref[...][None, :], 0.0)


def _fin_call(part, shl, shr, hist, b):
    return pl.pallas_call(
        _fin_body,
        grid=(N // _RB,),
        in_specs=[
            pl.BlockSpec((NC, 2, _RB, DH), lambda i: (0, 0, i, 0)),
            pl.BlockSpec((_RB, DH), lambda i: (i, 0)),
            pl.BlockSpec((_RB, DH), lambda i: (i, 0)),
            pl.BlockSpec((NC, _RB, HW), lambda i: (0, i, 0)),
            pl.BlockSpec((D,), lambda i: (0,)),
        ],
        out_specs=pl.BlockSpec((_RB, D), lambda i: (i, 0)),
        out_shape=jax.ShapeDtypeStruct((N, D), jnp.float32),
    )(part, shl, shr, hist, b)


def kernel(x, edge_index, W, b):
    src = edge_index[0]
    dst = edge_index[1].reshape(NW, CPT, CH)
    ones = jnp.ones((N, HW), dtype=jnp.float32)
    hist = _deg_kernel(dst, ones)
    shl, shr = _mm_call(x, W, hist)
    part = _agg_kernel(shl, shr, src, dst)
    return _fin_call(part, shl, shr, hist, b)

# --- scband reference (transcript-rebuilt; emitter-appended) ---
"""Pipeline reference for scband-gcnlayer-42657615184064 (READ-ONLY COPY).

The authoritative reference and input builder live on the scoring server;
editing this copy changes nothing except your own understanding.
"""

import jax, jax.numpy as jnp
import numpy as np

N_NODES = 10000
N_EDGES = 320000
D_IN = 128
D_OUT = 128


def setup_inputs(seed: int = 0) -> dict:
    key = jax.random.key(seed)
    k1, k2, k3 = jax.random.split(key, 3)
    x = jax.random.normal(k1, (N_NODES, D_IN), dtype=jnp.float32)
    edge_index = jax.random.randint(k2, (2, N_EDGES), 0, N_NODES, dtype=jnp.int32)
    # GCNConv learned params: weight [D_IN, D_OUT] (glorot-ish), bias [D_OUT] (zeros)
    W = jax.random.normal(k3, (D_IN, D_OUT), dtype=jnp.float32) * (1.0 / np.sqrt(D_IN))
    b = jnp.zeros((D_OUT,), dtype=jnp.float32)
    return {"x": x, "edge_index": edge_index, "W": W, "b": b}


def reference(x, edge_index, W, b):
    # Faithful GCNConv (Kipf & Welling) with default settings:
    # add self-loops, symmetric normalization, linear transform, scatter-add aggregation,
    # bias, then the module's F.relu.
    N = x.shape[0]
    src = edge_index[0]
    dst = edge_index[1]
    loop = jnp.arange(N, dtype=src.dtype)
    src = jnp.concatenate([src, loop], axis=0)
    dst = jnp.concatenate([dst, loop], axis=0)
    # degree computed on destination nodes with unit edge weights (incl. self-loops)
    deg = jax.ops.segment_sum(jnp.ones(src.shape[0], dtype=x.dtype), dst, num_segments=N)
    deg_inv_sqrt = jnp.where(deg > 0, jax.lax.rsqrt(jnp.maximum(deg, 1e-12)), 0.0)
    norm = deg_inv_sqrt[src] * deg_inv_sqrt[dst]
    h = x @ W
    msg = h[src] * norm[:, None]
    out = jax.ops.segment_sum(msg, dst, num_segments=N)
    out = out + b
    return jax.nn.relu(out)

if __name__ == "__main__":
    import jax
    _d = setup_inputs()
    print(jax.jit(kernel)(*tuple(_d.values())))

</pallas_src>

<mosaic_0001>
#map = affine_map<(d0, d1) -> (0, 0)>
#map1 = affine_map<(d0, d1) -> (0)>
#map2 = affine_map<(d0, d1) -> (0, 0, 0)>
#map3 = affine_map<(d0, d1) -> (0, 0, 0, 0)>
module attributes {stable_mosaic.version = 14 : i64} {
  func.func @_agg_body(%arg0: i32, %arg1: i32, %arg2: memref<10000x64xf32, #tpu.memory_space<hbm>>, %arg3: memref<10000x64xf32, #tpu.memory_space<hbm>>, %arg4: memref<320000xi32, #tpu.memory_space<hbm>>, %arg5: memref<32x125x80xi32, #tpu.memory_space<hbm>>, %arg6: memref<2x2x10000x64xf32, #tpu.memory_space<hbm>>, %arg7: memref<10000xi32, #tpu.memory_space<vmem>>, %arg8: memref<125x80xi32, #tpu.memory_space<vmem>>, %arg9: memref<5x80x64xf32, #tpu.memory_space<vmem>>, %arg10: memref<5x!tpu.dma_semaphore, #tpu.memory_space<semaphore_mem>>, %arg11: memref<5x!tpu.dma_semaphore, #tpu.memory_space<semaphore_mem>>, %arg12: memref<10000x64xf32, #tpu.memory_space<vmem_shared>>) attributes {dimension_semantics = [#tpu.dimension_semantics<core_parallel>, #tpu.dimension_semantics<subcore_parallel>], iteration_bounds = array<i64: 2, 16>, scalar_prefetch = 0 : i64, scratch_operands = 6 : i64, tpu.core_type = #tpu.core_type<sc_vector_subcore>, window_params = [{transform_indices = #map}, {transform_indices = #map}, {transform_indices = #map1}, {transform_indices = #map2}, {transform_indices = #map3}]} {
    %mul3A = arith.constant 2 : i32
    %mul3A_0 = arith.muli %arg1, %mul3A : i32
    %add3A = arith.addi %mul3A_0, %arg0 : i32
    %mul3A_1 = arith.constant 624 : i32
    %mul3A_2 = arith.muli %arg1, %mul3A_1 : i32
    %multiple_of3A = tpu.assume_multiple %mul3A_2, 8 : i32
    %mul3A_3 = arith.constant 10000 : i32
    %mul3A_4 = arith.muli %add3A, %mul3A_3 : i32
    %multiple_of3A_5 = tpu.assume_multiple %mul3A_4, 8 : i32
    "tpu.region"() ({
      %run_scoped3A_298 = tpu.sem_alloc : memref<!tpu.dma_semaphore, #tpu.memory_space<semaphore_mem>>
      %dma_start3A_299 = tpu.memref_slice %arg4[%multiple_of3A_5] : memref<320000xi32, #tpu.memory_space<hbm>> -> memref<10000xi32, #tpu.memory_space<hbm>>
      %dma_start3A_300 = tpu.memref_slice %arg4[%multiple_of3A_5] : memref<320000xi32, #tpu.memory_space<hbm>> -> memref<10000xi32, #tpu.memory_space<hbm>>
      tpu.enqueue_dma source(%dma_start3A_300 : memref<10000xi32, #tpu.memory_space<hbm>>) target(%arg7 : memref<10000xi32, #tpu.memory_space<vmem>>) target_semaphore(%run_scoped3A_298 : memref<!tpu.dma_semaphore, #tpu.memory_space<semaphore_mem>>)
      %dma_wait3A_301 = tpu.memref_slice %arg4[%multiple_of3A_5] : memref<320000xi32, #tpu.memory_space<hbm>> -> memref<10000xi32, #tpu.memory_space<hbm>>
      %dma_wait3A_302 = tpu.memref_slice %arg4[%multiple_of3A_5] : memref<320000xi32, #tpu.memory_space<hbm>> -> memref<10000xi32, #tpu.memory_space<hbm>>
      tpu.wait_dma2 semaphore(%run_scoped3A_298 : memref<!tpu.dma_semaphore, #tpu.memory_space<semaphore_mem>>) src(%dma_wait3A_302 : memref<10000xi32, #tpu.memory_space<hbm>>) dst(%arg7 : memref<10000xi32, #tpu.memory_space<vmem>>)
      tpu.yield
    }) : () -> ()
    "tpu.region"() ({
      %run_scoped3A_298 = tpu.sem_alloc : memref<!tpu.dma_semaphore, #tpu.memory_space<semaphore_mem>>
      %dma_start3A_299 = arith.constant 0 : i32
      %dma_start3A_300 = arith.constant 0 : i32
      %dma_start3A_301 = tpu.memref_slice %arg5[%add3A, %dma_start3A_299, %dma_start3A_300] : memref<32x125x80xi32, #tpu.memory_space<hbm>> -> memref<1x125x80xi32, #tpu.memory_space<hbm>>
      %dma_start3A_302 = tpu.memref_squeeze %dma_start3A_301 : memref<1x125x80xi32, #tpu.memory_space<hbm>> -> memref<125x80xi32, #tpu.memory_space<hbm>>
      %dma_start3A_303 = arith.constant 0 : i32
      %dma_start3A_304 = arith.constant 0 : i32
      %dma_start3A_305 = tpu.memref_slice %arg5[%add3A, %dma_start3A_303, %dma_start3A_304] : memref<32x125x80xi32, #tpu.memory_space<hbm>> -> memref<1x125x80xi32, #tpu.memory_space<hbm>>
      %dma_start3A_306 = tpu.memref_squeeze %dma_start3A_305 : memref<1x125x80xi32, #tpu.memory_space<hbm>> -> memref<125x80xi32, #tpu.memory_space<hbm>>
      tpu.enqueue_dma source(%dma_start3A_306 : memref<125x80xi32, #tpu.memory_space<hbm>>) target(%arg8 : memref<125x80xi32, #tpu.memory_space<vmem>>) target_semaphore(%run_scoped3A_298 : memref<!tpu.dma_semaphore, #tpu.memory_space<semaphore_mem>>)
      %dma_wait3A_307 = arith.constant 0 : i32
      %dma_wait3A_308 = arith.constant 0 : i32
      %dma_wait3A_309 = tpu.memref_slice %arg5[%add3A, %dma_wait3A_307, %dma_wait3A_308] : memref<32x125x80xi32, #tpu.memory_space<hbm>> -> memref<1x125x80xi32, #tpu.memory_space<hbm>>
      %dma_wait3A_310 = tpu.memref_squeeze %dma_wait3A_309 : memref<1x125x80xi32, #tpu.memory_space<hbm>> -> memref<125x80xi32, #tpu.memory_space<hbm>>
      %dma_wait3A_311 = arith.constant 0 : i32
      %dma_wait3A_312 = arith.constant 0 : i32
      %dma_wait3A_313 = tpu.memref_slice %arg5[%add3A, %dma_wait3A_311, %dma_wait3A_312] : memref<32x125x80xi32, #tpu.memory_space<hbm>> -> memref<1x125x80xi32, #tpu.memory_space<hbm>>
      %dma_wait3A_314 = tpu.memref_squeeze %dma_wait3A_313 : memref<1x125x80xi32, #tpu.memory_space<hbm>> -> memref<125x80xi32, #tpu.memory_space<hbm>>
      tpu.wait_dma2 semaphore(%run_scoped3A_298 : memref<!tpu.dma_semaphore, #tpu.memory_space<semaphore_mem>>) src(%dma_wait3A_314 : memref<125x80xi32, #tpu.memory_space<hbm>>) dst(%arg8 : memref<125x80xi32, #tpu.memory_space<vmem>>)
      tpu.yield
    }) : () -> ()
    "tpu.region"() ({
      %run_scoped3A_298 = tpu.sem_alloc : memref<!tpu.dma_semaphore, #tpu.memory_space<semaphore_mem>>
      %dma_start3A_299 = arith.constant 0 : i32
      %dma_start3A_300 = tpu.memref_slice %arg12[%multiple_of3A, %dma_start3A_299] : memref<10000x64xf32, #tpu.memory_space<vmem_shared>> -> memref<624x64xf32, #tpu.memory_space<vmem_shared>>
      %dma_start3A_301 = arith.constant 0 : i32
      %dma_start3A_302 = tpu.memref_slice %arg2[%multiple_of3A, %dma_start3A_301] : memref<10000x64xf32, #tpu.memory_space<hbm>> -> memref<624x64xf32, #tpu.memory_space<hbm>>
      tpu.enqueue_dma source(%dma_start3A_302 : memref<624x64xf32, #tpu.memory_space<hbm>>) target(%dma_start3A_300 : memref<624x64xf32, #tpu.memory_space<vmem_shared>>) target_semaphore(%run_scoped3A_298 : memref<!tpu.dma_semaphore, #tpu.memory_space<semaphore_mem>>)
      %dma_wait3A_303 = arith.constant 0 : i32
      %dma_wait3A_304 = tpu.memref_slice %arg12[%multiple_of3A, %dma_wait3A_303] : memref<10000x64xf32, #tpu.memory_space<vmem_shared>> -> memref<624x64xf32, #tpu.memory_space<vmem_shared>>
      %dma_wait3A_305 = arith.constant 0 : i32
      %dma_wait3A_306 = tpu.memref_slice %arg2[%multiple_of3A, %dma_wait3A_305] : memref<10000x64xf32, #tpu.memory_space<hbm>> -> memref<624x64xf32, #tpu.memory_space<hbm>>
      tpu.wait_dma2 semaphore(%run_scoped3A_298 : memref<!tpu.dma_semaphore, #tpu.memory_space<semaphore_mem>>) src(%dma_wait3A_306 : memref<624x64xf32, #tpu.memory_space<hbm>>) dst(%dma_wait3A_304 : memref<624x64xf32, #tpu.memory_space<vmem_shared>>)
      tpu.yield
    }) : () -> ()
    %eq3A = arith.constant 0 : i32
    %eq3A_6 = arith.cmpi eq, %arg1, %eq3A : i32
    %convert_element_type3A = arith.extui %eq3A_6 : i1 to i32
    %cond3A = arith.constant 0 : i32
    %cond3A_7 = arith.cmpi ne, %convert_element_type3A, %cond3A : i32
    scf.if %cond3A_7 {
      "tpu.region"() ({
        %run_scoped3A_298 = tpu.sem_alloc : memref<!tpu.dma_semaphore, #tpu.memory_space<semaphore_mem>>
        %dma_start3A_299 = arith.constant 9984 : i32
        %dma_start3A_300 = arith.constant 0 : i32
        %dma_start3A_301 = tpu.memref_slice %arg12[%dma_start3A_299, %dma_start3A_300] : memref<10000x64xf32, #tpu.memory_space<vmem_shared>> -> memref<16x64xf32, #tpu.memory_space<vmem_shared>>
        %dma_start3A_302 = arith.constant 9984 : i32
        %dma_start3A_303 = arith.constant 0 : i32
        %dma_start3A_304 = tpu.memref_slice %arg2[%dma_start3A_302, %dma_start3A_303] : memref<10000x64xf32, #tpu.memory_space<hbm>> -> memref<16x64xf32, #tpu.memory_space<hbm>>
        tpu.enqueue_dma source(%dma_start3A_304 : memref<16x64xf32, #tpu.memory_space<hbm>>) target(%dma_start3A_301 : memref<16x64xf32, #tpu.memory_space<vmem_shared>>) target_semaphore(%run_scoped3A_298 : memref<!tpu.dma_semaphore, #tpu.memory_space<semaphore_mem>>)
        %dma_wait3A_305 = arith.constant 9984 : i32
        %dma_wait3A_306 = arith.constant 0 : i32
        %dma_wait3A_307 = tpu.memref_slice %arg12[%dma_wait3A_305, %dma_wait3A_306] : memref<10000x64xf32, #tpu.memory_space<vmem_shared>> -> memref<16x64xf32, #tpu.memory_space<vmem_shared>>
        %dma_wait3A_308 = arith.constant 9984 : i32
        %dma_wait3A_309 = arith.constant 0 : i32
        %dma_wait3A_310 = tpu.memref_slice %arg2[%dma_wait3A_308, %dma_wait3A_309] : memref<10000x64xf32, #tpu.memory_space<hbm>> -> memref<16x64xf32, #tpu.memory_space<hbm>>
        tpu.wait_dma2 semaphore(%run_scoped3A_298 : memref<!tpu.dma_semaphore, #tpu.memory_space<semaphore_mem>>) src(%dma_wait3A_310 : memref<16x64xf32, #tpu.memory_space<hbm>>) dst(%dma_wait3A_307 : memref<16x64xf32, #tpu.memory_space<vmem_shared>>)
        tpu.yield
      }) : () -> ()
    } else {
    }
    %barrier3A = arith.constant 0 : index
    tpu.barrier barrier_id(%barrier3A)
    %multiple_of3A_8 = arith.constant 0 : i32
    %multiple_of3A_9 = tpu.assume_multiple %multiple_of3A_8, 8 : i32
    %dma_start3A = arith.constant 0 : i32
    %dma_start3A_10 = arith.constant 0 : i32
    %dma_start3A_11 = arith.constant 0 : i32
    %dma_start3A_12 = arith.constant 0 : i32
    %dma_start3A_13 = tpu.memref_slice %arg9[%dma_start3A, %dma_start3A_11, %dma_start3A_12] : memref<5x80x64xf32, #tpu.memory_space<vmem>> -> memref<1x80x64xf32, #tpu.memory_space<vmem>>
    %dma_start3A_14 = tpu.memref_squeeze %dma_start3A_13 : memref<1x80x64xf32, #tpu.memory_space<vmem>> -> memref<80x64xf32, #tpu.memory_space<vmem>>
    %dma_start3A_15 = tpu.memref_slice %arg7[%multiple_of3A_9] : memref<10000xi32, #tpu.memory_space<vmem>> -> memref<80xi32, #tpu.memory_space<vmem>>
    %dma_start3A_16 = arith.constant 0 : i32
    %dma_start3A_17 = arith.constant 0 : i32
    %dma_start3A_18 = tpu.memref_slice %arg2[%dma_start3A_16, %dma_start3A_17] : memref<10000x64xf32, #tpu.memory_space<hbm>> -> memref<10000x64xf32, #tpu.memory_space<hbm>>
    %dma_start3A_19 = tpu.memref_slice %arg10[%dma_start3A_10] : memref<5x!tpu.dma_semaphore, #tpu.memory_space<semaphore_mem>> -> memref<1x!tpu.dma_semaphore, #tpu.memory_space<semaphore_mem>>
    %dma_start3A_20 = tpu.memref_squeeze %dma_start3A_19 : memref<1x!tpu.dma_semaphore, #tpu.memory_space<semaphore_mem>> -> memref<!tpu.dma_semaphore, #tpu.memory_space<semaphore_mem>>
    tpu.enqueue_indirect_dma source(%dma_start3A_18 : memref<10000x64xf32, #tpu.memory_space<hbm>>) target(%dma_start3A_14 : memref<80x64xf32, #tpu.memory_space<vmem>>) offsets(%dma_start3A_15 : memref<80xi32, #tpu.memory_space<vmem>>) semaphore(%dma_start3A_20 : memref<!tpu.dma_semaphore, #tpu.memory_space<semaphore_mem>>)
    %multiple_of3A_21 = arith.constant 80 : i32
    %multiple_of3A_22 = tpu.assume_multiple %multiple_of3A_21, 8 : i32
    %dma_start3A_23 = arith.constant 1 : i32
    %dma_start3A_24 = arith.constant 1 : i32
    %dma_start3A_25 = arith.constant 0 : i32
    %dma_start3A_26 = arith.constant 0 : i32
    %dma_start3A_27 = tpu.memref_slice %arg9[%dma_start3A_23, %dma_start3A_25, %dma_start3A_26] : memref<5x80x64xf32, #tpu.memory_space<vmem>> -> memref<1x80x64xf32, #tpu.memory_space<vmem>>
    %dma_start3A_28 = tpu.memref_squeeze %dma_start3A_27 : memref<1x80x64xf32, #tpu.memory_space<vmem>> -> memref<80x64xf32, #tpu.memory_space<vmem>>
    %dma_start3A_29 = tpu.memref_slice %arg7[%multiple_of3A_22] : memref<10000xi32, #tpu.memory_space<vmem>> -> memref<80xi32, #tpu.memory_space<vmem>>
    %dma_start3A_30 = arith.constant 0 : i32
    %dma_start3A_31 = arith.constant 0 : i32
    %dma_start3A_32 = tpu.memref_slice %arg2[%dma_start3A_30, %dma_start3A_31] : memref<10000x64xf32, #tpu.memory_space<hbm>> -> memref<10000x64xf32, #tpu.memory_space<hbm>>
    %dma_start3A_33 = tpu.memref_slice %arg10[%dma_start3A_24] : memref<5x!tpu.dma_semaphore, #tpu.memory_space<semaphore_mem>> -> memref<1x!tpu.dma_semaphore, #tpu.memory_space<semaphore_mem>>
    %dma_start3A_34 = tpu.memref_squeeze %dma_start3A_33 : memref<1x!tpu.dma_semaphore, #tpu.memory_space<semaphore_mem>> -> memref<!tpu.dma_semaphore, #tpu.memory_space<semaphore_mem>>
    tpu.enqueue_indirect_dma source(%dma_start3A_32 : memref<10000x64xf32, #tpu.memory_space<hbm>>) target(%dma_start3A_28 : memref<80x64xf32, #tpu.memory_space<vmem>>) offsets(%dma_start3A_29 : memref<80xi32, #tpu.memory_space<vmem>>) semaphore(%dma_start3A_34 : memref<!tpu.dma_semaphore, #tpu.memory_space<semaphore_mem>>)
    %multiple_of3A_35 = arith.constant 160 : i32
    %multiple_of3A_36 = tpu.assume_multiple %multiple_of3A_35, 8 : i32
    %dma_start3A_37 = arith.constant 2 : i32
    %dma_start3A_38 = arith.constant 2 : i32
    %dma_start3A_39 = arith.constant 0 : i32
    %dma_start3A_40 = arith.constant 0 : i32
    %dma_start3A_41 = tpu.memref_slice %arg9[%dma_start3A_37, %dma_start3A_39, %dma_start3A_40] : memref<5x80x64xf32, #tpu.memory_space<vmem>> -> memref<1x80x64xf32, #tpu.memory_space<vmem>>
    %dma_start3A_42 = tpu.memref_squeeze %dma_start3A_41 : memref<1x80x64xf32, #tpu.memory_space<vmem>> -> memref<80x64xf32, #tpu.memory_space<vmem>>
    %dma_start3A_43 = tpu.memref_slice %arg7[%multiple_of3A_36] : memref<10000xi32, #tpu.memory_space<vmem>> -> memref<80xi32, #tpu.memory_space<vmem>>
    %dma_start3A_44 = arith.constant 0 : i32
    %dma_start3A_45 = arith.constant 0 : i32
    %dma_start3A_46 = tpu.memref_slice %arg2[%dma_start3A_44, %dma_start3A_45] : memref<10000x64xf32, #tpu.memory_space<hbm>> -> memref<10000x64xf32, #tpu.memory_space<hbm>>
    %dma_start3A_47 = tpu.memref_slice %arg10[%dma_start3A_38] : memref<5x!tpu.dma_semaphore, #tpu.memory_space<semaphore_mem>> -> memref<1x!tpu.dma_semaphore, #tpu.memory_space<semaphore_mem>>
    %dma_start3A_48 = tpu.memref_squeeze %dma_start3A_47 : memref<1x!tpu.dma_semaphore, #tpu.memory_space<semaphore_mem>> -> memref<!tpu.dma_semaphore, #tpu.memory_space<semaphore_mem>>
    tpu.enqueue_indirect_dma source(%dma_start3A_46 : memref<10000x64xf32, #tpu.memory_space<hbm>>) target(%dma_start3A_42 : memref<80x64xf32, #tpu.memory_space<vmem>>) offsets(%dma_start3A_43 : memref<80xi32, #tpu.memory_space<vmem>>) semaphore(%dma_start3A_48 : memref<!tpu.dma_semaphore, #tpu.memory_space<semaphore_mem>>)
    %multiple_of3A_49 = arith.constant 240 : i32
    %multiple_of3A_50 = tpu.assume_multiple %multiple_of3A_49, 8 : i32
    %dma_start3A_51 = arith.constant 3 : i32
    %dma_start3A_52 = arith.constant 3 : i32
    %dma_start3A_53 = arith.constant 0 : i32
    %dma_start3A_54 = arith.constant 0 : i32
    %dma_start3A_55 = tpu.memref_slice %arg9[%dma_start3A_51, %dma_start3A_53, %dma_start3A_54] : memref<5x80x64xf32, #tpu.memory_space<vmem>> -> memref<1x80x64xf32, #tpu.memory_space<vmem>>
    %dma_start3A_56 = tpu.memref_squeeze %dma_start3A_55 : memref<1x80x64xf32, #tpu.memory_space<vmem>> -> memref<80x64xf32, #tpu.memory_space<vmem>>
    %dma_start3A_57 = tpu.memref_slice %arg7[%multiple_of3A_50] : memref<10000xi32, #tpu.memory_space<vmem>> -> memref<80xi32, #tpu.memory_space<vmem>>
    %dma_start3A_58 = arith.constant 0 : i32
    %dma_start3A_59 = arith.constant 0 : i32
    %dma_start3A_60 = tpu.memref_slice %arg2[%dma_start3A_58, %dma_start3A_59] : memref<10000x64xf32, #tpu.memory_space<hbm>> -> memref<10000x64xf32, #tpu.memory_space<hbm>>
    %dma_start3A_61 = tpu.memref_slice %arg10[%dma_start3A_52] : memref<5x!tpu.dma_semaphore, #tpu.memory_space<semaphore_mem>> -> memref<1x!tpu.dma_semaphore, #tpu.memory_space<semaphore_mem>>
    %dma_start3A_62 = tpu.memref_squeeze %dma_start3A_61 : memref<1x!tpu.dma_semaphore, #tpu.memory_space<semaphore_mem>> -> memref<!tpu.dma_semaphore, #tpu.memory_space<semaphore_mem>>
    tpu.enqueue_indirect_dma source(%dma_start3A_60 : memref<10000x64xf32, #tpu.memory_space<hbm>>) target(%dma_start3A_56 : memref<80x64xf32, #tpu.memory_space<vmem>>) offsets(%dma_start3A_57 : memref<80xi32, #tpu.memory_space<vmem>>) semaphore(%dma_start3A_62 : memref<!tpu.dma_semaphore, #tpu.memory_space<semaphore_mem>>)
    %scan3A = arith.constant 0 : i32
    %scan3A_63 = arith.constant 0 : i32
    %scan3A_64 = arith.constant 25 : i32
    %scan3A_65 = arith.addi %scan3A_63, %scan3A_64 : i32
    %scan3A_66 = arith.constant 1 : i32
    scf.for %scan3A_298 = %scan3A_63 to %scan3A_65 step %scan3A_66  : i32 {
      %mul3A_299 = arith.constant 5 : i32
      %mul3A_300 = arith.muli %mul3A_299, %scan3A_298 : i32
      %add3A_301 = arith.constant 0 : i32
      %add3A_302 = arith.addi %mul3A_300, %add3A_301 : i32
      %dma_wait3A_303 = arith.constant 0 : i32
      %dma_wait3A_304 = arith.constant 0 : i32
      %dma_wait3A_305 = arith.constant 0 : i32
      %dma_wait3A_306 = arith.constant 0 : i32
      %dma_wait3A_307 = tpu.memref_slice %arg9[%dma_wait3A_303, %dma_wait3A_305, %dma_wait3A_306] : memref<5x80x64xf32, #tpu.memory_space<vmem>> -> memref<1x80x64xf32, #tpu.memory_space<vmem>>
      %dma_wait3A_308 = tpu.memref_squeeze %dma_wait3A_307 : memref<1x80x64xf32, #tpu.memory_space<vmem>> -> memref<80x64xf32, #tpu.memory_space<vmem>>
      %dma_wait3A_309 = arith.constant 0 : i32
      %dma_wait3A_310 = tpu.memref_slice %arg7[%dma_wait3A_309] : memref<10000xi32, #tpu.memory_space<vmem>> -> memref<80xi32, #tpu.memory_space<vmem>>
      %dma_wait3A_311 = arith.constant 0 : i32
      %dma_wait3A_312 = arith.constant 0 : i32
      %dma_wait3A_313 = tpu.memref_slice %arg2[%dma_wait3A_311, %dma_wait3A_312] : memref<10000x64xf32, #tpu.memory_space<hbm>> -> memref<10000x64xf32, #tpu.memory_space<hbm>>
      %dma_wait3A_314 = tpu.memref_slice %arg10[%dma_wait3A_304] : memref<5x!tpu.dma_semaphore, #tpu.memory_space<semaphore_mem>> -> memref<1x!tpu.dma_semaphore, #tpu.memory_space<semaphore_mem>>
      %dma_wait3A_315 = tpu.memref_squeeze %dma_wait3A_314 : memref<1x!tpu.dma_semaphore, #tpu.memory_space<semaphore_mem>> -> memref<!tpu.dma_semaphore, #tpu.memory_space<semaphore_mem>>
      tpu.wait_indirect_dma semaphore(%dma_wait3A_315 : memref<!tpu.dma_semaphore, #tpu.memory_space<semaphore_mem>>) src(%dma_wait3A_313 : memref<10000x64xf32, #tpu.memory_space<hbm>>) dst(%dma_wait3A_308 : memref<80x64xf32, #tpu.memory_space<vmem>>)
      %dma_start3A_316 = arith.constant 0 : i32
      %dma_start3A_317 = arith.constant 0 : i32
      %dma_start3A_318 = arith.constant 0 : i32
      %dma_start3A_319 = arith.constant 0 : i32
      %dma_start3A_320 = tpu.memref_slice %arg9[%dma_start3A_316, %dma_start3A_318, %dma_start3A_319] : memref<5x80x64xf32, #tpu.memory_space<vmem>> -> memref<1x80x64xf32, #tpu.memory_space<vmem>>
      %dma_start3A_321 = tpu.memref_squeeze %dma_start3A_320 : memref<1x80x64xf32, #tpu.memory_space<vmem>> -> memref<80x64xf32, #tpu.memory_space<vmem>>
      %dma_start3A_322 = arith.constant 0 : i32
      %dma_start3A_323 = tpu.memref_slice %arg8[%add3A_302, %dma_start3A_322] : memref<125x80xi32, #tpu.memory_space<vmem>> -> memref<1x80xi32, #tpu.memory_space<vmem>>
      %dma_start3A_324 = tpu.memref_squeeze %dma_start3A_323 : memref<1x80xi32, #tpu.memory_space<vmem>> -> memref<80xi32, #tpu.memory_space<vmem>>
      %dma_start3A_325 = arith.constant 0 : i32
      %dma_start3A_326 = arith.constant 0 : i32
      %dma_start3A_327 = tpu.memref_slice %arg12[%dma_start3A_325, %dma_start3A_326] : memref<10000x64xf32, #tpu.memory_space<vmem_shared>> -> memref<10000x64xf32, #tpu.memory_space<vmem_shared>>
      %dma_start3A_328 = tpu.memref_slice %arg11[%dma_start3A_317] : memref<5x!tpu.dma_semaphore, #tpu.memory_space<semaphore_mem>> -> memref<1x!tpu.dma_semaphore, #tpu.memory_space<semaphore_mem>>
      %dma_start3A_329 = tpu.memref_squeeze %dma_start3A_328 : memref<1x!tpu.dma_semaphore, #tpu.memory_space<semaphore_mem>> -> memref<!tpu.dma_semaphore, #tpu.memory_space<semaphore_mem>>
      tpu.enqueue_indirect_dma source(%dma_start3A_321 : memref<80x64xf32, #tpu.memory_space<vmem>>) target(%dma_start3A_327 : memref<10000x64xf32, #tpu.memory_space<vmem_shared>>) offsets(%dma_start3A_324 : memref<80xi32, #tpu.memory_space<vmem>>) semaphore(%dma_start3A_329 : memref<!tpu.dma_semaphore, #tpu.memory_space<semaphore_mem>>) {add = true}
      %ge3A = arith.constant 1 : i32
      %ge3A_330 = arith.cmpi sge, %scan3A_298, %ge3A : i32
      %convert_element_type3A_331 = arith.extui %ge3A_330 : i1 to i32
      %cond3A_332 = arith.constant 0 : i32
      %cond3A_333 = arith.cmpi ne, %convert_element_type3A_331, %cond3A_332 : i32
      scf.if %cond3A_333 {
        %dma_wait3A_489 = arith.constant 4 : i32
        %dma_wait3A_490 = arith.constant 0 : i32
        %dma_wait3A_491 = arith.constant 4 : i32
        %dma_wait3A_492 = arith.constant 0 : i32
        %dma_wait3A_493 = arith.constant 0 : i32
        %dma_wait3A_494 = tpu.memref_slice %arg9[%dma_wait3A_489, %dma_wait3A_492, %dma_wait3A_493] : memref<5x80x64xf32, #tpu.memory_space<vmem>> -> memref<1x80x64xf32, #tpu.memory_space<vmem>>
        %dma_wait3A_495 = tpu.memref_squeeze %dma_wait3A_494 : memref<1x80x64xf32, #tpu.memory_space<vmem>> -> memref<80x64xf32, #tpu.memory_space<vmem>>
        %dma_wait3A_496 = arith.constant 0 : i32
        %dma_wait3A_497 = tpu.memref_slice %arg8[%dma_wait3A_490, %dma_wait3A_496] : memref<125x80xi32, #tpu.memory_space<vmem>> -> memref<1x80xi32, #tpu.memory_space<vmem>>
        %dma_wait3A_498 = tpu.memref_squeeze %dma_wait3A_497 : memref<1x80xi32, #tpu.memory_space<vmem>> -> memref<80xi32, #tpu.memory_space<vmem>>
        %dma_wait3A_499 = arith.constant 0 : i32
        %dma_wait3A_500 = arith.constant 0 : i32
        %dma_wait3A_501 = tpu.memref_slice %arg12[%dma_wait3A_499, %dma_wait3A_500] : memref<10000x64xf32, #tpu.memory_space<vmem_shared>> -> memref<10000x64xf32, #tpu.memory_space<vmem_shared>>
        %dma_wait3A_502 = tpu.memref_slice %arg11[%dma_wait3A_491] : memref<5x!tpu.dma_semaphore, #tpu.memory_space<semaphore_mem>> -> memref<1x!tpu.dma_semaphore, #tpu.memory_space<semaphore_mem>>
        %dma_wait3A_503 = tpu.memref_squeeze %dma_wait3A_502 : memref<1x!tpu.dma_semaphore, #tpu.memory_space<semaphore_mem>> -> memref<!tpu.dma_semaphore, #tpu.memory_space<semaphore_mem>>
        tpu.wait_indirect_dma semaphore(%dma_wait3A_503 : memref<!tpu.dma_semaphore, #tpu.memory_space<semaphore_mem>>) src(%dma_wait3A_495 : memref<80x64xf32, #tpu.memory_space<vmem>>) dst(%dma_wait3A_501 : memref<10000x64xf32, #tpu.memory_space<vmem_shared>>)
        %add3A_504 = arith.constant 5 : i32
        %add3A_505 = arith.addi %add3A_302, %add3A_504 : i32
        %sub3A_506 = arith.constant 1 : i32
        %sub3A_507 = arith.subi %add3A_505, %sub3A_506 : i32
        %mul3A_508 = arith.constant 80 : i32
        %mul3A_509 = arith.muli %sub3A_507, %mul3A_508 : i32
        %multiple_of3A_510 = tpu.assume_multiple %mul3A_509, 8 : i32
        %dma_start3A_511 = arith.constant 4 : i32
        %dma_start3A_512 = arith.constant 4 : i32
        %dma_start3A_513 = arith.constant 0 : i32
        %dma_start3A_514 = arith.constant 0 : i32
        %dma_start3A_515 = tpu.memref_slice %arg9[%dma_start3A_511, %dma_start3A_513, %dma_start3A_514] : memref<5x80x64xf32, #tpu.memory_space<vmem>> -> memref<1x80x64xf32, #tpu.memory_space<vmem>>
        %dma_start3A_516 = tpu.memref_squeeze %dma_start3A_515 : memref<1x80x64xf32, #tpu.memory_space<vmem>> -> memref<80x64xf32, #tpu.memory_space<vmem>>
        %dma_start3A_517 = tpu.memref_slice %arg7[%multiple_of3A_510] : memref<10000xi32, #tpu.memory_space<vmem>> -> memref<80xi32, #tpu.memory_space<vmem>>
        %dma_start3A_518 = arith.constant 0 : i32
        %dma_start3A_519 = arith.constant 0 : i32
        %dma_start3A_520 = tpu.memref_slice %arg2[%dma_start3A_518, %dma_start3A_519] : memref<10000x64xf32, #tpu.memory_space<hbm>> -> memref<10000x64xf32, #tpu.memory_space<hbm>>
        %dma_start3A_521 = tpu.memref_slice %arg10[%dma_start3A_512] : memref<5x!tpu.dma_semaphore, #tpu.memory_space<semaphore_mem>> -> memref<1x!tpu.dma_semaphore, #tpu.memory_space<semaphore_mem>>
        %dma_start3A_522 = tpu.memref_squeeze %dma_start3A_521 : memref<1x!tpu.dma_semaphore, #tpu.memory_space<semaphore_mem>> -> memref<!tpu.dma_semaphore, #tpu.memory_space<semaphore_mem>>
        tpu.enqueue_indirect_dma source(%dma_start3A_520 : memref<10000x64xf32, #tpu.memory_space<hbm>>) target(%dma_start3A_516 : memref<80x64xf32, #tpu.memory_space<vmem>>) offsets(%dma_start3A_517 : memref<80xi32, #tpu.memory_space<vmem>>) semaphore(%dma_start3A_522 : memref<!tpu.dma_semaphore, #tpu.memory_space<semaphore_mem>>)
      } else {
      }
      %lt3A = arith.constant 1 : i32
      %lt3A_334 = arith.cmpi slt, %scan3A_298, %lt3A : i32
      %convert_element_type3A_335 = arith.extui %lt3A_334 : i1 to i32
      %cond3A_336 = arith.constant 0 : i32
      %cond3A_337 = arith.cmpi ne, %convert_element_type3A_335, %cond3A_336 : i32
      scf.if %cond3A_337 {
        %add3A_489 = arith.constant 5 : i32
        %add3A_490 = arith.addi %add3A_302, %add3A_489 : i32
        %sub3A_491 = arith.constant 1 : i32
        %sub3A_492 = arith.subi %add3A_490, %sub3A_491 : i32
        %mul3A_493 = arith.constant 80 : i32
        %mul3A_494 = arith.muli %sub3A_492, %mul3A_493 : i32
        %multiple_of3A_495 = tpu.assume_multiple %mul3A_494, 8 : i32
        %dma_start3A_496 = arith.constant 4 : i32
        %dma_start3A_497 = arith.constant 4 : i32
        %dma_start3A_498 = arith.constant 0 : i32
        %dma_start3A_499 = arith.constant 0 : i32
        %dma_start3A_500 = tpu.memref_slice %arg9[%dma_start3A_496, %dma_start3A_498, %dma_start3A_499] : memref<5x80x64xf32, #tpu.memory_space<vmem>> -> memref<1x80x64xf32, #tpu.memory_space<vmem>>
        %dma_start3A_501 = tpu.memref_squeeze %dma_start3A_500 : memref<1x80x64xf32, #tpu.memory_space<vmem>> -> memref<80x64xf32, #tpu.memory_space<vmem>>
        %dma_start3A_502 = tpu.memref_slice %arg7[%multiple_of3A_495] : memref<10000xi32, #tpu.memory_space<vmem>> -> memref<80xi32, #tpu.memory_space<vmem>>
        %dma_start3A_503 = arith.constant 0 : i32
        %dma_start3A_504 = arith.constant 0 : i32
        %dma_start3A_505 = tpu.memref_slice %arg2[%dma_start3A_503, %dma_start3A_504] : memref<10000x64xf32, #tpu.memory_space<hbm>> -> memref<10000x64xf32, #tpu.memory_space<hbm>>
        %dma_start3A_506 = tpu.memref_slice %arg10[%dma_start3A_497] : memref<5x!tpu.dma_semaphore, #tpu.memory_space<semaphore_mem>> -> memref<1x!tpu.dma_semaphore, #tpu.memory_space<semaphore_mem>>
        %dma_start3A_507 = tpu.memref_squeeze %dma_start3A_506 : memref<1x!tpu.dma_semaphore, #tpu.memory_space<semaphore_mem>> -> memref<!tpu.dma_semaphore, #tpu.memory_space<semaphore_mem>>
        tpu.enqueue_indirect_dma source(%dma_start3A_505 : memref<10000x64xf32, #tpu.memory_space<hbm>>) target(%dma_start3A_501 : memref<80x64xf32, #tpu.memory_space<vmem>>) offsets(%dma_start3A_502 : memref<80xi32, #tpu.memory_space<vmem>>) semaphore(%dma_start3A_507 : memref<!tpu.dma_semaphore, #tpu.memory_space<semaphore_mem>>)
      } else {
      }
      %add3A_338 = arith.constant 1 : i32
      %add3A_339 = arith.addi %mul3A_300, %add3A_338 : i32
      %dma_wait3A_340 = arith.constant 1 : i32
      %dma_wait3A_341 = arith.constant 1 : i32
      %dma_wait3A_342 = arith.constant 0 : i32
      %dma_wait3A_343 = arith.constant 0 : i32
      %dma_wait3A_344 = tpu.memref_slice %arg9[%dma_wait3A_340, %dma_wait3A_342, %dma_wait3A_343] : memref<5x80x64xf32, #tpu.memory_space<vmem>> -> memref<1x80x64xf32, #tpu.memory_space<vmem>>
      %dma_wait3A_345 = tpu.memref_squeeze %dma_wait3A_344 : memref<1x80x64xf32, #tpu.memory_space<vmem>> -> memref<80x64xf32, #tpu.memory_space<vmem>>
      %dma_wait3A_346 = arith.constant 0 : i32
      %dma_wait3A_347 = tpu.memref_slice %arg7[%dma_wait3A_346] : memref<10000xi32, #tpu.memory_space<vmem>> -> memref<80xi32, #tpu.memory_space<vmem>>
      %dma_wait3A_348 = arith.constant 0 : i32
      %dma_wait3A_349 = arith.constant 0 : i32
      %dma_wait3A_350 = tpu.memref_slice %arg2[%dma_wait3A_348, %dma_wait3A_349] : memref<10000x64xf32, #tpu.memory_space<hbm>> -> memref<10000x64xf32, #tpu.memory_space<hbm>>
      %dma_wait3A_351 = tpu.memref_slice %arg10[%dma_wait3A_341] : memref<5x!tpu.dma_semaphore, #tpu.memory_space<semaphore_mem>> -> memref<1x!tpu.dma_semaphore, #tpu.memory_space<semaphore_mem>>
      %dma_wait3A_352 = tpu.memref_squeeze %dma_wait3A_351 : memref<1x!tpu.dma_semaphore, #tpu.memory_space<semaphore_mem>> -> memref<!tpu.dma_semaphore, #tpu.memory_space<semaphore_mem>>
      tpu.wait_indirect_dma semaphore(%dma_wait3A_352 : memref<!tpu.dma_semaphore, #tpu.memory_space<semaphore_mem>>) src(%dma_wait3A_350 : memref<10000x64xf32, #tpu.memory_space<hbm>>) dst(%dma_wait3A_345 : memref<80x64xf32, #tpu.memory_space<vmem>>)
      %dma_start3A_353 = arith.constant 1 : i32
      %dma_start3A_354 = arith.constant 1 : i32
      %dma_start3A_355 = arith.constant 0 : i32
      %dma_start3A_356 = arith.constant 0 : i32
      %dma_start3A_357 = tpu.memref_slice %arg9[%dma_start3A_353, %dma_start3A_355, %dma_start3A_356] : memref<5x80x64xf32, #tpu.memory_space<vmem>> -> memref<1x80x64xf32, #tpu.memory_space<vmem>>
      %dma_start3A_358 = tpu.memref_squeeze %dma_start3A_357 : memref<1x80x64xf32, #tpu.memory_space<vmem>> -> memref<80x64xf32, #tpu.memory_space<vmem>>
      %dma_start3A_359 = arith.constant 0 : i32
      %dma_start3A_360 = tpu.memref_slice %arg8[%add3A_339, %dma_start3A_359] : memref<125x80xi32, #tpu.memory_space<vmem>> -> memref<1x80xi32, #tpu.memory_space<vmem>>
      %dma_start3A_361 = tpu.memref_squeeze %dma_start3A_360 : memref<1x80xi32, #tpu.memory_space<vmem>> -> memref<80xi32, #tpu.memory_space<vmem>>
      %dma_start3A_362 = arith.constant 0 : i32
      %dma_start3A_363 = arith.constant 0 : i32
      %dma_start3A_364 = tpu.memref_slice %arg12[%dma_start3A_362, %dma_start3A_363] : memref<10000x64xf32, #tpu.memory_space<vmem_shared>> -> memref<10000x64xf32, #tpu.memory_space<vmem_shared>>
      %dma_start3A_365 = tpu.memref_slice %arg11[%dma_start3A_354] : memref<5x!tpu.dma_semaphore, #tpu.memory_space<semaphore_mem>> -> memref<1x!tpu.dma_semaphore, #tpu.memory_space<semaphore_mem>>
      %dma_start3A_366 = tpu.memref_squeeze %dma_start3A_365 : memref<1x!tpu.dma_semaphore, #tpu.memory_space<semaphore_mem>> -> memref<!tpu.dma_semaphore, #tpu.memory_space<semaphore_mem>>
      tpu.enqueue_indirect_dma source(%dma_start3A_358 : memref<80x64xf32, #tpu.memory_space<vmem>>) target(%dma_start3A_364 : memref<10000x64xf32, #tpu.memory_space<vmem_shared>>) offsets(%dma_start3A_361 : memref<80xi32, #tpu.memory_space<vmem>>) semaphore(%dma_start3A_366 : memref<!tpu.dma_semaphore, #tpu.memory_space<semaphore_mem>>) {add = true}
      %add3A_367 = arith.constant 5 : i32
      %add3A_368 = arith.addi %add3A_339, %add3A_367 : i32
      %sub3A = arith.constant 1 : i32
      %sub3A_369 = arith.subi %add3A_368, %sub3A : i32
      %lt3A_370 = arith.constant 125 : i32
      %lt3A_371 = arith.cmpi slt, %sub3A_369, %lt3A_370 : i32
      %convert_element_type3A_372 = arith.extui %lt3A_371 : i1 to i32
      %cond3A_373 = arith.constant 0 : i32
      %cond3A_374 = arith.cmpi ne, %convert_element_type3A_372, %cond3A_373 : i32
      scf.if %cond3A_374 {
        %dma_wait3A_489 = arith.constant 0 : i32
        %dma_wait3A_490 = arith.constant 0 : i32
        %dma_wait3A_491 = arith.constant 0 : i32
        %dma_wait3A_492 = arith.constant 0 : i32
        %dma_wait3A_493 = arith.constant 0 : i32
        %dma_wait3A_494 = tpu.memref_slice %arg9[%dma_wait3A_489, %dma_wait3A_492, %dma_wait3A_493] : memref<5x80x64xf32, #tpu.memory_space<vmem>> -> memref<1x80x64xf32, #tpu.memory_space<vmem>>
        %dma_wait3A_495 = tpu.memref_squeeze %dma_wait3A_494 : memref<1x80x64xf32, #tpu.memory_space<vmem>> -> memref<80x64xf32, #tpu.memory_space<vmem>>
        %dma_wait3A_496 = arith.constant 0 : i32
        %dma_wait3A_497 = tpu.memref_slice %arg8[%dma_wait3A_490, %dma_wait3A_496] : memref<125x80xi32, #tpu.memory_space<vmem>> -> memref<1x80xi32, #tpu.memory_space<vmem>>
        %dma_wait3A_498 = tpu.memref_squeeze %dma_wait3A_497 : memref<1x80xi32, #tpu.memory_space<vmem>> -> memref<80xi32, #tpu.memory_space<vmem>>
        %dma_wait3A_499 = arith.constant 0 : i32
        %dma_wait3A_500 = arith.constant 0 : i32
        %dma_wait3A_501 = tpu.memref_slice %arg12[%dma_wait3A_499, %dma_wait3A_500] : memref<10000x64xf32, #tpu.memory_space<vmem_shared>> -> memref<10000x64xf32, #tpu.memory_space<vmem_shared>>
        %dma_wait3A_502 = tpu.memref_slice %arg11[%dma_wait3A_491] : memref<5x!tpu.dma_semaphore, #tpu.memory_space<semaphore_mem>> -> memref<1x!tpu.dma_semaphore, #tpu.memory_space<semaphore_mem>>
        %dma_wait3A_503 = tpu.memref_squeeze %dma_wait3A_502 : memref<1x!tpu.dma_semaphore, #tpu.memory_space<semaphore_mem>> -> memref<!tpu.dma_semaphore, #tpu.memory_space<semaphore_mem>>
        tpu.wait_indirect_dma semaphore(%dma_wait3A_503 : memref<!tpu.dma_semaphore, #tpu.memory_space<semaphore_mem>>) src(%dma_wait3A_495 : memref<80x64xf32, #tpu.memory_space<vmem>>) dst(%dma_wait3A_501 : memref<10000x64xf32, #tpu.memory_space<vmem_shared>>)
        %add3A_504 = arith.constant 5 : i32
        %add3A_505 = arith.addi %add3A_339, %add3A_504 : i32
        %sub3A_506 = arith.constant 1 : i32
        %sub3A_507 = arith.subi %add3A_505, %sub3A_506 : i32
        %mul3A_508 = arith.constant 80 : i32
        %mul3A_509 = arith.muli %sub3A_507, %mul3A_508 : i32
        %multiple_of3A_510 = tpu.assume_multiple %mul3A_509, 8 : i32
        %dma_start3A_511 = arith.constant 0 : i32
        %dma_start3A_512 = arith.constant 0 : i32
        %dma_start3A_513 = arith.constant 0 : i32
        %dma_start3A_514 = arith.constant 0 : i32
        %dma_start3A_515 = tpu.memref_slice %arg9[%dma_start3A_511, %dma_start3A_513, %dma_start3A_514] : memref<5x80x64xf32, #tpu.memory_space<vmem>> -> memref<1x80x64xf32, #tpu.memory_space<vmem>>
        %dma_start3A_516 = tpu.memref_squeeze %dma_start3A_515 : memref<1x80x64xf32, #tpu.memory_space<vmem>> -> memref<80x64xf32, #tpu.memory_space<vmem>>
        %dma_start3A_517 = tpu.memref_slice %arg7[%multiple_of3A_510] : memref<10000xi32, #tpu.memory_space<vmem>> -> memref<80xi32, #tpu.memory_space<vmem>>
        %dma_start3A_518 = arith.constant 0 : i32
        %dma_start3A_519 = arith.constant 0 : i32
        %dma_start3A_520 = tpu.memref_slice %arg2[%dma_start3A_518, %dma_start3A_519] : memref<10000x64xf32, #tpu.memory_space<hbm>> -> memref<10000x64xf32, #tpu.memory_space<hbm>>
        %dma_start3A_521 = tpu.memref_slice %arg10[%dma_start3A_512] : memref<5x!tpu.dma_semaphore, #tpu.memory_space<semaphore_mem>> -> memref<1x!tpu.dma_semaphore, #tpu.memory_space<semaphore_mem>>
        %dma_start3A_522 = tpu.memref_squeeze %dma_start3A_521 : memref<1x!tpu.dma_semaphore, #tpu.memory_space<semaphore_mem>> -> memref<!tpu.dma_semaphore, #tpu.memory_space<semaphore_mem>>
        tpu.enqueue_indirect_dma source(%dma_start3A_520 : memref<10000x64xf32, #tpu.memory_space<hbm>>) target(%dma_start3A_516 : memref<80x64xf32, #tpu.memory_space<vmem>>) offsets(%dma_start3A_517 : memref<80xi32, #tpu.memory_space<vmem>>) semaphore(%dma_start3A_522 : memref<!tpu.dma_semaphore, #tpu.memory_space<semaphore_mem>>)
      } else {
      }
      %add3A_375 = arith.constant 2 : i32
      %add3A_376 = arith.addi %mul3A_300, %add3A_375 : i32
      %dma_wait3A_377 = arith.constant 2 : i32
      %dma_wait3A_378 = arith.constant 2 : i32
      %dma_wait3A_379 = arith.constant 0 : i32
      %dma_wait3A_380 = arith.constant 0 : i32
      %dma_wait3A_381 = tpu.memref_slice %arg9[%dma_wait3A_377, %dma_wait3A_379, %dma_wait3A_380] : memref<5x80x64xf32, #tpu.memory_space<vmem>> -> memref<1x80x64xf32, #tpu.memory_space<vmem>>
      %dma_wait3A_382 = tpu.memref_squeeze %dma_wait3A_381 : memref<1x80x64xf32, #tpu.memory_space<vmem>> -> memref<80x64xf32, #tpu.memory_space<vmem>>
      %dma_wait3A_383 = arith.constant 0 : i32
      %dma_wait3A_384 = tpu.memref_slice %arg7[%dma_wait3A_383] : memref<10000xi32, #tpu.memory_space<vmem>> -> memref<80xi32, #tpu.memory_space<vmem>>
      %dma_wait3A_385 = arith.constant 0 : i32
      %dma_wait3A_386 = arith.constant 0 : i32
      %dma_wait3A_387 = tpu.memref_slice %arg2[%dma_wait3A_385, %dma_wait3A_386] : memref<10000x64xf32, #tpu.memory_space<hbm>> -> memref<10000x64xf32, #tpu.memory_space<hbm>>
      %dma_wait3A_388 = tpu.memref_slice %arg10[%dma_wait3A_378] : memref<5x!tpu.dma_semaphore, #tpu.memory_space<semaphore_mem>> -> memref<1x!tpu.dma_semaphore, #tpu.memory_space<semaphore_mem>>
      %dma_wait3A_389 = tpu.memref_squeeze %dma_wait3A_388 : memref<1x!tpu.dma_semaphore, #tpu.memory_space<semaphore_mem>> -> memref<!tpu.dma_semaphore, #tpu.memory_space<semaphore_mem>>
      tpu.wait_indirect_dma semaphore(%dma_wait3A_389 : memref<!tpu.dma_semaphore, #tpu.memory_space<semaphore_mem>>) src(%dma_wait3A_387 : memref<10000x64xf32, #tpu.memory_space<hbm>>) dst(%dma_wait3A_382 : memref<80x64xf32, #tpu.memory_space<vmem>>)
      %dma_start3A_390 = arith.constant 2 : i32
      %dma_start3A_391 = arith.constant 2 : i32
      %dma_start3A_392 = arith.constant 0 : i32
      %dma_start3A_393 = arith.constant 0 : i32
      %dma_start3A_394 = tpu.memref_slice %arg9[%dma_start3A_390, %dma_start3A_392, %dma_start3A_393] : memref<5x80x64xf32, #tpu.memory_space<vmem>> -> memref<1x80x64xf32, #tpu.memory_space<vmem>>
      %dma_start3A_395 = tpu.memref_squeeze %dma_start3A_394 : memref<1x80x64xf32, #tpu.memory_space<vmem>> -> memref<80x64xf32, #tpu.memory_space<vmem>>
      %dma_start3A_396 = arith.constant 0 : i32
      %dma_start3A_397 = tpu.memref_slice %arg8[%add3A_376, %dma_start3A_396] : memref<125x80xi32, #tpu.memory_space<vmem>> -> memref<1x80xi32, #tpu.memory_space<vmem>>
      %dma_start3A_398 = tpu.memref_squeeze %dma_start3A_397 : memref<1x80xi32, #tpu.memory_space<vmem>> -> memref<80xi32, #tpu.memory_space<vmem>>
      %dma_start3A_399 = arith.constant 0 : i32
      %dma_start3A_400 = arith.constant 0 : i32
      %dma_start3A_401 = tpu.memref_slice %arg12[%dma_start3A_399, %dma_start3A_400] : memref<10000x64xf32, #tpu.memory_space<vmem_shared>> -> memref<10000x64xf32, #tpu.memory_space<vmem_shared>>
      %dma_start3A_402 = tpu.memref_slice %arg11[%dma_start3A_391] : memref<5x!tpu.dma_semaphore, #tpu.memory_space<semaphore_mem>> -> memref<1x!tpu.dma_semaphore, #tpu.memory_space<semaphore_mem>>
      %dma_start3A_403 = tpu.memref_squeeze %dma_start3A_402 : memref<1x!tpu.dma_semaphore, #tpu.memory_space<semaphore_mem>> -> memref<!tpu.dma_semaphore, #tpu.memory_space<semaphore_mem>>
      tpu.enqueue_indirect_dma source(%dma_start3A_395 : memref<80x64xf32, #tpu.memory_space<vmem>>) target(%dma_start3A_401 : memref<10000x64xf32, #tpu.memory_space<vmem_shared>>) offsets(%dma_start3A_398 : memref<80xi32, #tpu.memory_space<vmem>>) semaphore(%dma_start3A_403 : memref<!tpu.dma_semaphore, #tpu.memory_space<semaphore_mem>>) {add = true}
      %add3A_404 = arith.constant 5 : i32
      %add3A_405 = arith.addi %add3A_376, %add3A_404 : i32
      %sub3A_406 = arith.constant 1 : i32
      %sub3A_407 = arith.subi %add3A_405, %sub3A_406 : i32
      %lt3A_408 = arith.constant 125 : i32
      %lt3A_409 = arith.cmpi slt, %sub3A_407, %lt3A_408 : i32
      %convert_element_type3A_410 = arith.extui %lt3A_409 : i1 to i32
      %cond3A_411 = arith.constant 0 : i32
      %cond3A_412 = arith.cmpi ne, %convert_element_type3A_410, %cond3A_411 : i32
      scf.if %cond3A_412 {
        %dma_wait3A_489 = arith.constant 1 : i32
        %dma_wait3A_490 = arith.constant 0 : i32
        %dma_wait3A_491 = arith.constant 1 : i32
        %dma_wait3A_492 = arith.constant 0 : i32
        %dma_wait3A_493 = arith.constant 0 : i32
        %dma_wait3A_494 = tpu.memref_slice %arg9[%dma_wait3A_489, %dma_wait3A_492, %dma_wait3A_493] : memref<5x80x64xf32, #tpu.memory_space<vmem>> -> memref<1x80x64xf32, #tpu.memory_space<vmem>>
        %dma_wait3A_495 = tpu.memref_squeeze %dma_wait3A_494 : memref<1x80x64xf32, #tpu.memory_space<vmem>> -> memref<80x64xf32, #tpu.memory_space<vmem>>
        %dma_wait3A_496 = arith.constant 0 : i32
        %dma_wait3A_497 = tpu.memref_slice %arg8[%dma_wait3A_490, %dma_wait3A_496] : memref<125x80xi32, #tpu.memory_space<vmem>> -> memref<1x80xi32, #tpu.memory_space<vmem>>
        %dma_wait3A_498 = tpu.memref_squeeze %dma_wait3A_497 : memref<1x80xi32, #tpu.memory_space<vmem>> -> memref<80xi32, #tpu.memory_space<vmem>>
        %dma_wait3A_499 = arith.constant 0 : i32
        %dma_wait3A_500 = arith.constant 0 : i32
        %dma_wait3A_501 = tpu.memref_slice %arg12[%dma_wait3A_499, %dma_wait3A_500] : memref<10000x64xf32, #tpu.memory_space<vmem_shared>> -> memref<10000x64xf32, #tpu.memory_space<vmem_shared>>
        %dma_wait3A_502 = tpu.memref_slice %arg11[%dma_wait3A_491] : memref<5x!tpu.dma_semaphore, #tpu.memory_space<semaphore_mem>> -> memref<1x!tpu.dma_semaphore, #tpu.memory_space<semaphore_mem>>
        %dma_wait3A_503 = tpu.memref_squeeze %dma_wait3A_502 : memref<1x!tpu.dma_semaphore, #tpu.memory_space<semaphore_mem>> -> memref<!tpu.dma_semaphore, #tpu.memory_space<semaphore_mem>>
        tpu.wait_indirect_dma semaphore(%dma_wait3A_503 : memref<!tpu.dma_semaphore, #tpu.memory_space<semaphore_mem>>) src(%dma_wait3A_495 : memref<80x64xf32, #tpu.memory_space<vmem>>) dst(%dma_wait3A_501 : memref<10000x64xf32, #tpu.memory_space<vmem_shared>>)
        %add3A_504 = arith.constant 5 : i32
        %add3A_505 = arith.addi %add3A_376, %add3A_504 : i32
        %sub3A_506 = arith.constant 1 : i32
        %sub3A_507 = arith.subi %add3A_505, %sub3A_506 : i32
        %mul3A_508 = arith.constant 80 : i32
        %mul3A_509 = arith.muli %sub3A_507, %mul3A_508 : i32
        %multiple_of3A_510 = tpu.assume_multiple %mul3A_509, 8 : i32
        %dma_start3A_511 = arith.constant 1 : i32
        %dma_start3A_512 = arith.constant 1 : i32
        %dma_start3A_513 = arith.constant 0 : i32
        %dma_start3A_514 = arith.constant 0 : i32
        %dma_start3A_515 = tpu.memref_slice %arg9[%dma_start3A_511, %dma_start3A_513, %dma_start3A_514] : memref<5x80x64xf32, #tpu.memory_space<vmem>> -> memref<1x80x64xf32, #tpu.memory_space<vmem>>
        %dma_start3A_516 = tpu.memref_squeeze %dma_start3A_515 : memref<1x80x64xf32, #tpu.memory_space<vmem>> -> memref<80x64xf32, #tpu.memory_space<vmem>>
        %dma_start3A_517 = tpu.memref_slice %arg7[%multiple_of3A_510] : memref<10000xi32, #tpu.memory_space<vmem>> -> memref<80xi32, #tpu.memory_space<vmem>>
        %dma_start3A_518 = arith.constant 0 : i32
        %dma_start3A_519 = arith.constant 0 : i32
        %dma_start3A_520 = tpu.memref_slice %arg2[%dma_start3A_518, %dma_start3A_519] : memref<10000x64xf32, #tpu.memory_space<hbm>> -> memref<10000x64xf32, #tpu.memory_space<hbm>>
        %dma_start3A_521 = tpu.memref_slice %arg10[%dma_start3A_512] : memref<5x!tpu.dma_semaphore, #tpu.memory_space<semaphore_mem>> -> memref<1x!tpu.dma_semaphore, #tpu.memory_space<semaphore_mem>>
        %dma_start3A_522 = tpu.memref_squeeze %dma_start3A_521 : memref<1x!tpu.dma_semaphore, #tpu.memory_space<semaphore_mem>> -> memref<!tpu.dma_semaphore, #tpu.memory_space<semaphore_mem>>
        tpu.enqueue_indirect_dma source(%dma_start3A_520 : memref<10000x64xf32, #tpu.memory_space<hbm>>) target(%dma_start3A_516 : memref<80x64xf32, #tpu.memory_space<vmem>>) offsets(%dma_start3A_517 : memref<80xi32, #tpu.memory_space<vmem>>) semaphore(%dma_start3A_522 : memref<!tpu.dma_semaphore, #tpu.memory_space<semaphore_mem>>)
      } else {
      }
      %add3A_413 = arith.constant 3 : i32
      %add3A_414 = arith.addi %mul3A_300, %add3A_413 : i32
      %dma_wait3A_415 = arith.constant 3 : i32
      %dma_wait3A_416 = arith.constant 3 : i32
      %dma_wait3A_417 = arith.constant 0 : i32
      %dma_wait3A_418 = arith.constant 0 : i32
      %dma_wait3A_419 = tpu.memref_slice %arg9[%dma_wait3A_415, %dma_wait3A_417, %dma_wait3A_418] : memref<5x80x64xf32, #tpu.memory_space<vmem>> -> memref<1x80x64xf32, #tpu.memory_space<vmem>>
      %dma_wait3A_420 = tpu.memref_squeeze %dma_wait3A_419 : memref<1x80x64xf32, #tpu.memory_space<vmem>> -> memref<80x64xf32, #tpu.memory_space<vmem>>
      %dma_wait3A_421 = arith.constant 0 : i32
      %dma_wait3A_422 = tpu.memref_slice %arg7[%dma_wait3A_421] : memref<10000xi32, #tpu.memory_space<vmem>> -> memref<80xi32, #tpu.memory_space<vmem>>
      %dma_wait3A_423 = arith.constant 0 : i32
      %dma_wait3A_424 = arith.constant 0 : i32
      %dma_wait3A_425 = tpu.memref_slice %arg2[%dma_wait3A_423, %dma_wait3A_424] : memref<10000x64xf32, #tpu.memory_space<hbm>> -> memref<10000x64xf32, #tpu.memory_space<hbm>>
      %dma_wait3A_426 = tpu.memref_slice %arg10[%dma_wait3A_416] : memref<5x!tpu.dma_semaphore, #tpu.memory_space<semaphore_mem>> -> memref<1x!tpu.dma_semaphore, #tpu.memory_space<semaphore_mem>>
      %dma_wait3A_427 = tpu.memref_squeeze %dma_wait3A_426 : memref<1x!tpu.dma_semaphore, #tpu.memory_space<semaphore_mem>> -> memref<!tpu.dma_semaphore, #tpu.memory_space<semaphore_mem>>
      tpu.wait_indirect_dma semaphore(%dma_wait3A_427 : memref<!tpu.dma_semaphore, #tpu.memory_space<semaphore_mem>>) src(%dma_wait3A_425 : memref<10000x64xf32, #tpu.memory_space<hbm>>) dst(%dma_wait3A_420 : memref<80x64xf32, #tpu.memory_space<vmem>>)
      %dma_start3A_428 = arith.constant 3 : i32
      %dma_start3A_429 = arith.constant 3 : i32
      %dma_start3A_430 = arith.constant 0 : i32
      %dma_start3A_431 = arith.constant 0 : i32
      %dma_start3A_432 = tpu.memref_slice %arg9[%dma_start3A_428, %dma_start3A_430, %dma_start3A_431] : memref<5x80x64xf32, #tpu.memory_space<vmem>> -> memref<1x80x64xf32, #tpu.memory_space<vmem>>
      %dma_start3A_433 = tpu.memref_squeeze %dma_start3A_432 : memref<1x80x64xf32, #tpu.memory_space<vmem>> -> memref<80x64xf32, #tpu.memory_space<vmem>>
      %dma_start3A_434 = arith.constant 0 : i32
      %dma_start3A_435 = tpu.memref_slice %arg8[%add3A_414, %dma_start3A_434] : memref<125x80xi32, #tpu.memory_space<vmem>> -> memref<1x80xi32, #tpu.memory_space<vmem>>
      %dma_start3A_436 = tpu.memref_squeeze %dma_start3A_435 : memref<1x80xi32, #tpu.memory_space<vmem>> -> memref<80xi32, #tpu.memory_space<vmem>>
      %dma_start3A_437 = arith.constant 0 : i32
      %dma_start3A_438 = arith.constant 0 : i32
      %dma_start3A_439 = tpu.memref_slice %arg12[%dma_start3A_437, %dma_start3A_438] : memref<10000x64xf32, #tpu.memory_space<vmem_shared>> -> memref<10000x64xf32, #tpu.memory_space<vmem_shared>>
      %dma_start3A_440 = tpu.memref_slice %arg11[%dma_start3A_429] : memref<5x!tpu.dma_semaphore, #tpu.memory_space<semaphore_mem>> -> memref<1x!tpu.dma_semaphore, #tpu.memory_space<semaphore_mem>>
      %dma_start3A_441 = tpu.memref_squeeze %dma_start3A_440 : memref<1x!tpu.dma_semaphore, #tpu.memory_space<semaphore_mem>> -> memref<!tpu.dma_semaphore, #tpu.memory_space<semaphore_mem>>
      tpu.enqueue_indirect_dma source(%dma_start3A_433 : memref<80x64xf32, #tpu.memory_space<vmem>>) target(%dma_start3A_439 : memref<10000x64xf32, #tpu.memory_space<vmem_shared>>) offsets(%dma_start3A_436 : memref<80xi32, #tpu.memory_space<vmem>>) semaphore(%dma_start3A_441 : memref<!tpu.dma_semaphore, #tpu.memory_space<semaphore_mem>>) {add = true}
      %add3A_442 = arith.constant 5 : i32
      %add3A_443 = arith.addi %add3A_414, %add3A_442 : i32
      %sub3A_444 = arith.constant 1 : i32
      %sub3A_445 = arith.subi %add3A_443, %sub3A_444 : i32
      %lt3A_446 = arith.constant 125 : i32
      %lt3A_447 = arith.cmpi slt, %sub3A_445, %lt3A_446 : i32
      %convert_element_type3A_448 = arith.extui %lt3A_447 : i1 to i32
      %cond3A_449 = arith.constant 0 : i32
      %cond3A_450 = arith.cmpi ne, %convert_element_type3A_448, %cond3A_449 : i32
      scf.if %cond3A_450 {
        %dma_wait3A_489 = arith.constant 2 : i32
        %dma_wait3A_490 = arith.constant 0 : i32
        %dma_wait3A_491 = arith.constant 2 : i32
        %dma_wait3A_492 = arith.constant 0 : i32
        %dma_wait3A_493 = arith.constant 0 : i32
        %dma_wait3A_494 = tpu.memref_slice %arg9[%dma_wait3A_489, %dma_wait3A_492, %dma_wait3A_493] : memref<5x80x64xf32, #tpu.memory_space<vmem>> -> memref<1x80x64xf32, #tpu.memory_space<vmem>>
        %dma_wait3A_495 = tpu.memref_squeeze %dma_wait3A_494 : memref<1x80x64xf32, #tpu.memory_space<vmem>> -> memref<80x64xf32, #tpu.memory_space<vmem>>
        %dma_wait3A_496 = arith.constant 0 : i32
        %dma_wait3A_497 = tpu.memref_slice %arg8[%dma_wait3A_490, %dma_wait3A_496] : memref<125x80xi32, #tpu.memory_space<vmem>> -> memref<1x80xi32, #tpu.memory_space<vmem>>
        %dma_wait3A_498 = tpu.memref_squeeze %dma_wait3A_497 : memref<1x80xi32, #tpu.memory_space<vmem>> -> memref<80xi32, #tpu.memory_space<vmem>>
        %dma_wait3A_499 = arith.constant 0 : i32
        %dma_wait3A_500 = arith.constant 0 : i32
        %dma_wait3A_501 = tpu.memref_slice %arg12[%dma_wait3A_499, %dma_wait3A_500] : memref<10000x64xf32, #tpu.memory_space<vmem_shared>> -> memref<10000x64xf32, #tpu.memory_space<vmem_shared>>
        %dma_wait3A_502 = tpu.memref_slice %arg11[%dma_wait3A_491] : memref<5x!tpu.dma_semaphore, #tpu.memory_space<semaphore_mem>> -> memref<1x!tpu.dma_semaphore, #tpu.memory_space<semaphore_mem>>
        %dma_wait3A_503 = tpu.memref_squeeze %dma_wait3A_502 : memref<1x!tpu.dma_semaphore, #tpu.memory_space<semaphore_mem>> -> memref<!tpu.dma_semaphore, #tpu.memory_space<semaphore_mem>>
        tpu.wait_indirect_dma semaphore(%dma_wait3A_503 : memref<!tpu.dma_semaphore, #tpu.memory_space<semaphore_mem>>) src(%dma_wait3A_495 : memref<80x64xf32, #tpu.memory_space<vmem>>) dst(%dma_wait3A_501 : memref<10000x64xf32, #tpu.memory_space<vmem_shared>>)
        %add3A_504 = arith.constant 5 : i32
        %add3A_505 = arith.addi %add3A_414, %add3A_504 : i32
        %sub3A_506 = arith.constant 1 : i32
        %sub3A_507 = arith.subi %add3A_505, %sub3A_506 : i32
        %mul3A_508 = arith.constant 80 : i32
        %mul3A_509 = arith.muli %sub3A_507, %mul3A_508 : i32
        %multiple_of3A_510 = tpu.assume_multiple %mul3A_509, 8 : i32
        %dma_start3A_511 = arith.constant 2 : i32
        %dma_start3A_512 = arith.constant 2 : i32
        %dma_start3A_513 = arith.constant 0 : i32
        %dma_start3A_514 = arith.constant 0 : i32
        %dma_start3A_515 = tpu.memref_slice %arg9[%dma_start3A_511, %dma_start3A_513, %dma_start3A_514] : memref<5x80x64xf32, #tpu.memory_space<vmem>> -> memref<1x80x64xf32, #tpu.memory_space<vmem>>
        %dma_start3A_516 = tpu.memref_squeeze %dma_start3A_515 : memref<1x80x64xf32, #tpu.memory_space<vmem>> -> memref<80x64xf32, #tpu.memory_space<vmem>>
        %dma_start3A_517 = tpu.memref_slice %arg7[%multiple_of3A_510] : memref<10000xi32, #tpu.memory_space<vmem>> -> memref<80xi32, #tpu.memory_space<vmem>>
        %dma_start3A_518 = arith.constant 0 : i32
        %dma_start3A_519 = arith.constant 0 : i32
        %dma_start3A_520 = tpu.memref_slice %arg2[%dma_start3A_518, %dma_start3A_519] : memref<10000x64xf32, #tpu.memory_space<hbm>> -> memref<10000x64xf32, #tpu.memory_space<hbm>>
        %dma_start3A_521 = tpu.memref_slice %arg10[%dma_start3A_512] : memref<5x!tpu.dma_semaphore, #tpu.memory_space<semaphore_mem>> -> memref<1x!tpu.dma_semaphore, #tpu.memory_space<semaphore_mem>>
        %dma_start3A_522 = tpu.memref_squeeze %dma_start3A_521 : memref<1x!tpu.dma_semaphore, #tpu.memory_space<semaphore_mem>> -> memref<!tpu.dma_semaphore, #tpu.memory_space<semaphore_mem>>
        tpu.enqueue_indirect_dma source(%dma_start3A_520 : memref<10000x64xf32, #tpu.memory_space<hbm>>) target(%dma_start3A_516 : memref<80x64xf32, #tpu.memory_space<vmem>>) offsets(%dma_start3A_517 : memref<80xi32, #tpu.memory_space<vmem>>) semaphore(%dma_start3A_522 : memref<!tpu.dma_semaphore, #tpu.memory_space<semaphore_mem>>)
      } else {
      }
      %add3A_451 = arith.constant 4 : i32
      %add3A_452 = arith.addi %mul3A_300, %add3A_451 : i32
      %dma_wait3A_453 = arith.constant 4 : i32
      %dma_wait3A_454 = arith.constant 4 : i32
      %dma_wait3A_455 = arith.constant 0 : i32
      %dma_wait3A_456 = arith.constant 0 : i32
      %dma_wait3A_457 = tpu.memref_slice %arg9[%dma_wait3A_453, %dma_wait3A_455, %dma_wait3A_456] : memref<5x80x64xf32, #tpu.memory_space<vmem>> -> memref<1x80x64xf32, #tpu.memory_space<vmem>>
      %dma_wait3A_458 = tpu.memref_squeeze %dma_wait3A_457 : memref<1x80x64xf32, #tpu.memory_space<vmem>> -> memref<80x64xf32, #tpu.memory_space<vmem>>
      %dma_wait3A_459 = arith.constant 0 : i32
      %dma_wait3A_460 = tpu.memref_slice %arg7[%dma_wait3A_459] : memref<10000xi32, #tpu.memory_space<vmem>> -> memref<80xi32, #tpu.memory_space<vmem>>
      %dma_wait3A_461 = arith.constant 0 : i32
      %dma_wait3A_462 = arith.constant 0 : i32
      %dma_wait3A_463 = tpu.memref_slice %arg2[%dma_wait3A_461, %dma_wait3A_462] : memref<10000x64xf32, #tpu.memory_space<hbm>> -> memref<10000x64xf32, #tpu.memory_space<hbm>>
      %dma_wait3A_464 = tpu.memref_slice %arg10[%dma_wait3A_454] : memref<5x!tpu.dma_semaphore, #tpu.memory_space<semaphore_mem>> -> memref<1x!tpu.dma_semaphore, #tpu.memory_space<semaphore_mem>>
      %dma_wait3A_465 = tpu.memref_squeeze %dma_wait3A_464 : memref<1x!tpu.dma_semaphore, #tpu.memory_space<semaphore_mem>> -> memref<!tpu.dma_semaphore, #tpu.memory_space<semaphore_mem>>
      tpu.wait_indirect_dma semaphore(%dma_wait3A_465 : memref<!tpu.dma_semaphore, #tpu.memory_space<semaphore_mem>>) src(%dma_wait3A_463 : memref<10000x64xf32, #tpu.memory_space<hbm>>) dst(%dma_wait3A_458 : memref<80x64xf32, #tpu.memory_space<vmem>>)
      %dma_start3A_466 = arith.constant 4 : i32
      %dma_start3A_467 = arith.constant 4 : i32
      %dma_start3A_468 = arith.constant 0 : i32
      %dma_start3A_469 = arith.constant 0 : i32
      %dma_start3A_470 = tpu.memref_slice %arg9[%dma_start3A_466, %dma_start3A_468, %dma_start3A_469] : memref<5x80x64xf32, #tpu.memory_space<vmem>> -> memref<1x80x64xf32, #tpu.memory_space<vmem>>
      %dma_start3A_471 = tpu.memref_squeeze %dma_start3A_470 : memref<1x80x64xf32, #tpu.memory_space<vmem>> -> memref<80x64xf32, #tpu.memory_space<vmem>>
      %dma_start3A_472 = arith.constant 0 : i32
      %dma_start3A_473 = tpu.memref_slice %arg8[%add3A_452, %dma_start3A_472] : memref<125x80xi32, #tpu.memory_space<vmem>> -> memref<1x80xi32, #tpu.memory_space<vmem>>
      %dma_start3A_474 = tpu.memref_squeeze %dma_start3A_473 : memref<1x80xi32, #tpu.memory_space<vmem>> -> memref<80xi32, #tpu.memory_space<vmem>>
      %dma_start3A_475 = arith.constant 0 : i32
      %dma_start3A_476 = arith.constant 0 : i32
      %dma_start3A_477 = tpu.memref_slice %arg12[%dma_start3A_475, %dma_start3A_476] : memref<10000x64xf32, #tpu.memory_space<vmem_shared>> -> memref<10000x64xf32, #tpu.memory_space<vmem_shared>>
      %dma_start3A_478 = tpu.memref_slice %arg11[%dma_start3A_467] : memref<5x!tpu.dma_semaphore, #tpu.memory_space<semaphore_mem>> -> memref<1x!tpu.dma_semaphore, #tpu.memory_space<semaphore_mem>>
      %dma_start3A_479 = tpu.memref_squeeze %dma_start3A_478 : memref<1x!tpu.dma_semaphore, #tpu.memory_space<semaphore_mem>> -> memref<!tpu.dma_semaphore, #tpu.memory_space<semaphore_mem>>
      tpu.enqueue_indirect_dma source(%dma_start3A_471 : memref<80x64xf32, #tpu.memory_space<vmem>>) target(%dma_start3A_477 : memref<10000x64xf32, #tpu.memory_space<vmem_shared>>) offsets(%dma_start3A_474 : memref<80xi32, #tpu.memory_space<vmem>>) semaphore(%dma_start3A_479 : memref<!tpu.dma_semaphore, #tpu.memory_space<semaphore_mem>>) {add = true}
      %add3A_480 = arith.constant 5 : i32
      %add3A_481 = arith.addi %add3A_452, %add3A_480 : i32
      %sub3A_482 = arith.constant 1 : i32
      %sub3A_483 = arith.subi %add3A_481, %sub3A_482 : i32
      %lt3A_484 = arith.constant 125 : i32
      %lt3A_485 = arith.cmpi slt, %sub3A_483, %lt3A_484 : i32
      %convert_element_type3A_486 = arith.extui %lt3A_485 : i1 to i32
      %cond3A_487 = arith.constant 0 : i32
      %cond3A_488 = arith.cmpi ne, %convert_element_type3A_486, %cond3A_487 : i32
      scf.if %cond3A_488 {
        %dma_wait3A_489 = arith.constant 3 : i32
        %dma_wait3A_490 = arith.constant 0 : i32
        %dma_wait3A_491 = arith.constant 3 : i32
        %dma_wait3A_492 = arith.constant 0 : i32
        %dma_wait3A_493 = arith.constant 0 : i32
        %dma_wait3A_494 = tpu.memref_slice %arg9[%dma_wait3A_489, %dma_wait3A_492, %dma_wait3A_493] : memref<5x80x64xf32, #tpu.memory_space<vmem>> -> memref<1x80x64xf32, #tpu.memory_space<vmem>>
        %dma_wait3A_495 = tpu.memref_squeeze %dma_wait3A_494 : memref<1x80x64xf32, #tpu.memory_space<vmem>> -> memref<80x64xf32, #tpu.memory_space<vmem>>
        %dma_wait3A_496 = arith.constant 0 : i32
        %dma_wait3A_497 = tpu.memref_slice %arg8[%dma_wait3A_490, %dma_wait3A_496] : memref<125x80xi32, #tpu.memory_space<vmem>> -> memref<1x80xi32, #tpu.memory_space<vmem>>
        %dma_wait3A_498 = tpu.memref_squeeze %dma_wait3A_497 : memref<1x80xi32, #tpu.memory_space<vmem>> -> memref<80xi32, #tpu.memory_space<vmem>>
        %dma_wait3A_499 = arith.constant 0 : i32
        %dma_wait3A_500 = arith.constant 0 : i32
        %dma_wait3A_501 = tpu.memref_slice %arg12[%dma_wait3A_499, %dma_wait3A_500] : memref<10000x64xf32, #tpu.memory_space<vmem_shared>> -> memref<10000x64xf32, #tpu.memory_space<vmem_shared>>
        %dma_wait3A_502 = tpu.memref_slice %arg11[%dma_wait3A_491] : memref<5x!tpu.dma_semaphore, #tpu.memory_space<semaphore_mem>> -> memref<1x!tpu.dma_semaphore, #tpu.memory_space<semaphore_mem>>
        %dma_wait3A_503 = tpu.memref_squeeze %dma_wait3A_502 : memref<1x!tpu.dma_semaphore, #tpu.memory_space<semaphore_mem>> -> memref<!tpu.dma_semaphore, #tpu.memory_space<semaphore_mem>>
        tpu.wait_indirect_dma semaphore(%dma_wait3A_503 : memref<!tpu.dma_semaphore, #tpu.memory_space<semaphore_mem>>) src(%dma_wait3A_495 : memref<80x64xf32, #tpu.memory_space<vmem>>) dst(%dma_wait3A_501 : memref<10000x64xf32, #tpu.memory_space<vmem_shared>>)
        %add3A_504 = arith.constant 5 : i32
        %add3A_505 = arith.addi %add3A_452, %add3A_504 : i32
        %sub3A_506 = arith.constant 1 : i32
        %sub3A_507 = arith.subi %add3A_505, %sub3A_506 : i32
        %mul3A_508 = arith.constant 80 : i32
        %mul3A_509 = arith.muli %sub3A_507, %mul3A_508 : i32
        %multiple_of3A_510 = tpu.assume_multiple %mul3A_509, 8 : i32
        %dma_start3A_511 = arith.constant 3 : i32
        %dma_start3A_512 = arith.constant 3 : i32
        %dma_start3A_513 = arith.constant 0 : i32
        %dma_start3A_514 = arith.constant 0 : i32
        %dma_start3A_515 = tpu.memref_slice %arg9[%dma_start3A_511, %dma_start3A_513, %dma_start3A_514] : memref<5x80x64xf32, #tpu.memory_space<vmem>> -> memref<1x80x64xf32, #tpu.memory_space<vmem>>
        %dma_start3A_516 = tpu.memref_squeeze %dma_start3A_515 : memref<1x80x64xf32, #tpu.memory_space<vmem>> -> memref<80x64xf32, #tpu.memory_space<vmem>>
        %dma_start3A_517 = tpu.memref_slice %arg7[%multiple_of3A_510] : memref<10000xi32, #tpu.memory_space<vmem>> -> memref<80xi32, #tpu.memory_space<vmem>>
        %dma_start3A_518 = arith.constant 0 : i32
        %dma_start3A_519 = arith.constant 0 : i32
        %dma_start3A_520 = tpu.memref_slice %arg2[%dma_start3A_518, %dma_start3A_519] : memref<10000x64xf32, #tpu.memory_space<hbm>> -> memref<10000x64xf32, #tpu.memory_space<hbm>>
        %dma_start3A_521 = tpu.memref_slice %arg10[%dma_start3A_512] : memref<5x!tpu.dma_semaphore, #tpu.memory_space<semaphore_mem>> -> memref<1x!tpu.dma_semaphore, #tpu.memory_space<semaphore_mem>>
        %dma_start3A_522 = tpu.memref_squeeze %dma_start3A_521 : memref<1x!tpu.dma_semaphore, #tpu.memory_space<semaphore_mem>> -> memref<!tpu.dma_semaphore, #tpu.memory_space<semaphore_mem>>
        tpu.enqueue_indirect_dma source(%dma_start3A_520 : memref<10000x64xf32, #tpu.memory_space<hbm>>) target(%dma_start3A_516 : memref<80x64xf32, #tpu.memory_space<vmem>>) offsets(%dma_start3A_517 : memref<80xi32, #tpu.memory_space<vmem>>) semaphore(%dma_start3A_522 : memref<!tpu.dma_semaphore, #tpu.memory_space<semaphore_mem>>)
      } else {
      }
    }
    %scan3A_67 = arith.constant 25 : i32
    %dma_wait3A = arith.constant 0 : i32
    %dma_wait3A_68 = arith.constant 0 : i32
    %dma_wait3A_69 = arith.constant 0 : i32
    %dma_wait3A_70 = arith.constant 0 : i32
    %dma_wait3A_71 = arith.constant 0 : i32
    %dma_wait3A_72 = tpu.memref_slice %arg9[%dma_wait3A, %dma_wait3A_70, %dma_wait3A_71] : memref<5x80x64xf32, #tpu.memory_space<vmem>> -> memref<1x80x64xf32, #tpu.memory_space<vmem>>
    %dma_wait3A_73 = tpu.memref_squeeze %dma_wait3A_72 : memref<1x80x64xf32, #tpu.memory_space<vmem>> -> memref<80x64xf32, #tpu.memory_space<vmem>>
    %dma_wait3A_74 = arith.constant 0 : i32
    %dma_wait3A_75 = tpu.memref_slice %arg8[%dma_wait3A_68, %dma_wait3A_74] : memref<125x80xi32, #tpu.memory_space<vmem>> -> memref<1x80xi32, #tpu.memory_space<vmem>>
    %dma_wait3A_76 = tpu.memref_squeeze %dma_wait3A_75 : memref<1x80xi32, #tpu.memory_space<vmem>> -> memref<80xi32, #tpu.memory_space<vmem>>
    %dma_wait3A_77 = arith.constant 0 : i32
    %dma_wait3A_78 = arith.constant 0 : i32
    %dma_wait3A_79 = tpu.memref_slice %arg12[%dma_wait3A_77, %dma_wait3A_78] : memref<10000x64xf32, #tpu.memory_space<vmem_shared>> -> memref<10000x64xf32, #tpu.memory_space<vmem_shared>>
    %dma_wait3A_80 = tpu.memref_slice %arg11[%dma_wait3A_69] : memref<5x!tpu.dma_semaphore, #tpu.memory_space<semaphore_mem>> -> memref<1x!tpu.dma_semaphore, #tpu.memory_space<semaphore_mem>>
    %dma_wait3A_81 = tpu.memref_squeeze %dma_wait3A_80 : memref<1x!tpu.dma_semaphore, #tpu.memory_space<semaphore_mem>> -> memref<!tpu.dma_semaphore, #tpu.memory_space<semaphore_mem>>
    tpu.wait_indirect_dma semaphore(%dma_wait3A_81 : memref<!tpu.dma_semaphore, #tpu.memory_space<semaphore_mem>>) src(%dma_wait3A_73 : memref<80x64xf32, #tpu.memory_space<vmem>>) dst(%dma_wait3A_79 : memref<10000x64xf32, #tpu.memory_space<vmem_shared>>)
    %dma_wait3A_82 = arith.constant 1 : i32
    %dma_wait3A_83 = arith.constant 0 : i32
    %dma_wait3A_84 = arith.constant 1 : i32
    %dma_wait3A_85 = arith.constant 0 : i32
    %dma_wait3A_86 = arith.constant 0 : i32
    %dma_wait3A_87 = tpu.memref_slice %arg9[%dma_wait3A_82, %dma_wait3A_85, %dma_wait3A_86] : memref<5x80x64xf32, #tpu.memory_space<vmem>> -> memref<1x80x64xf32, #tpu.memory_space<vmem>>
    %dma_wait3A_88 = tpu.memref_squeeze %dma_wait3A_87 : memref<1x80x64xf32, #tpu.memory_space<vmem>> -> memref<80x64xf32, #tpu.memory_space<vmem>>
    %dma_wait3A_89 = arith.constant 0 : i32
    %dma_wait3A_90 = tpu.memref_slice %arg8[%dma_wait3A_83, %dma_wait3A_89] : memref<125x80xi32, #tpu.memory_space<vmem>> -> memref<1x80xi32, #tpu.memory_space<vmem>>
    %dma_wait3A_91 = tpu.memref_squeeze %dma_wait3A_90 : memref<1x80xi32, #tpu.memory_space<vmem>> -> memref<80xi32, #tpu.memory_space<vmem>>
    %dma_wait3A_92 = arith.constant 0 : i32
    %dma_wait3A_93 = arith.constant 0 : i32
    %dma_wait3A_94 = tpu.memref_slice %arg12[%dma_wait3A_92, %dma_wait3A_93] : memref<10000x64xf32, #tpu.memory_space<vmem_shared>> -> memref<10000x64xf32, #tpu.memory_space<vmem_shared>>
    %dma_wait3A_95 = tpu.memref_slice %arg11[%dma_wait3A_84] : memref<5x!tpu.dma_semaphore, #tpu.memory_space<semaphore_mem>> -> memref<1x!tpu.dma_semaphore, #tpu.memory_space<semaphore_mem>>
    %dma_wait3A_96 = tpu.memref_squeeze %dma_wait3A_95 : memref<1x!tpu.dma_semaphore, #tpu.memory_space<semaphore_mem>> -> memref<!tpu.dma_semaphore, #tpu.memory_space<semaphore_mem>>
    tpu.wait_indirect_dma semaphore(%dma_wait3A_96 : memref<!tpu.dma_semaphore, #tpu.memory_space<semaphore_mem>>) src(%dma_wait3A_88 : memref<80x64xf32, #tpu.memory_space<vmem>>) dst(%dma_wait3A_94 : memref<10000x64xf32, #tpu.memory_space<vmem_shared>>)
    %dma_wait3A_97 = arith.constant 2 : i32
    %dma_wait3A_98 = arith.constant 0 : i32
    %dma_wait3A_99 = arith.constant 2 : i32
    %dma_wait3A_100 = arith.constant 0 : i32
    %dma_wait3A_101 = arith.constant 0 : i32
    %dma_wait3A_102 = tpu.memref_slice %arg9[%dma_wait3A_97, %dma_wait3A_100, %dma_wait3A_101] : memref<5x80x64xf32, #tpu.memory_space<vmem>> -> memref<1x80x64xf32, #tpu.memory_space<vmem>>
    %dma_wait3A_103 = tpu.memref_squeeze %dma_wait3A_102 : memref<1x80x64xf32, #tpu.memory_space<vmem>> -> memref<80x64xf32, #tpu.memory_space<vmem>>
    %dma_wait3A_104 = arith.constant 0 : i32
    %dma_wait3A_105 = tpu.memref_slice %arg8[%dma_wait3A_98, %dma_wait3A_104] : memref<125x80xi32, #tpu.memory_space<vmem>> -> memref<1x80xi32, #tpu.memory_space<vmem>>
    %dma_wait3A_106 = tpu.memref_squeeze %dma_wait3A_105 : memref<1x80xi32, #tpu.memory_space<vmem>> -> memref<80xi32, #tpu.memory_space<vmem>>
    %dma_wait3A_107 = arith.constant 0 : i32
    %dma_wait3A_108 = arith.constant 0 : i32
    %dma_wait3A_109 = tpu.memref_slice %arg12[%dma_wait3A_107, %dma_wait3A_108] : memref<10000x64xf32, #tpu.memory_space<vmem_shared>> -> memref<10000x64xf32, #tpu.memory_space<vmem_shared>>
    %dma_wait3A_110 = tpu.memref_slice %arg11[%dma_wait3A_99] : memref<5x!tpu.dma_semaphore, #tpu.memory_space<semaphore_mem>> -> memref<1x!tpu.dma_semaphore, #tpu.memory_space<semaphore_mem>>
    %dma_wait3A_111 = tpu.memref_squeeze %dma_wait3A_110 : memref<1x!tpu.dma_semaphore, #tpu.memory_space<semaphore_mem>> -> memref<!tpu.dma_semaphore, #tpu.memory_space<semaphore_mem>>
    tpu.wait_indirect_dma semaphore(%dma_wait3A_111 : memref<!tpu.dma_semaphore, #tpu.memory_space<semaphore_mem>>) src(%dma_wait3A_103 : memref<80x64xf32, #tpu.memory_space<vmem>>) dst(%dma_wait3A_109 : memref<10000x64xf32, #tpu.memory_space<vmem_shared>>)
    %dma_wait3A_112 = arith.constant 3 : i32
    %dma_wait3A_113 = arith.constant 0 : i32
    %dma_wait3A_114 = arith.constant 3 : i32
    %dma_wait3A_115 = arith.constant 0 : i32
    %dma_wait3A_116 = arith.constant 0 : i32
    %dma_wait3A_117 = tpu.memref_slice %arg9[%dma_wait3A_112, %dma_wait3A_115, %dma_wait3A_116] : memref<5x80x64xf32, #tpu.memory_space<vmem>> -> memref<1x80x64xf32, #tpu.memory_space<vmem>>
    %dma_wait3A_118 = tpu.memref_squeeze %dma_wait3A_117 : memref<1x80x64xf32, #tpu.memory_space<vmem>> -> memref<80x64xf32, #tpu.memory_space<vmem>>
    %dma_wait3A_119 = arith.constant 0 : i32
    %dma_wait3A_120 = tpu.memref_slice %arg8[%dma_wait3A_113, %dma_wait3A_119] : memref<125x80xi32, #tpu.memory_space<vmem>> -> memref<1x80xi32, #tpu.memory_space<vmem>>
    %dma_wait3A_121 = tpu.memref_squeeze %dma_wait3A_120 : memref<1x80xi32, #tpu.memory_space<vmem>> -> memref<80xi32, #tpu.memory_space<vmem>>
    %dma_wait3A_122 = arith.constant 0 : i32
    %dma_wait3A_123 = arith.constant 0 : i32
    %dma_wait3A_124 = tpu.memref_slice %arg12[%dma_wait3A_122, %dma_wait3A_123] : memref<10000x64xf32, #tpu.memory_space<vmem_shared>> -> memref<10000x64xf32, #tpu.memory_space<vmem_shared>>
    %dma_wait3A_125 = tpu.memref_slice %arg11[%dma_wait3A_114] : memref<5x!tpu.dma_semaphore, #tpu.memory_space<semaphore_mem>> -> memref<1x!tpu.dma_semaphore, #tpu.memory_space<semaphore_mem>>
    %dma_wait3A_126 = tpu.memref_squeeze %dma_wait3A_125 : memref<1x!tpu.dma_semaphore, #tpu.memory_space<semaphore_mem>> -> memref<!tpu.dma_semaphore, #tpu.memory_space<semaphore_mem>>
    tpu.wait_indirect_dma semaphore(%dma_wait3A_126 : memref<!tpu.dma_semaphore, #tpu.memory_space<semaphore_mem>>) src(%dma_wait3A_118 : memref<80x64xf32, #tpu.memory_space<vmem>>) dst(%dma_wait3A_124 : memref<10000x64xf32, #tpu.memory_space<vmem_shared>>)
    %dma_wait3A_127 = arith.constant 4 : i32
    %dma_wait3A_128 = arith.constant 0 : i32
    %dma_wait3A_129 = arith.constant 4 : i32
    %dma_wait3A_130 = arith.constant 0 : i32
    %dma_wait3A_131 = arith.constant 0 : i32
    %dma_wait3A_132 = tpu.memref_slice %arg9[%dma_wait3A_127, %dma_wait3A_130, %dma_wait3A_131] : memref<5x80x64xf32, #tpu.memory_space<vmem>> -> memref<1x80x64xf32, #tpu.memory_space<vmem>>
    %dma_wait3A_133 = tpu.memref_squeeze %dma_wait3A_132 : memref<1x80x64xf32, #tpu.memory_space<vmem>> -> memref<80x64xf32, #tpu.memory_space<vmem>>
    %dma_wait3A_134 = arith.constant 0 : i32
    %dma_wait3A_135 = tpu.memref_slice %arg8[%dma_wait3A_128, %dma_wait3A_134] : memref<125x80xi32, #tpu.memory_space<vmem>> -> memref<1x80xi32, #tpu.memory_space<vmem>>
    %dma_wait3A_136 = tpu.memref_squeeze %dma_wait3A_135 : memref<1x80xi32, #tpu.memory_space<vmem>> -> memref<80xi32, #tpu.memory_space<vmem>>
    %dma_wait3A_137 = arith.constant 0 : i32
    %dma_wait3A_138 = arith.constant 0 : i32
    %dma_wait3A_139 = tpu.memref_slice %arg12[%dma_wait3A_137, %dma_wait3A_138] : memref<10000x64xf32, #tpu.memory_space<vmem_shared>> -> memref<10000x64xf32, #tpu.memory_space<vmem_shared>>
    %dma_wait3A_140 = tpu.memref_slice %arg11[%dma_wait3A_129] : memref<5x!tpu.dma_semaphore, #tpu.memory_space<semaphore_mem>> -> memref<1x!tpu.dma_semaphore, #tpu.memory_space<semaphore_mem>>
    %dma_wait3A_141 = tpu.memref_squeeze %dma_wait3A_140 : memref<1x!tpu.dma_semaphore, #tpu.memory_space<semaphore_mem>> -> memref<!tpu.dma_semaphore, #tpu.memory_space<semaphore_mem>>
    tpu.wait_indirect_dma semaphore(%dma_wait3A_141 : memref<!tpu.dma_semaphore, #tpu.memory_space<semaphore_mem>>) src(%dma_wait3A_133 : memref<80x64xf32, #tpu.memory_space<vmem>>) dst(%dma_wait3A_139 : memref<10000x64xf32, #tpu.memory_space<vmem_shared>>)
    %barrier3A_142 = arith.constant 0 : index
    tpu.barrier barrier_id(%barrier3A_142)
    %run_scoped3A = arith.constant 0 : i32
    "tpu.region"() ({
      %run_scoped3A_298 = tpu.sem_alloc : memref<!tpu.dma_semaphore, #tpu.memory_space<semaphore_mem>>
      %dma_start3A_299 = arith.constant 0 : i32
      %dma_start3A_300 = arith.constant 0 : i32
      %dma_start3A_301 = arith.constant 0 : i32
      %dma_start3A_302 = tpu.memref_slice %arg6[%arg0, %dma_start3A_299, %dma_start3A_300, %dma_start3A_301] : memref<2x2x10000x64xf32, #tpu.memory_space<hbm>> -> memref<1x2x10000x64xf32, #tpu.memory_space<hbm>>
      %dma_start3A_303 = tpu.memref_squeeze %dma_start3A_302 : memref<1x2x10000x64xf32, #tpu.memory_space<hbm>> -> memref<2x10000x64xf32, #tpu.memory_space<hbm>>
      %dma_start3A_304 = arith.constant 0 : i32
      %dma_start3A_305 = arith.constant 0 : i32
      %dma_start3A_306 = tpu.memref_slice %dma_start3A_303[%run_scoped3A, %dma_start3A_304, %dma_start3A_305] : memref<2x10000x64xf32, #tpu.memory_space<hbm>> -> memref<1x10000x64xf32, #tpu.memory_space<hbm>>
      %dma_start3A_307 = tpu.memref_squeeze %dma_start3A_306 : memref<1x10000x64xf32, #tpu.memory_space<hbm>> -> memref<10000x64xf32, #tpu.memory_space<hbm>>
      %dma_start3A_308 = arith.constant 0 : i32
      %dma_start3A_309 = tpu.memref_slice %dma_start3A_307[%multiple_of3A, %dma_start3A_308] : memref<10000x64xf32, #tpu.memory_space<hbm>> -> memref<624x64xf32, #tpu.memory_space<hbm>>
      %dma_start3A_310 = arith.constant 0 : i32
      %dma_start3A_311 = tpu.memref_slice %arg12[%multiple_of3A, %dma_start3A_310] : memref<10000x64xf32, #tpu.memory_space<vmem_shared>> -> memref<624x64xf32, #tpu.memory_space<vmem_shared>>
      tpu.enqueue_dma source(%dma_start3A_311 : memref<624x64xf32, #tpu.memory_space<vmem_shared>>) target(%dma_start3A_309 : memref<624x64xf32, #tpu.memory_space<hbm>>) target_semaphore(%run_scoped3A_298 : memref<!tpu.dma_semaphore, #tpu.memory_space<semaphore_mem>>)
      %dma_wait3A_312 = arith.constant 0 : i32
      %dma_wait3A_313 = arith.constant 0 : i32
      %dma_wait3A_314 = arith.constant 0 : i32
      %dma_wait3A_315 = tpu.memref_slice %arg6[%arg0, %dma_wait3A_312, %dma_wait3A_313, %dma_wait3A_314] : memref<2x2x10000x64xf32, #tpu.memory_space<hbm>> -> memref<1x2x10000x64xf32, #tpu.memory_space<hbm>>
      %dma_wait3A_316 = tpu.memref_squeeze %dma_wait3A_315 : memref<1x2x10000x64xf32, #tpu.memory_space<hbm>> -> memref<2x10000x64xf32, #tpu.memory_space<hbm>>
      %dma_wait3A_317 = arith.constant 0 : i32
      %dma_wait3A_318 = arith.constant 0 : i32
      %dma_wait3A_319 = tpu.memref_slice %dma_wait3A_316[%run_scoped3A, %dma_wait3A_317, %dma_wait3A_318] : memref<2x10000x64xf32, #tpu.memory_space<hbm>> -> memref<1x10000x64xf32, #tpu.memory_space<hbm>>
      %dma_wait3A_320 = tpu.memref_squeeze %dma_wait3A_319 : memref<1x10000x64xf32, #tpu.memory_space<hbm>> -> memref<10000x64xf32, #tpu.memory_space<hbm>>
      %dma_wait3A_321 = arith.constant 0 : i32
      %dma_wait3A_322 = tpu.memref_slice %dma_wait3A_320[%multiple_of3A, %dma_wait3A_321] : memref<10000x64xf32, #tpu.memory_space<hbm>> -> memref<624x64xf32, #tpu.memory_space<hbm>>
      %dma_wait3A_323 = arith.constant 0 : i32
      %dma_wait3A_324 = tpu.memref_slice %arg12[%multiple_of3A, %dma_wait3A_323] : memref<10000x64xf32, #tpu.memory_space<vmem_shared>> -> memref<624x64xf32, #tpu.memory_space<vmem_shared>>
      tpu.wait_dma2 semaphore(%run_scoped3A_298 : memref<!tpu.dma_semaphore, #tpu.memory_space<semaphore_mem>>) src(%dma_wait3A_324 : memref<624x64xf32, #tpu.memory_space<vmem_shared>>) dst(%dma_wait3A_322 : memref<624x64xf32, #tpu.memory_space<hbm>>)
      tpu.yield
    }) : () -> ()
    %eq3A_143 = arith.constant 0 : i32
    %eq3A_144 = arith.cmpi eq, %arg1, %eq3A_143 : i32
    %convert_element_type3A_145 = arith.extui %eq3A_144 : i1 to i32
    %cond3A_146 = arith.constant 0 : i32
    %cond3A_147 = arith.cmpi ne, %convert_element_type3A_145, %cond3A_146 : i32
    scf.if %cond3A_147 {
      %run_scoped3A_298 = arith.constant 0 : i32
      "tpu.region"() ({
        %run_scoped3A_299 = tpu.sem_alloc : memref<!tpu.dma_semaphore, #tpu.memory_space<semaphore_mem>>
        %dma_start3A_300 = arith.constant 0 : i32
        %dma_start3A_301 = arith.constant 0 : i32
        %dma_start3A_302 = arith.constant 0 : i32
        %dma_start3A_303 = tpu.memref_slice %arg6[%arg0, %dma_start3A_300, %dma_start3A_301, %dma_start3A_302] : memref<2x2x10000x64xf32, #tpu.memory_space<hbm>> -> memref<1x2x10000x64xf32, #tpu.memory_space<hbm>>
        %dma_start3A_304 = tpu.memref_squeeze %dma_start3A_303 : memref<1x2x10000x64xf32, #tpu.memory_space<hbm>> -> memref<2x10000x64xf32, #tpu.memory_space<hbm>>
        %dma_start3A_305 = arith.constant 0 : i32
        %dma_start3A_306 = arith.constant 0 : i32
        %dma_start3A_307 = tpu.memref_slice %dma_start3A_304[%run_scoped3A_298, %dma_start3A_305, %dma_start3A_306] : memref<2x10000x64xf32, #tpu.memory_space<hbm>> -> memref<1x10000x64xf32, #tpu.memory_space<hbm>>
        %dma_start3A_308 = tpu.memref_squeeze %dma_start3A_307 : memref<1x10000x64xf32, #tpu.memory_space<hbm>> -> memref<10000x64xf32, #tpu.memory_space<hbm>>
        %dma_start3A_309 = arith.constant 9984 : i32
        %dma_start3A_310 = arith.constant 0 : i32
        %dma_start3A_311 = tpu.memref_slice %dma_start3A_308[%dma_start3A_309, %dma_start3A_310] : memref<10000x64xf32, #tpu.memory_space<hbm>> -> memref<16x64xf32, #tpu.memory_space<hbm>>
        %dma_start3A_312 = arith.constant 9984 : i32
        %dma_start3A_313 = arith.constant 0 : i32
        %dma_start3A_314 = tpu.memref_slice %arg12[%dma_start3A_312, %dma_start3A_313] : memref<10000x64xf32, #tpu.memory_space<vmem_shared>> -> memref<16x64xf32, #tpu.memory_space<vmem_shared>>
        tpu.enqueue_dma source(%dma_start3A_314 : memref<16x64xf32, #tpu.memory_space<vmem_shared>>) target(%dma_start3A_311 : memref<16x64xf32, #tpu.memory_space<hbm>>) target_semaphore(%run_scoped3A_299 : memref<!tpu.dma_semaphore, #tpu.memory_space<semaphore_mem>>)
        %dma_wait3A_315 = arith.constant 0 : i32
        %dma_wait3A_316 = arith.constant 0 : i32
        %dma_wait3A_317 = arith.constant 0 : i32
        %dma_wait3A_318 = tpu.memref_slice %arg6[%arg0, %dma_wait3A_315, %dma_wait3A_316, %dma_wait3A_317] : memref<2x2x10000x64xf32, #tpu.memory_space<hbm>> -> memref<1x2x10000x64xf32, #tpu.memory_space<hbm>>
        %dma_wait3A_319 = tpu.memref_squeeze %dma_wait3A_318 : memref<1x2x10000x64xf32, #tpu.memory_space<hbm>> -> memref<2x10000x64xf32, #tpu.memory_space<hbm>>
        %dma_wait3A_320 = arith.constant 0 : i32
        %dma_wait3A_321 = arith.constant 0 : i32
        %dma_wait3A_322 = tpu.memref_slice %dma_wait3A_319[%run_scoped3A_298, %dma_wait3A_320, %dma_wait3A_321] : memref<2x10000x64xf32, #tpu.memory_space<hbm>> -> memref<1x10000x64xf32, #tpu.memory_space<hbm>>
        %dma_wait3A_323 = tpu.memref_squeeze %dma_wait3A_322 : memref<1x10000x64xf32, #tpu.memory_space<hbm>> -> memref<10000x64xf32, #tpu.memory_space<hbm>>
        %dma_wait3A_324 = arith.constant 9984 : i32
        %dma_wait3A_325 = arith.constant 0 : i32
        %dma_wait3A_326 = tpu.memref_slice %dma_wait3A_323[%dma_wait3A_324, %dma_wait3A_325] : memref<10000x64xf32, #tpu.memory_space<hbm>> -> memref<16x64xf32, #tpu.memory_space<hbm>>
        %dma_wait3A_327 = arith.constant 9984 : i32
        %dma_wait3A_328 = arith.constant 0 : i32
        %dma_wait3A_329 = tpu.memref_slice %arg12[%dma_wait3A_327, %dma_wait3A_328] : memref<10000x64xf32, #tpu.memory_space<vmem_shared>> -> memref<16x64xf32, #tpu.memory_space<vmem_shared>>
        tpu.wait_dma2 semaphore(%run_scoped3A_299 : memref<!tpu.dma_semaphore, #tpu.memory_space<semaphore_mem>>) src(%dma_wait3A_329 : memref<16x64xf32, #tpu.memory_space<vmem_shared>>) dst(%dma_wait3A_326 : memref<16x64xf32, #tpu.memory_space<hbm>>)
        tpu.yield
      }) : () -> ()
    } else {
    }
    "tpu.region"() ({
      %run_scoped3A_298 = tpu.sem_alloc : memref<!tpu.dma_semaphore, #tpu.memory_space<semaphore_mem>>
      %dma_start3A_299 = arith.constant 0 : i32
      %dma_start3A_300 = tpu.memref_slice %arg12[%multiple_of3A, %dma_start3A_299] : memref<10000x64xf32, #tpu.memory_space<vmem_shared>> -> memref<624x64xf32, #tpu.memory_space<vmem_shared>>
      %dma_start3A_301 = arith.constant 0 : i32
      %dma_start3A_302 = tpu.memref_slice %arg3[%multiple_of3A, %dma_start3A_301] : memref<10000x64xf32, #tpu.memory_space<hbm>> -> memref<624x64xf32, #tpu.memory_space<hbm>>
      tpu.enqueue_dma source(%dma_start3A_302 : memref<624x64xf32, #tpu.memory_space<hbm>>) target(%dma_start3A_300 : memref<624x64xf32, #tpu.memory_space<vmem_shared>>) target_semaphore(%run_scoped3A_298 : memref<!tpu.dma_semaphore, #tpu.memory_space<semaphore_mem>>)
      %dma_wait3A_303 = arith.constant 0 : i32
      %dma_wait3A_304 = tpu.memref_slice %arg12[%multiple_of3A, %dma_wait3A_303] : memref<10000x64xf32, #tpu.memory_space<vmem_shared>> -> memref<624x64xf32, #tpu.memory_space<vmem_shared>>
      %dma_wait3A_305 = arith.constant 0 : i32
      %dma_wait3A_306 = tpu.memref_slice %arg3[%multiple_of3A, %dma_wait3A_305] : memref<10000x64xf32, #tpu.memory_space<hbm>> -> memref<624x64xf32, #tpu.memory_space<hbm>>
      tpu.wait_dma2 semaphore(%run_scoped3A_298 : memref<!tpu.dma_semaphore, #tpu.memory_space<semaphore_mem>>) src(%dma_wait3A_306 : memref<624x64xf32, #tpu.memory_space<hbm>>) dst(%dma_wait3A_304 : memref<624x64xf32, #tpu.memory_space<vmem_shared>>)
      tpu.yield
    }) : () -> ()
    %eq3A_148 = arith.constant 0 : i32
    %eq3A_149 = arith.cmpi eq, %arg1, %eq3A_148 : i32
    %convert_element_type3A_150 = arith.extui %eq3A_149 : i1 to i32
    %cond3A_151 = arith.constant 0 : i32
    %cond3A_152 = arith.cmpi ne, %convert_element_type3A_150, %cond3A_151 : i32
    scf.if %cond3A_152 {
      "tpu.region"() ({
        %run_scoped3A_298 = tpu.sem_alloc : memref<!tpu.dma_semaphore, #tpu.memory_space<semaphore_mem>>
        %dma_start3A_299 = arith.constant 9984 : i32
        %dma_start3A_300 = arith.constant 0 : i32
        %dma_start3A_301 = tpu.memref_slice %arg12[%dma_start3A_299, %dma_start3A_300] : memref<10000x64xf32, #tpu.memory_space<vmem_shared>> -> memref<16x64xf32, #tpu.memory_space<vmem_shared>>
        %dma_start3A_302 = arith.constant 9984 : i32
        %dma_start3A_303 = arith.constant 0 : i32
        %dma_start3A_304 = tpu.memref_slice %arg3[%dma_start3A_302, %dma_start3A_303] : memref<10000x64xf32, #tpu.memory_space<hbm>> -> memref<16x64xf32, #tpu.memory_space<hbm>>
        tpu.enqueue_dma source(%dma_start3A_304 : memref<16x64xf32, #tpu.memory_space<hbm>>) target(%dma_start3A_301 : memref<16x64xf32, #tpu.memory_space<vmem_shared>>) target_semaphore(%run_scoped3A_298 : memref<!tpu.dma_semaphore, #tpu.memory_space<semaphore_mem>>)
        %dma_wait3A_305 = arith.constant 9984 : i32
        %dma_wait3A_306 = arith.constant 0 : i32
        %dma_wait3A_307 = tpu.memref_slice %arg12[%dma_wait3A_305, %dma_wait3A_306] : memref<10000x64xf32, #tpu.memory_space<vmem_shared>> -> memref<16x64xf32, #tpu.memory_space<vmem_shared>>
        %dma_wait3A_308 = arith.constant 9984 : i32
        %dma_wait3A_309 = arith.constant 0 : i32
        %dma_wait3A_310 = tpu.memref_slice %arg3[%dma_wait3A_308, %dma_wait3A_309] : memref<10000x64xf32, #tpu.memory_space<hbm>> -> memref<16x64xf32, #tpu.memory_space<hbm>>
        tpu.wait_dma2 semaphore(%run_scoped3A_298 : memref<!tpu.dma_semaphore, #tpu.memory_space<semaphore_mem>>) src(%dma_wait3A_310 : memref<16x64xf32, #tpu.memory_space<hbm>>) dst(%dma_wait3A_307 : memref<16x64xf32, #tpu.memory_space<vmem_shared>>)
        tpu.yield
      }) : () -> ()
    } else {
    }
    %barrier3A_153 = arith.constant 0 : index
    tpu.barrier barrier_id(%barrier3A_153)
    %multiple_of3A_154 = arith.constant 0 : i32
    %multiple_of3A_155 = tpu.assume_multiple %multiple_of3A_154, 8 : i32
    %dma_start3A_156 = arith.constant 0 : i32
    %dma_start3A_157 = arith.constant 0 : i32
    %dma_start3A_158 = arith.constant 0 : i32
    %dma_start3A_159 = arith.constant 0 : i32
    %dma_start3A_160 = tpu.memref_slice %arg9[%dma_start3A_156, %dma_start3A_158, %dma_start3A_159] : memref<5x80x64xf32, #tpu.memory_space<vmem>> -> memref<1x80x64xf32, #tpu.memory_space<vmem>>
    %dma_start3A_161 = tpu.memref_squeeze %dma_start3A_160 : memref<1x80x64xf32, #tpu.memory_space<vmem>> -> memref<80x64xf32, #tpu.memory_space<vmem>>
    %dma_start3A_162 = tpu.memref_slice %arg7[%multiple_of3A_155] : memref<10000xi32, #tpu.memory_space<vmem>> -> memref<80xi32, #tpu.memory_space<vmem>>
    %dma_start3A_163 = arith.constant 0 : i32
    %dma_start3A_164 = arith.constant 0 : i32
    %dma_start3A_165 = tpu.memref_slice %arg3[%dma_start3A_163, %dma_start3A_164] : memref<10000x64xf32, #tpu.memory_space<hbm>> -> memref<10000x64xf32, #tpu.memory_space<hbm>>
    %dma_start3A_166 = tpu.memref_slice %arg10[%dma_start3A_157] : memref<5x!tpu.dma_semaphore, #tpu.memory_space<semaphore_mem>> -> memref<1x!tpu.dma_semaphore, #tpu.memory_space<semaphore_mem>>
    %dma_start3A_167 = tpu.memref_squeeze %dma_start3A_166 : memref<1x!tpu.dma_semaphore, #tpu.memory_space<semaphore_mem>> -> memref<!tpu.dma_semaphore, #tpu.memory_space<semaphore_mem>>
    tpu.enqueue_indirect_dma source(%dma_start3A_165 : memref<10000x64xf32, #tpu.memory_space<hbm>>) target(%dma_start3A_161 : memref<80x64xf32, #tpu.memory_space<vmem>>) offsets(%dma_start3A_162 : memref<80xi32, #tpu.memory_space<vmem>>) semaphore(%dma_start3A_167 : memref<!tpu.dma_semaphore, #tpu.memory_space<semaphore_mem>>)
    %multiple_of3A_168 = arith.constant 80 : i32
    %multiple_of3A_169 = tpu.assume_multiple %multiple_of3A_168, 8 : i32
    %dma_start3A_170 = arith.constant 1 : i32
    %dma_start3A_171 = arith.constant 1 : i32
    %dma_start3A_172 = arith.constant 0 : i32
    %dma_start3A_173 = arith.constant 0 : i32
    %dma_start3A_174 = tpu.memref_slice %arg9[%dma_start3A_170, %dma_start3A_172, %dma_start3A_173] : memref<5x80x64xf32, #tpu.memory_space<vmem>> -> memref<1x80x64xf32, #tpu.memory_space<vmem>>
    %dma_start3A_175 = tpu.memref_squeeze %dma_start3A_174 : memref<1x80x64xf32, #tpu.memory_space<vmem>> -> memref<80x64xf32, #tpu.memory_space<vmem>>
    %dma_start3A_176 = tpu.memref_slice %arg7[%multiple_of3A_169] : memref<10000xi32, #tpu.memory_space<vmem>> -> memref<80xi32, #tpu.memory_space<vmem>>
    %dma_start3A_177 = arith.constant 0 : i32
    %dma_start3A_178 = arith.constant 0 : i32
    %dma_start3A_179 = tpu.memref_slice %arg3[%dma_start3A_177, %dma_start3A_178] : memref<10000x64xf32, #tpu.memory_space<hbm>> -> memref<10000x64xf32, #tpu.memory_space<hbm>>
    %dma_start3A_180 = tpu.memref_slice %arg10[%dma_start3A_171] : memref<5x!tpu.dma_semaphore, #tpu.memory_space<semaphore_mem>> -> memref<1x!tpu.dma_semaphore, #tpu.memory_space<semaphore_mem>>
    %dma_start3A_181 = tpu.memref_squeeze %dma_start3A_180 : memref<1x!tpu.dma_semaphore, #tpu.memory_space<semaphore_mem>> -> memref<!tpu.dma_semaphore, #tpu.memory_space<semaphore_mem>>
    tpu.enqueue_indirect_dma source(%dma_start3A_179 : memref<10000x64xf32, #tpu.memory_space<hbm>>) target(%dma_start3A_175 : memref<80x64xf32, #tpu.memory_space<vmem>>) offsets(%dma_start3A_176 : memref<80xi32, #tpu.memory_space<vmem>>) semaphore(%dma_start3A_181 : memref<!tpu.dma_semaphore, #tpu.memory_space<semaphore_mem>>)
    %multiple_of3A_182 = arith.constant 160 : i32
    %multiple_of3A_183 = tpu.assume_multiple %multiple_of3A_182, 8 : i32
    %dma_start3A_184 = arith.constant 2 : i32
    %dma_start3A_185 = arith.constant 2 : i32
    %dma_start3A_186 = arith.constant 0 : i32
    %dma_start3A_187 = arith.constant 0 : i32
    %dma_start3A_188 = tpu.memref_slice %arg9[%dma_start3A_184, %dma_start3A_186, %dma_start3A_187] : memref<5x80x64xf32, #tpu.memory_space<vmem>> -> memref<1x80x64xf32, #tpu.memory_space<vmem>>
    %dma_start3A_189 = tpu.memref_squeeze %dma_start3A_188 : memref<1x80x64xf32, #tpu.memory_space<vmem>> -> memref<80x64xf32, #tpu.memory_space<vmem>>
    %dma_start3A_190 = tpu.memref_slice %arg7[%multiple_of3A_183] : memref<10000xi32, #tpu.memory_space<vmem>> -> memref<80xi32, #tpu.memory_space<vmem>>
    %dma_start3A_191 = arith.constant 0 : i32
    %dma_start3A_192 = arith.constant 0 : i32
    %dma_start3A_193 = tpu.memref_slice %arg3[%dma_start3A_191, %dma_start3A_192] : memref<10000x64xf32, #tpu.memory_space<hbm>> -> memref<10000x64xf32, #tpu.memory_space<hbm>>
    %dma_start3A_194 = tpu.memref_slice %arg10[%dma_start3A_185] : memref<5x!tpu.dma_semaphore, #tpu.memory_space<semaphore_mem>> -> memref<1x!tpu.dma_semaphore, #tpu.memory_space<semaphore_mem>>
    %dma_start3A_195 = tpu.memref_squeeze %dma_start3A_194 : memref<1x!tpu.dma_semaphore, #tpu.memory_space<semaphore_mem>> -> memref<!tpu.dma_semaphore, #tpu.memory_space<semaphore_mem>>
    tpu.enqueue_indirect_dma source(%dma_start3A_193 : memref<10000x64xf32, #tpu.memory_space<hbm>>) target(%dma_start3A_189 : memref<80x64xf32, #tpu.memory_space<vmem>>) offsets(%dma_start3A_190 : memref<80xi32, #tpu.memory_space<vmem>>) semaphore(%dma_start3A_195 : memref<!tpu.dma_semaphore, #tpu.memory_space<semaphore_mem>>)
    %multiple_of3A_196 = arith.constant 240 : i32
    %multiple_of3A_197 = tpu.assume_multiple %multiple_of3A_196, 8 : i32
    %dma_start3A_198 = arith.constant 3 : i32
    %dma_start3A_199 = arith.constant 3 : i32
    %dma_start3A_200 = arith.constant 0 : i32
    %dma_start3A_201 = arith.constant 0 : i32
    %dma_start3A_202 = tpu.memref_slice %arg9[%dma_start3A_198, %dma_start3A_200, %dma_start3A_201] : memref<5x80x64xf32, #tpu.memory_space<vmem>> -> memref<1x80x64xf32, #tpu.memory_space<vmem>>
    %dma_start3A_203 = tpu.memref_squeeze %dma_start3A_202 : memref<1x80x64xf32, #tpu.memory_space<vmem>> -> memref<80x64xf32, #tpu.memory_space<vmem>>
    %dma_start3A_204 = tpu.memref_slice %arg7[%multiple_of3A_197] : memref<10000xi32, #tpu.memory_space<vmem>> -> memref<80xi32, #tpu.memory_space<vmem>>
    %dma_start3A_205 = arith.constant 0 : i32
    %dma_start3A_206 = arith.constant 0 : i32
    %dma_start3A_207 = tpu.memref_slice %arg3[%dma_start3A_205, %dma_start3A_206] : memref<10000x64xf32, #tpu.memory_space<hbm>> -> memref<10000x64xf32, #tpu.memory_space<hbm>>
    %dma_start3A_208 = tpu.memref_slice %arg10[%dma_start3A_199] : memref<5x!tpu.dma_semaphore, #tpu.memory_space<semaphore_mem>> -> memref<1x!tpu.dma_semaphore, #tpu.memory_space<semaphore_mem>>
    %dma_start3A_209 = tpu.memref_squeeze %dma_start3A_208 : memref<1x!tpu.dma_semaphore, #tpu.memory_space<semaphore_mem>> -> memref<!tpu.dma_semaphore, #tpu.memory_space<semaphore_mem>>
    tpu.enqueue_indirect_dma source(%dma_start3A_207 : memref<10000x64xf32, #tpu.memory_space<hbm>>) target(%dma_start3A_203 : memref<80x64xf32, #tpu.memory_space<vmem>>) offsets(%dma_start3A_204 : memref<80xi32, #tpu.memory_space<vmem>>) semaphore(%dma_start3A_209 : memref<!tpu.dma_semaphore, #tpu.memory_space<semaphore_mem>>)
    %scan3A_210 = arith.constant 0 : i32
    %scan3A_211 = arith.constant 0 : i32
    %scan3A_212 = arith.constant 25 : i32
    %scan3A_213 = arith.addi %scan3A_211, %scan3A_212 : i32
    %scan3A_214 = arith.constant 1 : i32
    scf.for %scan3A_298 = %scan3A_211 to %scan3A_213 step %scan3A_214  : i32 {
      %mul3A_299 = arith.constant 5 : i32
      %mul3A_300 = arith.muli %mul3A_299, %scan3A_298 : i32
      %add3A_301 = arith.constant 0 : i32
      %add3A_302 = arith.addi %mul3A_300, %add3A_301 : i32
      %dma_wait3A_303 = arith.constant 0 : i32
      %dma_wait3A_304 = arith.constant 0 : i32
      %dma_wait3A_305 = arith.constant 0 : i32
      %dma_wait3A_306 = arith.constant 0 : i32
      %dma_wait3A_307 = tpu.memref_slice %arg9[%dma_wait3A_303, %dma_wait3A_305, %dma_wait3A_306] : memref<5x80x64xf32, #tpu.memory_space<vmem>> -> memref<1x80x64xf32, #tpu.memory_space<vmem>>
      %dma_wait3A_308 = tpu.memref_squeeze %dma_wait3A_307 : memref<1x80x64xf32, #tpu.memory_space<vmem>> -> memref<80x64xf32, #tpu.memory_space<vmem>>
      %dma_wait3A_309 = arith.constant 0 : i32
      %dma_wait3A_310 = tpu.memref_slice %arg7[%dma_wait3A_309] : memref<10000xi32, #tpu.memory_space<vmem>> -> memref<80xi32, #tpu.memory_space<vmem>>
      %dma_wait3A_311 = arith.constant 0 : i32
      %dma_wait3A_312 = arith.constant 0 : i32
      %dma_wait3A_313 = tpu.memref_slice %arg3[%dma_wait3A_311, %dma_wait3A_312] : memref<10000x64xf32, #tpu.memory_space<hbm>> -> memref<10000x64xf32, #tpu.memory_space<hbm>>
      %dma_wait3A_314 = tpu.memref_slice %arg10[%dma_wait3A_304] : memref<5x!tpu.dma_semaphore, #tpu.memory_space<semaphore_mem>> -> memref<1x!tpu.dma_semaphore, #tpu.memory_space<semaphore_mem>>
      %dma_wait3A_315 = tpu.memref_squeeze %dma_wait3A_314 : memref<1x!tpu.dma_semaphore, #tpu.memory_space<semaphore_mem>> -> memref<!tpu.dma_semaphore, #tpu.memory_space<semaphore_mem>>
      tpu.wait_indirect_dma semaphore(%dma_wait3A_315 : memref<!tpu.dma_semaphore, #tpu.memory_space<semaphore_mem>>) src(%dma_wait3A_313 : memref<10000x64xf32, #tpu.memory_space<hbm>>) dst(%dma_wait3A_308 : memref<80x64xf32, #tpu.memory_space<vmem>>)
      %dma_start3A_316 = arith.constant 0 : i32
      %dma_start3A_317 = arith.constant 0 : i32
      %dma_start3A_318 = arith.constant 0 : i32
      %dma_start3A_319 = arith.constant 0 : i32
      %dma_start3A_320 = tpu.memref_slice %arg9[%dma_start3A_316, %dma_start3A_318, %dma_start3A_319] : memref<5x80x64xf32, #tpu.memory_space<vmem>> -> memref<1x80x64xf32, #tpu.memory_space<vmem>>
      %dma_start3A_321 = tpu.memref_squeeze %dma_start3A_320 : memref<1x80x64xf32, #tpu.memory_space<vmem>> -> memref<80x64xf32, #tpu.memory_space<vmem>>
      %dma_start3A_322 = arith.constant 0 : i32
      %dma_start3A_323 = tpu.memref_slice %arg8[%add3A_302, %dma_start3A_322] : memref<125x80xi32, #tpu.memory_space<vmem>> -> memref<1x80xi32, #tpu.memory_space<vmem>>
      %dma_start3A_324 = tpu.memref_squeeze %dma_start3A_323 : memref<1x80xi32, #tpu.memory_space<vmem>> -> memref<80xi32, #tpu.memory_space<vmem>>
      %dma_start3A_325 = arith.constant 0 : i32
      %dma_start3A_326 = arith.constant 0 : i32
      %dma_start3A_327 = tpu.memref_slice %arg12[%dma_start3A_325, %dma_start3A_326] : memref<10000x64xf32, #tpu.memory_space<vmem_shared>> -> memref<10000x64xf32, #tpu.memory_space<vmem_shared>>
      %dma_start3A_328 = tpu.memref_slice %arg11[%dma_start3A_317] : memref<5x!tpu.dma_semaphore, #tpu.memory_space<semaphore_mem>> -> memref<1x!tpu.dma_semaphore, #tpu.memory_space<semaphore_mem>>
      %dma_start3A_329 = tpu.memref_squeeze %dma_start3A_328 : memref<1x!tpu.dma_semaphore, #tpu.memory_space<semaphore_mem>> -> memref<!tpu.dma_semaphore, #tpu.memory_space<semaphore_mem>>
      tpu.enqueue_indirect_dma source(%dma_start3A_321 : memref<80x64xf32, #tpu.memory_space<vmem>>) target(%dma_start3A_327 : memref<10000x64xf32, #tpu.memory_space<vmem_shared>>) offsets(%dma_start3A_324 : memref<80xi32, #tpu.memory_space<vmem>>) semaphore(%dma_start3A_329 : memref<!tpu.dma_semaphore, #tpu.memory_space<semaphore_mem>>) {add = true}
      %ge3A = arith.constant 1 : i32
      %ge3A_330 = arith.cmpi sge, %scan3A_298, %ge3A : i32
      %convert_element_type3A_331 = arith.extui %ge3A_330 : i1 to i32
      %cond3A_332 = arith.constant 0 : i32
      %cond3A_333 = arith.cmpi ne, %convert_element_type3A_331, %cond3A_332 : i32
      scf.if %cond3A_333 {
        %dma_wait3A_489 = arith.constant 4 : i32
        %dma_wait3A_490 = arith.constant 0 : i32
        %dma_wait3A_491 = arith.constant 4 : i32
        %dma_wait3A_492 = arith.constant 0 : i32
        %dma_wait3A_493 = arith.constant 0 : i32
        %dma_wait3A_494 = tpu.memref_slice %arg9[%dma_wait3A_489, %dma_wait3A_492, %dma_wait3A_493] : memref<5x80x64xf32, #tpu.memory_space<vmem>> -> memref<1x80x64xf32, #tpu.memory_space<vmem>>
        %dma_wait3A_495 = tpu.memref_squeeze %dma_wait3A_494 : memref<1x80x64xf32, #tpu.memory_space<vmem>> -> memref<80x64xf32, #tpu.memory_space<vmem>>
        %dma_wait3A_496 = arith.constant 0 : i32
        %dma_wait3A_497 = tpu.memref_slice %arg8[%dma_wait3A_490, %dma_wait3A_496] : memref<125x80xi32, #tpu.memory_space<vmem>> -> memref<1x80xi32, #tpu.memory_space<vmem>>
        %dma_wait3A_498 = tpu.memref_squeeze %dma_wait3A_497 : memref<1x80xi32, #tpu.memory_space<vmem>> -> memref<80xi32, #tpu.memory_space<vmem>>
        %dma_wait3A_499 = arith.constant 0 : i32
        %dma_wait3A_500 = arith.constant 0 : i32
        %dma_wait3A_501 = tpu.memref_slice %arg12[%dma_wait3A_499, %dma_wait3A_500] : memref<10000x64xf32, #tpu.memory_space<vmem_shared>> -> memref<10000x64xf32, #tpu.memory_space<vmem_shared>>
        %dma_wait3A_502 = tpu.memref_slice %arg11[%dma_wait3A_491] : memref<5x!tpu.dma_semaphore, #tpu.memory_space<semaphore_mem>> -> memref<1x!tpu.dma_semaphore, #tpu.memory_space<semaphore_mem>>
        %dma_wait3A_503 = tpu.memref_squeeze %dma_wait3A_502 : memref<1x!tpu.dma_semaphore, #tpu.memory_space<semaphore_mem>> -> memref<!tpu.dma_semaphore, #tpu.memory_space<semaphore_mem>>
        tpu.wait_indirect_dma semaphore(%dma_wait3A_503 : memref<!tpu.dma_semaphore, #tpu.memory_space<semaphore_mem>>) src(%dma_wait3A_495 : memref<80x64xf32, #tpu.memory_space<vmem>>) dst(%dma_wait3A_501 : memref<10000x64xf32, #tpu.memory_space<vmem_shared>>)
        %add3A_504 = arith.constant 5 : i32
        %add3A_505 = arith.addi %add3A_302, %add3A_504 : i32
        %sub3A_506 = arith.constant 1 : i32
        %sub3A_507 = arith.subi %add3A_505, %sub3A_506 : i32
        %mul3A_508 = arith.constant 80 : i32
        %mul3A_509 = arith.muli %sub3A_507, %mul3A_508 : i32
        %multiple_of3A_510 = tpu.assume_multiple %mul3A_509, 8 : i32
        %dma_start3A_511 = arith.constant 4 : i32
        %dma_start3A_512 = arith.constant 4 : i32
        %dma_start3A_513 = arith.constant 0 : i32
        %dma_start3A_514 = arith.constant 0 : i32
        %dma_start3A_515 = tpu.memref_slice %arg9[%dma_start3A_511, %dma_start3A_513, %dma_start3A_514] : memref<5x80x64xf32, #tpu.memory_space<vmem>> -> memref<1x80x64xf32, #tpu.memory_space<vmem>>
        %dma_start3A_516 = tpu.memref_squeeze %dma_start3A_515 : memref<1x80x64xf32, #tpu.memory_space<vmem>> -> memref<80x64xf32, #tpu.memory_space<vmem>>
        %dma_start3A_517 = tpu.memref_slice %arg7[%multiple_of3A_510] : memref<10000xi32, #tpu.memory_space<vmem>> -> memref<80xi32, #tpu.memory_space<vmem>>
        %dma_start3A_518 = arith.constant 0 : i32
        %dma_start3A_519 = arith.constant 0 : i32
        %dma_start3A_520 = tpu.memref_slice %arg3[%dma_start3A_518, %dma_start3A_519] : memref<10000x64xf32, #tpu.memory_space<hbm>> -> memref<10000x64xf32, #tpu.memory_space<hbm>>
        %dma_start3A_521 = tpu.memref_slice %arg10[%dma_start3A_512] : memref<5x!tpu.dma_semaphore, #tpu.memory_space<semaphore_mem>> -> memref<1x!tpu.dma_semaphore, #tpu.memory_space<semaphore_mem>>
        %dma_start3A_522 = tpu.memref_squeeze %dma_start3A_521 : memref<1x!tpu.dma_semaphore, #tpu.memory_space<semaphore_mem>> -> memref<!tpu.dma_semaphore, #tpu.memory_space<semaphore_mem>>
        tpu.enqueue_indirect_dma source(%dma_start3A_520 : memref<10000x64xf32, #tpu.memory_space<hbm>>) target(%dma_start3A_516 : memref<80x64xf32, #tpu.memory_space<vmem>>) offsets(%dma_start3A_517 : memref<80xi32, #tpu.memory_space<vmem>>) semaphore(%dma_start3A_522 : memref<!tpu.dma_semaphore, #tpu.memory_space<semaphore_mem>>)
      } else {
      }
      %lt3A = arith.constant 1 : i32
      %lt3A_334 = arith.cmpi slt, %scan3A_298, %lt3A : i32
      %convert_element_type3A_335 = arith.extui %lt3A_334 : i1 to i32
      %cond3A_336 = arith.constant 0 : i32
      %cond3A_337 = arith.cmpi ne, %convert_element_type3A_335, %cond3A_336 : i32
      scf.if %cond3A_337 {
        %add3A_489 = arith.constant 5 : i32
        %add3A_490 = arith.addi %add3A_302, %add3A_489 : i32
        %sub3A_491 = arith.constant 1 : i32
        %sub3A_492 = arith.subi %add3A_490, %sub3A_491 : i32
        %mul3A_493 = arith.constant 80 : i32
        %mul3A_494 = arith.muli %sub3A_492, %mul3A_493 : i32
        %multiple_of3A_495 = tpu.assume_multiple %mul3A_494, 8 : i32
        %dma_start3A_496 = arith.constant 4 : i32
        %dma_start3A_497 = arith.constant 4 : i32
        %dma_start3A_498 = arith.constant 0 : i32
        %dma_start3A_499 = arith.constant 0 : i32
        %dma_start3A_500 = tpu.memref_slice %arg9[%dma_start3A_496, %dma_start3A_498, %dma_start3A_499] : memref<5x80x64xf32, #tpu.memory_space<vmem>> -> memref<1x80x64xf32, #tpu.memory_space<vmem>>
        %dma_start3A_501 = tpu.memref_squeeze %dma_start3A_500 : memref<1x80x64xf32, #tpu.memory_space<vmem>> -> memref<80x64xf32, #tpu.memory_space<vmem>>
        %dma_start3A_502 = tpu.memref_slice %arg7[%multiple_of3A_495] : memref<10000xi32, #tpu.memory_space<vmem>> -> memref<80xi32, #tpu.memory_space<vmem>>
        %dma_start3A_503 = arith.constant 0 : i32
        %dma_start3A_504 = arith.constant 0 : i32
        %dma_start3A_505 = tpu.memref_slice %arg3[%dma_start3A_503, %dma_start3A_504] : memref<10000x64xf32, #tpu.memory_space<hbm>> -> memref<10000x64xf32, #tpu.memory_space<hbm>>
        %dma_start3A_506 = tpu.memref_slice %arg10[%dma_start3A_497] : memref<5x!tpu.dma_semaphore, #tpu.memory_space<semaphore_mem>> -> memref<1x!tpu.dma_semaphore, #tpu.memory_space<semaphore_mem>>
        %dma_start3A_507 = tpu.memref_squeeze %dma_start3A_506 : memref<1x!tpu.dma_semaphore, #tpu.memory_space<semaphore_mem>> -> memref<!tpu.dma_semaphore, #tpu.memory_space<semaphore_mem>>
        tpu.enqueue_indirect_dma source(%dma_start3A_505 : memref<10000x64xf32, #tpu.memory_space<hbm>>) target(%dma_start3A_501 : memref<80x64xf32, #tpu.memory_space<vmem>>) offsets(%dma_start3A_502 : memref<80xi32, #tpu.memory_space<vmem>>) semaphore(%dma_start3A_507 : memref<!tpu.dma_semaphore, #tpu.memory_space<semaphore_mem>>)
      } else {
      }
      %add3A_338 = arith.constant 1 : i32
      %add3A_339 = arith.addi %mul3A_300, %add3A_338 : i32
      %dma_wait3A_340 = arith.constant 1 : i32
      %dma_wait3A_341 = arith.constant 1 : i32
      %dma_wait3A_342 = arith.constant 0 : i32
      %dma_wait3A_343 = arith.constant 0 : i32
      %dma_wait3A_344 = tpu.memref_slice %arg9[%dma_wait3A_340, %dma_wait3A_342, %dma_wait3A_343] : memref<5x80x64xf32, #tpu.memory_space<vmem>> -> memref<1x80x64xf32, #tpu.memory_space<vmem>>
      %dma_wait3A_345 = tpu.memref_squeeze %dma_wait3A_344 : memref<1x80x64xf32, #tpu.memory_space<vmem>> -> memref<80x64xf32, #tpu.memory_space<vmem>>
      %dma_wait3A_346 = arith.constant 0 : i32
      %dma_wait3A_347 = tpu.memref_slice %arg7[%dma_wait3A_346] : memref<10000xi32, #tpu.memory_space<vmem>> -> memref<80xi32, #tpu.memory_space<vmem>>
      %dma_wait3A_348 = arith.constant 0 : i32
      %dma_wait3A_349 = arith.constant 0 : i32
      %dma_wait3A_350 = tpu.memref_slice %arg3[%dma_wait3A_348, %dma_wait3A_349] : memref<10000x64xf32, #tpu.memory_space<hbm>> -> memref<10000x64xf32, #tpu.memory_space<hbm>>
      %dma_wait3A_351 = tpu.memref_slice %arg10[%dma_wait3A_341] : memref<5x!tpu.dma_semaphore, #tpu.memory_space<semaphore_mem>> -> memref<1x!tpu.dma_semaphore, #tpu.memory_space<semaphore_mem>>
      %dma_wait3A_352 = tpu.memref_squeeze %dma_wait3A_351 : memref<1x!tpu.dma_semaphore, #tpu.memory_space<semaphore_mem>> -> memref<!tpu.dma_semaphore, #tpu.memory_space<semaphore_mem>>
      tpu.wait_indirect_dma semaphore(%dma_wait3A_352 : memref<!tpu.dma_semaphore, #tpu.memory_space<semaphore_mem>>) src(%dma_wait3A_350 : memref<10000x64xf32, #tpu.memory_space<hbm>>) dst(%dma_wait3A_345 : memref<80x64xf32, #tpu.memory_space<vmem>>)
      %dma_start3A_353 = arith.constant 1 : i32
      %dma_start3A_354 = arith.constant 1 : i32
      %dma_start3A_355 = arith.constant 0 : i32
      %dma_start3A_356 = arith.constant 0 : i32
      %dma_start3A_357 = tpu.memref_slice %arg9[%dma_start3A_353, %dma_start3A_355, %dma_start3A_356] : memref<5x80x64xf32, #tpu.memory_space<vmem>> -> memref<1x80x64xf32, #tpu.memory_space<vmem>>
      %dma_start3A_358 = tpu.memref_squeeze %dma_start3A_357 : memref<1x80x64xf32, #tpu.memory_space<vmem>> -> memref<80x64xf32, #tpu.memory_space<vmem>>
      %dma_start3A_359 = arith.constant 0 : i32
      %dma_start3A_360 = tpu.memref_slice %arg8[%add3A_339, %dma_start3A_359] : memref<125x80xi32, #tpu.memory_space<vmem>> -> memref<1x80xi32, #tpu.memory_space<vmem>>
      %dma_start3A_361 = tpu.memref_squeeze %dma_start3A_360 : memref<1x80xi32, #tpu.memory_space<vmem>> -> memref<80xi32, #tpu.memory_space<vmem>>
      %dma_start3A_362 = arith.constant 0 : i32
      %dma_start3A_363 = arith.constant 0 : i32
      %dma_start3A_364 = tpu.memref_slice %arg12[%dma_start3A_362, %dma_start3A_363] : memref<10000x64xf32, #tpu.memory_space<vmem_shared>> -> memref<10000x64xf32, #tpu.memory_space<vmem_shared>>
      %dma_start3A_365 = tpu.memref_slice %arg11[%dma_start3A_354] : memref<5x!tpu.dma_semaphore, #tpu.memory_space<semaphore_mem>> -> memref<1x!tpu.dma_semaphore, #tpu.memory_space<semaphore_mem>>
      %dma_start3A_366 = tpu.memref_squeeze %dma_start3A_365 : memref<1x!tpu.dma_semaphore, #tpu.memory_space<semaphore_mem>> -> memref<!tpu.dma_semaphore, #tpu.memory_space<semaphore_mem>>
      tpu.enqueue_indirect_dma source(%dma_start3A_358 : memref<80x64xf32, #tpu.memory_space<vmem>>) target(%dma_start3A_364 : memref<10000x64xf32, #tpu.memory_space<vmem_shared>>) offsets(%dma_start3A_361 : memref<80xi32, #tpu.memory_space<vmem>>) semaphore(%dma_start3A_366 : memref<!tpu.dma_semaphore, #tpu.memory_space<semaphore_mem>>) {add = true}
      %add3A_367 = arith.constant 5 : i32
      %add3A_368 = arith.addi %add3A_339, %add3A_367 : i32
      %sub3A = arith.constant 1 : i32
      %sub3A_369 = arith.subi %add3A_368, %sub3A : i32
      %lt3A_370 = arith.constant 125 : i32
      %lt3A_371 = arith.cmpi slt, %sub3A_369, %lt3A_370 : i32
      %convert_element_type3A_372 = arith.extui %lt3A_371 : i1 to i32
      %cond3A_373 = arith.constant 0 : i32
      %cond3A_374 = arith.cmpi ne, %convert_element_type3A_372, %cond3A_373 : i32
      scf.if %cond3A_374 {
        %dma_wait3A_489 = arith.constant 0 : i32
        %dma_wait3A_490 = arith.constant 0 : i32
        %dma_wait3A_491 = arith.constant 0 : i32
        %dma_wait3A_492 = arith.constant 0 : i32
        %dma_wait3A_493 = arith.constant 0 : i32
        %dma_wait3A_494 = tpu.memref_slice %arg9[%dma_wait3A_489, %dma_wait3A_492, %dma_wait3A_493] : memref<5x80x64xf32, #tpu.memory_space<vmem>> -> memref<1x80x64xf32, #tpu.memory_space<vmem>>
        %dma_wait3A_495 = tpu.memref_squeeze %dma_wait3A_494 : memref<1x80x64xf32, #tpu.memory_space<vmem>> -> memref<80x64xf32, #tpu.memory_space<vmem>>
        %dma_wait3A_496 = arith.constant 0 : i32
        %dma_wait3A_497 = tpu.memref_slice %arg8[%dma_wait3A_490, %dma_wait3A_496] : memref<125x80xi32, #tpu.memory_space<vmem>> -> memref<1x80xi32, #tpu.memory_space<vmem>>
        %dma_wait3A_498 = tpu.memref_squeeze %dma_wait3A_497 : memref<1x80xi32, #tpu.memory_space<vmem>> -> memref<80xi32, #tpu.memory_space<vmem>>
        %dma_wait3A_499 = arith.constant 0 : i32
        %dma_wait3A_500 = arith.constant 0 : i32
        %dma_wait3A_501 = tpu.memref_slice %arg12[%dma_wait3A_499, %dma_wait3A_500] : memref<10000x64xf32, #tpu.memory_space<vmem_shared>> -> memref<10000x64xf32, #tpu.memory_space<vmem_shared>>
        %dma_wait3A_502 = tpu.memref_slice %arg11[%dma_wait3A_491] : memref<5x!tpu.dma_semaphore, #tpu.memory_space<semaphore_mem>> -> memref<1x!tpu.dma_semaphore, #tpu.memory_space<semaphore_mem>>
        %dma_wait3A_503 = tpu.memref_squeeze %dma_wait3A_502 : memref<1x!tpu.dma_semaphore, #tpu.memory_space<semaphore_mem>> -> memref<!tpu.dma_semaphore, #tpu.memory_space<semaphore_mem>>
        tpu.wait_indirect_dma semaphore(%dma_wait3A_503 : memref<!tpu.dma_semaphore, #tpu.memory_space<semaphore_mem>>) src(%dma_wait3A_495 : memref<80x64xf32, #tpu.memory_space<vmem>>) dst(%dma_wait3A_501 : memref<10000x64xf32, #tpu.memory_space<vmem_shared>>)
        %add3A_504 = arith.constant 5 : i32
        %add3A_505 = arith.addi %add3A_339, %add3A_504 : i32
        %sub3A_506 = arith.constant 1 : i32
        %sub3A_507 = arith.subi %add3A_505, %sub3A_506 : i32
        %mul3A_508 = arith.constant 80 : i32
        %mul3A_509 = arith.muli %sub3A_507, %mul3A_508 : i32
        %multiple_of3A_510 = tpu.assume_multiple %mul3A_509, 8 : i32
        %dma_start3A_511 = arith.constant 0 : i32
        %dma_start3A_512 = arith.constant 0 : i32
        %dma_start3A_513 = arith.constant 0 : i32
        %dma_start3A_514 = arith.constant 0 : i32
        %dma_start3A_515 = tpu.memref_slice %arg9[%dma_start3A_511, %dma_start3A_513, %dma_start3A_514] : memref<5x80x64xf32, #tpu.memory_space<vmem>> -> memref<1x80x64xf32, #tpu.memory_space<vmem>>
        %dma_start3A_516 = tpu.memref_squeeze %dma_start3A_515 : memref<1x80x64xf32, #tpu.memory_space<vmem>> -> memref<80x64xf32, #tpu.memory_space<vmem>>
        %dma_start3A_517 = tpu.memref_slice %arg7[%multiple_of3A_510] : memref<10000xi32, #tpu.memory_space<vmem>> -> memref<80xi32, #tpu.memory_space<vmem>>
        %dma_start3A_518 = arith.constant 0 : i32
        %dma_start3A_519 = arith.constant 0 : i32
        %dma_start3A_520 = tpu.memref_slice %arg3[%dma_start3A_518, %dma_start3A_519] : memref<10000x64xf32, #tpu.memory_space<hbm>> -> memref<10000x64xf32, #tpu.memory_space<hbm>>
        %dma_start3A_521 = tpu.memref_slice %arg10[%dma_start3A_512] : memref<5x!tpu.dma_semaphore, #tpu.memory_space<semaphore_mem>> -> memref<1x!tpu.dma_semaphore, #tpu.memory_space<semaphore_mem>>
        %dma_start3A_522 = tpu.memref_squeeze %dma_start3A_521 : memref<1x!tpu.dma_semaphore, #tpu.memory_space<semaphore_mem>> -> memref<!tpu.dma_semaphore, #tpu.memory_space<semaphore_mem>>
        tpu.enqueue_indirect_dma source(%dma_start3A_520 : memref<10000x64xf32, #tpu.memory_space<hbm>>) target(%dma_start3A_516 : memref<80x64xf32, #tpu.memory_space<vmem>>) offsets(%dma_start3A_517 : memref<80xi32, #tpu.memory_space<vmem>>) semaphore(%dma_start3A_522 : memref<!tpu.dma_semaphore, #tpu.memory_space<semaphore_mem>>)
      } else {
      }
      %add3A_375 = arith.constant 2 : i32
      %add3A_376 = arith.addi %mul3A_300, %add3A_375 : i32
      %dma_wait3A_377 = arith.constant 2 : i32
      %dma_wait3A_378 = arith.constant 2 : i32
      %dma_wait3A_379 = arith.constant 0 : i32
      %dma_wait3A_380 = arith.constant 0 : i32
      %dma_wait3A_381 = tpu.memref_slice %arg9[%dma_wait3A_377, %dma_wait3A_379, %dma_wait3A_380] : memref<5x80x64xf32, #tpu.memory_space<vmem>> -> memref<1x80x64xf32, #tpu.memory_space<vmem>>
      %dma_wait3A_382 = tpu.memref_squeeze %dma_wait3A_381 : memref<1x80x64xf32, #tpu.memory_space<vmem>> -> memref<80x64xf32, #tpu.memory_space<vmem>>
      %dma_wait3A_383 = arith.constant 0 : i32
      %dma_wait3A_384 = tpu.memref_slice %arg7[%dma_wait3A_383] : memref<10000xi32, #tpu.memory_space<vmem>> -> memref<80xi32, #tpu.memory_space<vmem>>
      %dma_wait3A_385 = arith.constant 0 : i32
      %dma_wait3A_386 = arith.constant 0 : i32
      %dma_wait3A_387 = tpu.memref_slice %arg3[%dma_wait3A_385, %dma_wait3A_386] : memref<10000x64xf32, #tpu.memory_space<hbm>> -> memref<10000x64xf32, #tpu.memory_space<hbm>>
      %dma_wait3A_388 = tpu.memref_slice %arg10[%dma_wait3A_378] : memref<5x!tpu.dma_semaphore, #tpu.memory_space<semaphore_mem>> -> memref<1x!tpu.dma_semaphore, #tpu.memory_space<semaphore_mem>>
      %dma_wait3A_389 = tpu.memref_squeeze %dma_wait3A_388 : memref<1x!tpu.dma_semaphore, #tpu.memory_space<semaphore_mem>> -> memref<!tpu.dma_semaphore, #tpu.memory_space<semaphore_mem>>
      tpu.wait_indirect_dma semaphore(%dma_wait3A_389 : memref<!tpu.dma_semaphore, #tpu.memory_space<semaphore_mem>>) src(%dma_wait3A_387 : memref<10000x64xf32, #tpu.memory_space<hbm>>) dst(%dma_wait3A_382 : memref<80x64xf32, #tpu.memory_space<vmem>>)
      %dma_start3A_390 = arith.constant 2 : i32
      %dma_start3A_391 = arith.constant 2 : i32
      %dma_start3A_392 = arith.constant 0 : i32
      %dma_start3A_393 = arith.constant 0 : i32
      %dma_start3A_394 = tpu.memref_slice %arg9[%dma_start3A_390, %dma_start3A_392, %dma_start3A_393] : memref<5x80x64xf32, #tpu.memory_space<vmem>> -> memref<1x80x64xf32, #tpu.memory_space<vmem>>
      %dma_start3A_395 = tpu.memref_squeeze %dma_start3A_394 : memref<1x80x64xf32, #tpu.memory_space<vmem>> -> memref<80x64xf32, #tpu.memory_space<vmem>>
      %dma_start3A_396 = arith.constant 0 : i32
      %dma_start3A_397 = tpu.memref_slice %arg8[%add3A_376, %dma_start3A_396] : memref<125x80xi32, #tpu.memory_space<vmem>> -> memref<1x80xi32, #tpu.memory_space<vmem>>
      %dma_start3A_398 = tpu.memref_squeeze %dma_start3A_397 : memref<1x80xi32, #tpu.memory_space<vmem>> -> memref<80xi32, #tpu.memory_space<vmem>>
      %dma_start3A_399 = arith.constant 0 : i32
      %dma_start3A_400 = arith.constant 0 : i32
      %dma_start3A_401 = tpu.memref_slice %arg12[%dma_start3A_399, %dma_start3A_400] : memref<10000x64xf32, #tpu.memory_space<vmem_shared>> -> memref<10000x64xf32, #tpu.memory_space<vmem_shared>>
      %dma_start3A_402 = tpu.memref_slice %arg11[%dma_start3A_391] : memref<5x!tpu.dma_semaphore, #tpu.memory_space<semaphore_mem>> -> memref<1x!tpu.dma_semaphore, #tpu.memory_space<semaphore_mem>>
      %dma_start3A_403 = tpu.memref_squeeze %dma_start3A_402 : memref<1x!tpu.dma_semaphore, #tpu.memory_space<semaphore_mem>> -> memref<!tpu.dma_semaphore, #tpu.memory_space<semaphore_mem>>
      tpu.enqueue_indirect_dma source(%dma_start3A_395 : memref<80x64xf32, #tpu.memory_space<vmem>>) target(%dma_start3A_401 : memref<10000x64xf32, #tpu.memory_space<vmem_shared>>) offsets(%dma_start3A_398 : memref<80xi32, #tpu.memory_space<vmem>>) semaphore(%dma_start3A_403 : memref<!tpu.dma_semaphore, #tpu.memory_space<semaphore_mem>>) {add = true}
      %add3A_404 = arith.constant 5 : i32
      %add3A_405 = arith.addi %add3A_376, %add3A_404 : i32
      %sub3A_406 = arith.constant 1 : i32
      %sub3A_407 = arith.subi %add3A_405, %sub3A_406 : i32
      %lt3A_408 = arith.constant 125 : i32
      %lt3A_409 = arith.cmpi slt, %sub3A_407, %lt3A_408 : i32
      %convert_element_type3A_410 = arith.extui %lt3A_409 : i1 to i32
      %cond3A_411 = arith.constant 0 : i32
      %cond3A_412 = arith.cmpi ne, %convert_element_type3A_410, %cond3A_411 : i32
      scf.if %cond3A_412 {
        %dma_wait3A_489 = arith.constant 1 : i32
        %dma_wait3A_490 = arith.constant 0 : i32
        %dma_wait3A_491 = arith.constant 1 : i32
        %dma_wait3A_492 = arith.constant 0 : i32
        %dma_wait3A_493 = arith.constant 0 : i32
        %dma_wait3A_494 = tpu.memref_slice %arg9[%dma_wait3A_489, %dma_wait3A_492, %dma_wait3A_493] : memref<5x80x64xf32, #tpu.memory_space<vmem>> -> memref<1x80x64xf32, #tpu.memory_space<vmem>>
        %dma_wait3A_495 = tpu.memref_squeeze %dma_wait3A_494 : memref<1x80x64xf32, #tpu.memory_space<vmem>> -> memref<80x64xf32, #tpu.memory_space<vmem>>
        %dma_wait3A_496 = arith.constant 0 : i32
        %dma_wait3A_497 = tpu.memref_slice %arg8[%dma_wait3A_490, %dma_wait3A_496] : memref<125x80xi32, #tpu.memory_space<vmem>> -> memref<1x80xi32, #tpu.memory_space<vmem>>
        %dma_wait3A_498 = tpu.memref_squeeze %dma_wait3A_497 : memref<1x80xi32, #tpu.memory_space<vmem>> -> memref<80xi32, #tpu.memory_space<vmem>>
        %dma_wait3A_499 = arith.constant 0 : i32
        %dma_wait3A_500 = arith.constant 0 : i32
        %dma_wait3A_501 = tpu.memref_slice %arg12[%dma_wait3A_499, %dma_wait3A_500] : memref<10000x64xf32, #tpu.memory_space<vmem_shared>> -> memref<10000x64xf32, #tpu.memory_space<vmem_shared>>
        %dma_wait3A_502 = tpu.memref_slice %arg11[%dma_wait3A_491] : memref<5x!tpu.dma_semaphore, #tpu.memory_space<semaphore_mem>> -> memref<1x!tpu.dma_semaphore, #tpu.memory_space<semaphore_mem>>
        %dma_wait3A_503 = tpu.memref_squeeze %dma_wait3A_502 : memref<1x!tpu.dma_semaphore, #tpu.memory_space<semaphore_mem>> -> memref<!tpu.dma_semaphore, #tpu.memory_space<semaphore_mem>>
        tpu.wait_indirect_dma semaphore(%dma_wait3A_503 : memref<!tpu.dma_semaphore, #tpu.memory_space<semaphore_mem>>) src(%dma_wait3A_495 : memref<80x64xf32, #tpu.memory_space<vmem>>) dst(%dma_wait3A_501 : memref<10000x64xf32, #tpu.memory_space<vmem_shared>>)
        %add3A_504 = arith.constant 5 : i32
        %add3A_505 = arith.addi %add3A_376, %add3A_504 : i32
        %sub3A_506 = arith.constant 1 : i32
        %sub3A_507 = arith.subi %add3A_505, %sub3A_506 : i32
        %mul3A_508 = arith.constant 80 : i32
        %mul3A_509 = arith.muli %sub3A_507, %mul3A_508 : i32
        %multiple_of3A_510 = tpu.assume_multiple %mul3A_509, 8 : i32
        %dma_start3A_511 = arith.constant 1 : i32
        %dma_start3A_512 = arith.constant 1 : i32
        %dma_start3A_513 = arith.constant 0 : i32
        %dma_start3A_514 = arith.constant 0 : i32
        %dma_start3A_515 = tpu.memref_slice %arg9[%dma_start3A_511, %dma_start3A_513, %dma_start3A_514] : memref<5x80x64xf32, #tpu.memory_space<vmem>> -> memref<1x80x64xf32, #tpu.memory_space<vmem>>
        %dma_start3A_516 = tpu.memref_squeeze %dma_start3A_515 : memref<1x80x64xf32, #tpu.memory_space<vmem>> -> memref<80x64xf32, #tpu.memory_space<vmem>>
        %dma_start3A_517 = tpu.memref_slice %arg7[%multiple_of3A_510] : memref<10000xi32, #tpu.memory_space<vmem>> -> memref<80xi32, #tpu.memory_space<vmem>>
        %dma_start3A_518 = arith.constant 0 : i32
        %dma_start3A_519 = arith.constant 0 : i32
        %dma_start3A_520 = tpu.memref_slice %arg3[%dma_start3A_518, %dma_start3A_519] : memref<10000x64xf32, #tpu.memory_space<hbm>> -> memref<10000x64xf32, #tpu.memory_space<hbm>>
        %dma_start3A_521 = tpu.memref_slice %arg10[%dma_start3A_512] : memref<5x!tpu.dma_semaphore, #tpu.memory_space<semaphore_mem>> -> memref<1x!tpu.dma_semaphore, #tpu.memory_space<semaphore_mem>>
        %dma_start3A_522 = tpu.memref_squeeze %dma_start3A_521 : memref<1x!tpu.dma_semaphore, #tpu.memory_space<semaphore_mem>> -> memref<!tpu.dma_semaphore, #tpu.memory_space<semaphore_mem>>
        tpu.enqueue_indirect_dma source(%dma_start3A_520 : memref<10000x64xf32, #tpu.memory_space<hbm>>) target(%dma_start3A_516 : memref<80x64xf32, #tpu.memory_space<vmem>>) offsets(%dma_start3A_517 : memref<80xi32, #tpu.memory_space<vmem>>) semaphore(%dma_start3A_522 : memref<!tpu.dma_semaphore, #tpu.memory_space<semaphore_mem>>)
      } else {
      }
      %add3A_413 = arith.constant 3 : i32
      %add3A_414 = arith.addi %mul3A_300, %add3A_413 : i32
      %dma_wait3A_415 = arith.constant 3 : i32
      %dma_wait3A_416 = arith.constant 3 : i32
      %dma_wait3A_417 = arith.constant 0 : i32
      %dma_wait3A_418 = arith.constant 0 : i32
      %dma_wait3A_419 = tpu.memref_slice %arg9[%dma_wait3A_415, %dma_wait3A_417, %dma_wait3A_418] : memref<5x80x64xf32, #tpu.memory_space<vmem>> -> memref<1x80x64xf32, #tpu.memory_space<vmem>>
      %dma_wait3A_420 = tpu.memref_squeeze %dma_wait3A_419 : memref<1x80x64xf32, #tpu.memory_space<vmem>> -> memref<80x64xf32, #tpu.memory_space<vmem>>
      %dma_wait3A_421 = arith.constant 0 : i32
      %dma_wait3A_422 = tpu.memref_slice %arg7[%dma_wait3A_421] : memref<10000xi32, #tpu.memory_space<vmem>> -> memref<80xi32, #tpu.memory_space<vmem>>
      %dma_wait3A_423 = arith.constant 0 : i32
      %dma_wait3A_424 = arith.constant 0 : i32
      %dma_wait3A_425 = tpu.memref_slice %arg3[%dma_wait3A_423, %dma_wait3A_424] : memref<10000x64xf32, #tpu.memory_space<hbm>> -> memref<10000x64xf32, #tpu.memory_space<hbm>>
      %dma_wait3A_426 = tpu.memref_slice %arg10[%dma_wait3A_416] : memref<5x!tpu.dma_semaphore, #tpu.memory_space<semaphore_mem>> -> memref<1x!tpu.dma_semaphore, #tpu.memory_space<semaphore_mem>>
      %dma_wait3A_427 = tpu.memref_squeeze %dma_wait3A_426 : memref<1x!tpu.dma_semaphore, #tpu.memory_space<semaphore_mem>> -> memref<!tpu.dma_semaphore, #tpu.memory_space<semaphore_mem>>
      tpu.wait_indirect_dma semaphore(%dma_wait3A_427 : memref<!tpu.dma_semaphore, #tpu.memory_space<semaphore_mem>>) src(%dma_wait3A_425 : memref<10000x64xf32, #tpu.memory_space<hbm>>) dst(%dma_wait3A_420 : memref<80x64xf32, #tpu.memory_space<vmem>>)
      %dma_start3A_428 = arith.constant 3 : i32
      %dma_start3A_429 = arith.constant 3 : i32
      %dma_start3A_430 = arith.constant 0 : i32
      %dma_start3A_431 = arith.constant 0 : i32
      %dma_start3A_432 = tpu.memref_slice %arg9[%dma_start3A_428, %dma_start3A_430, %dma_start3A_431] : memref<5x80x64xf32, #tpu.memory_space<vmem>> -> memref<1x80x64xf32, #tpu.memory_space<vmem>>
      %dma_start3A_433 = tpu.memref_squeeze %dma_start3A_432 : memref<1x80x64xf32, #tpu.memory_space<vmem>> -> memref<80x64xf32, #tpu.memory_space<vmem>>
      %dma_start3A_434 = arith.constant 0 : i32
      %dma_start3A_435 = tpu.memref_slice %arg8[%add3A_414, %dma_start3A_434] : memref<125x80xi32, #tpu.memory_space<vmem>> -> memref<1x80xi32, #tpu.memory_space<vmem>>
      %dma_start3A_436 = tpu.memref_squeeze %dma_start3A_435 : memref<1x80xi32, #tpu.memory_space<vmem>> -> memref<80xi32, #tpu.memory_space<vmem>>
      %dma_start3A_437 = arith.constant 0 : i32
      %dma_start3A_438 = arith.constant 0 : i32
      %dma_start3A_439 = tpu.memref_slice %arg12[%dma_start3A_437, %dma_start3A_438] : memref<10000x64xf32, #tpu.memory_space<vmem_shared>> -> memref<10000x64xf32, #tpu.memory_space<vmem_shared>>
      %dma_start3A_440 = tpu.memref_slice %arg11[%dma_start3A_429] : memref<5x!tpu.dma_semaphore, #tpu.memory_space<semaphore_mem>> -> memref<1x!tpu.dma_semaphore, #tpu.memory_space<semaphore_mem>>
      %dma_start3A_441 = tpu.memref_squeeze %dma_start3A_440 : memref<1x!tpu.dma_semaphore, #tpu.memory_space<semaphore_mem>> -> memref<!tpu.dma_semaphore, #tpu.memory_space<semaphore_mem>>
      tpu.enqueue_indirect_dma source(%dma_start3A_433 : memref<80x64xf32, #tpu.memory_space<vmem>>) target(%dma_start3A_439 : memref<10000x64xf32, #tpu.memory_space<vmem_shared>>) offsets(%dma_start3A_436 : memref<80xi32, #tpu.memory_space<vmem>>) semaphore(%dma_start3A_441 : memref<!tpu.dma_semaphore, #tpu.memory_space<semaphore_mem>>) {add = true}
      %add3A_442 = arith.constant 5 : i32
      %add3A_443 = arith.addi %add3A_414, %add3A_442 : i32
      %sub3A_444 = arith.constant 1 : i32
      %sub3A_445 = arith.subi %add3A_443, %sub3A_444 : i32
      %lt3A_446 = arith.constant 125 : i32
      %lt3A_447 = arith.cmpi slt, %sub3A_445, %lt3A_446 : i32
      %convert_element_type3A_448 = arith.extui %lt3A_447 : i1 to i32
      %cond3A_449 = arith.constant 0 : i32
      %cond3A_450 = arith.cmpi ne, %convert_element_type3A_448, %cond3A_449 : i32
      scf.if %cond3A_450 {
        %dma_wait3A_489 = arith.constant 2 : i32
        %dma_wait3A_490 = arith.constant 0 : i32
        %dma_wait3A_491 = arith.constant 2 : i32
        %dma_wait3A_492 = arith.constant 0 : i32
        %dma_wait3A_493 = arith.constant 0 : i32
        %dma_wait3A_494 = tpu.memref_slice %arg9[%dma_wait3A_489, %dma_wait3A_492, %dma_wait3A_493] : memref<5x80x64xf32, #tpu.memory_space<vmem>> -> memref<1x80x64xf32, #tpu.memory_space<vmem>>
        %dma_wait3A_495 = tpu.memref_squeeze %dma_wait3A_494 : memref<1x80x64xf32, #tpu.memory_space<vmem>> -> memref<80x64xf32, #tpu.memory_space<vmem>>
        %dma_wait3A_496 = arith.constant 0 : i32
        %dma_wait3A_497 = tpu.memref_slice %arg8[%dma_wait3A_490, %dma_wait3A_496] : memref<125x80xi32, #tpu.memory_space<vmem>> -> memref<1x80xi32, #tpu.memory_space<vmem>>
        %dma_wait3A_498 = tpu.memref_squeeze %dma_wait3A_497 : memref<1x80xi32, #tpu.memory_space<vmem>> -> memref<80xi32, #tpu.memory_space<vmem>>
        %dma_wait3A_499 = arith.constant 0 : i32
        %dma_wait3A_500 = arith.constant 0 : i32
        %dma_wait3A_501 = tpu.memref_slice %arg12[%dma_wait3A_499, %dma_wait3A_500] : memref<10000x64xf32, #tpu.memory_space<vmem_shared>> -> memref<10000x64xf32, #tpu.memory_space<vmem_shared>>
        %dma_wait3A_502 = tpu.memref_slice %arg11[%dma_wait3A_491] : memref<5x!tpu.dma_semaphore, #tpu.memory_space<semaphore_mem>> -> memref<1x!tpu.dma_semaphore, #tpu.memory_space<semaphore_mem>>
        %dma_wait3A_503 = tpu.memref_squeeze %dma_wait3A_502 : memref<1x!tpu.dma_semaphore, #tpu.memory_space<semaphore_mem>> -> memref<!tpu.dma_semaphore, #tpu.memory_space<semaphore_mem>>
        tpu.wait_indirect_dma semaphore(%dma_wait3A_503 : memref<!tpu.dma_semaphore, #tpu.memory_space<semaphore_mem>>) src(%dma_wait3A_495 : memref<80x64xf32, #tpu.memory_space<vmem>>) dst(%dma_wait3A_501 : memref<10000x64xf32, #tpu.memory_space<vmem_shared>>)
        %add3A_504 = arith.constant 5 : i32
        %add3A_505 = arith.addi %add3A_414, %add3A_504 : i32
        %sub3A_506 = arith.constant 1 : i32
        %sub3A_507 = arith.subi %add3A_505, %sub3A_506 : i32
        %mul3A_508 = arith.constant 80 : i32
        %mul3A_509 = arith.muli %sub3A_507, %mul3A_508 : i32
        %multiple_of3A_510 = tpu.assume_multiple %mul3A_509, 8 : i32
        %dma_start3A_511 = arith.constant 2 : i32
        %dma_start3A_512 = arith.constant 2 : i32
        %dma_start3A_513 = arith.constant 0 : i32
        %dma_start3A_514 = arith.constant 0 : i32
        %dma_start3A_515 = tpu.memref_slice %arg9[%dma_start3A_511, %dma_start3A_513, %dma_start3A_514] : memref<5x80x64xf32, #tpu.memory_space<vmem>> -> memref<1x80x64xf32, #tpu.memory_space<vmem>>
        %dma_start3A_516 = tpu.memref_squeeze %dma_start3A_515 : memref<1x80x64xf32, #tpu.memory_space<vmem>> -> memref<80x64xf32, #tpu.memory_space<vmem>>
        %dma_start3A_517 = tpu.memref_slice %arg7[%multiple_of3A_510] : memref<10000xi32, #tpu.memory_space<vmem>> -> memref<80xi32, #tpu.memory_space<vmem>>
        %dma_start3A_518 = arith.constant 0 : i32
        %dma_start3A_519 = arith.constant 0 : i32
        %dma_start3A_520 = tpu.memref_slice %arg3[%dma_start3A_518, %dma_start3A_519] : memref<10000x64xf32, #tpu.memory_space<hbm>> -> memref<10000x64xf32, #tpu.memory_space<hbm>>
        %dma_start3A_521 = tpu.memref_slice %arg10[%dma_start3A_512] : memref<5x!tpu.dma_semaphore, #tpu.memory_space<semaphore_mem>> -> memref<1x!tpu.dma_semaphore, #tpu.memory_space<semaphore_mem>>
        %dma_start3A_522 = tpu.memref_squeeze %dma_start3A_521 : memref<1x!tpu.dma_semaphore, #tpu.memory_space<semaphore_mem>> -> memref<!tpu.dma_semaphore, #tpu.memory_space<semaphore_mem>>
        tpu.enqueue_indirect_dma source(%dma_start3A_520 : memref<10000x64xf32, #tpu.memory_space<hbm>>) target(%dma_start3A_516 : memref<80x64xf32, #tpu.memory_space<vmem>>) offsets(%dma_start3A_517 : memref<80xi32, #tpu.memory_space<vmem>>) semaphore(%dma_start3A_522 : memref<!tpu.dma_semaphore, #tpu.memory_space<semaphore_mem>>)
      } else {
      }
      %add3A_451 = arith.constant 4 : i32
      %add3A_452 = arith.addi %mul3A_300, %add3A_451 : i32
      %dma_wait3A_453 = arith.constant 4 : i32
      %dma_wait3A_454 = arith.constant 4 : i32
      %dma_wait3A_455 = arith.constant 0 : i32
      %dma_wait3A_456 = arith.constant 0 : i32
      %dma_wait3A_457 = tpu.memref_slice %arg9[%dma_wait3A_453, %dma_wait3A_455, %dma_wait3A_456] : memref<5x80x64xf32, #tpu.memory_space<vmem>> -> memref<1x80x64xf32, #tpu.memory_space<vmem>>
      %dma_wait3A_458 = tpu.memref_squeeze %dma_wait3A_457 : memref<1x80x64xf32, #tpu.memory_space<vmem>> -> memref<80x64xf32, #tpu.memory_space<vmem>>
      %dma_wait3A_459 = arith.constant 0 : i32
      %dma_wait3A_460 = tpu.memref_slice %arg7[%dma_wait3A_459] : memref<10000xi32, #tpu.memory_space<vmem>> -> memref<80xi32, #tpu.memory_space<vmem>>
      %dma_wait3A_461 = arith.constant 0 : i32
      %dma_wait3A_462 = arith.constant 0 : i32
      %dma_wait3A_463 = tpu.memref_slice %arg3[%dma_wait3A_461, %dma_wait3A_462] : memref<10000x64xf32, #tpu.memory_space<hbm>> -> memref<10000x64xf32, #tpu.memory_space<hbm>>
      %dma_wait3A_464 = tpu.memref_slice %arg10[%dma_wait3A_454] : memref<5x!tpu.dma_semaphore, #tpu.memory_space<semaphore_mem>> -> memref<1x!tpu.dma_semaphore, #tpu.memory_space<semaphore_mem>>
      %dma_wait3A_465 = tpu.memref_squeeze %dma_wait3A_464 : memref<1x!tpu.dma_semaphore, #tpu.memory_space<semaphore_mem>> -> memref<!tpu.dma_semaphore, #tpu.memory_space<semaphore_mem>>
      tpu.wait_indirect_dma semaphore(%dma_wait3A_465 : memref<!tpu.dma_semaphore, #tpu.memory_space<semaphore_mem>>) src(%dma_wait3A_463 : memref<10000x64xf32, #tpu.memory_space<hbm>>) dst(%dma_wait3A_458 : memref<80x64xf32, #tpu.memory_space<vmem>>)
      %dma_start3A_466 = arith.constant 4 : i32
      %dma_start3A_467 = arith.constant 4 : i32
      %dma_start3A_468 = arith.constant 0 : i32
      %dma_start3A_469 = arith.constant 0 : i32
      %dma_start3A_470 = tpu.memref_slice %arg9[%dma_start3A_466, %dma_start3A_468, %dma_start3A_469] : memref<5x80x64xf32, #tpu.memory_space<vmem>> -> memref<1x80x64xf32, #tpu.memory_space<vmem>>
      %dma_start3A_471 = tpu.memref_squeeze %dma_start3A_470 : memref<1x80x64xf32, #tpu.memory_space<vmem>> -> memref<80x64xf32, #tpu.memory_space<vmem>>
      %dma_start3A_472 = arith.constant 0 : i32
      %dma_start3A_473 = tpu.memref_slice %arg8[%add3A_452, %dma_start3A_472] : memref<125x80xi32, #tpu.memory_space<vmem>> -> memref<1x80xi32, #tpu.memory_space<vmem>>
      %dma_start3A_474 = tpu.memref_squeeze %dma_start3A_473 : memref<1x80xi32, #tpu.memory_space<vmem>> -> memref<80xi32, #tpu.memory_space<vmem>>
      %dma_start3A_475 = arith.constant 0 : i32
      %dma_start3A_476 = arith.constant 0 : i32
      %dma_start3A_477 = tpu.memref_slice %arg12[%dma_start3A_475, %dma_start3A_476] : memref<10000x64xf32, #tpu.memory_space<vmem_shared>> -> memref<10000x64xf32, #tpu.memory_space<vmem_shared>>
      %dma_start3A_478 = tpu.memref_slice %arg11[%dma_start3A_467] : memref<5x!tpu.dma_semaphore, #tpu.memory_space<semaphore_mem>> -> memref<1x!tpu.dma_semaphore, #tpu.memory_space<semaphore_mem>>
      %dma_start3A_479 = tpu.memref_squeeze %dma_start3A_478 : memref<1x!tpu.dma_semaphore, #tpu.memory_space<semaphore_mem>> -> memref<!tpu.dma_semaphore, #tpu.memory_space<semaphore_mem>>
      tpu.enqueue_indirect_dma source(%dma_start3A_471 : memref<80x64xf32, #tpu.memory_space<vmem>>) target(%dma_start3A_477 : memref<10000x64xf32, #tpu.memory_space<vmem_shared>>) offsets(%dma_start3A_474 : memref<80xi32, #tpu.memory_space<vmem>>) semaphore(%dma_start3A_479 : memref<!tpu.dma_semaphore, #tpu.memory_space<semaphore_mem>>) {add = true}
      %add3A_480 = arith.constant 5 : i32
      %add3A_481 = arith.addi %add3A_452, %add3A_480 : i32
      %sub3A_482 = arith.constant 1 : i32
      %sub3A_483 = arith.subi %add3A_481, %sub3A_482 : i32
      %lt3A_484 = arith.constant 125 : i32
      %lt3A_485 = arith.cmpi slt, %sub3A_483, %lt3A_484 : i32
      %convert_element_type3A_486 = arith.extui %lt3A_485 : i1 to i32
      %cond3A_487 = arith.constant 0 : i32
      %cond3A_488 = arith.cmpi ne, %convert_element_type3A_486, %cond3A_487 : i32
      scf.if %cond3A_488 {
        %dma_wait3A_489 = arith.constant 3 : i32
        %dma_wait3A_490 = arith.constant 0 : i32
        %dma_wait3A_491 = arith.constant 3 : i32
        %dma_wait3A_492 = arith.constant 0 : i32
        %dma_wait3A_493 = arith.constant 0 : i32
        %dma_wait3A_494 = tpu.memref_slice %arg9[%dma_wait3A_489, %dma_wait3A_492, %dma_wait3A_493] : memref<5x80x64xf32, #tpu.memory_space<vmem>> -> memref<1x80x64xf32, #tpu.memory_space<vmem>>
        %dma_wait3A_495 = tpu.memref_squeeze %dma_wait3A_494 : memref<1x80x64xf32, #tpu.memory_space<vmem>> -> memref<80x64xf32, #tpu.memory_space<vmem>>
        %dma_wait3A_496 = arith.constant 0 : i32
        %dma_wait3A_497 = tpu.memref_slice %arg8[%dma_wait3A_490, %dma_wait3A_496] : memref<125x80xi32, #tpu.memory_space<vmem>> -> memref<1x80xi32, #tpu.memory_space<vmem>>
        %dma_wait3A_498 = tpu.memref_squeeze %dma_wait3A_497 : memref<1x80xi32, #tpu.memory_space<vmem>> -> memref<80xi32, #tpu.memory_space<vmem>>
        %dma_wait3A_499 = arith.constant 0 : i32
        %dma_wait3A_500 = arith.constant 0 : i32
        %dma_wait3A_501 = tpu.memref_slice %arg12[%dma_wait3A_499, %dma_wait3A_500] : memref<10000x64xf32, #tpu.memory_space<vmem_shared>> -> memref<10000x64xf32, #tpu.memory_space<vmem_shared>>
        %dma_wait3A_502 = tpu.memref_slice %arg11[%dma_wait3A_491] : memref<5x!tpu.dma_semaphore, #tpu.memory_space<semaphore_mem>> -> memref<1x!tpu.dma_semaphore, #tpu.memory_space<semaphore_mem>>
        %dma_wait3A_503 = tpu.memref_squeeze %dma_wait3A_502 : memref<1x!tpu.dma_semaphore, #tpu.memory_space<semaphore_mem>> -> memref<!tpu.dma_semaphore, #tpu.memory_space<semaphore_mem>>
        tpu.wait_indirect_dma semaphore(%dma_wait3A_503 : memref<!tpu.dma_semaphore, #tpu.memory_space<semaphore_mem>>) src(%dma_wait3A_495 : memref<80x64xf32, #tpu.memory_space<vmem>>) dst(%dma_wait3A_501 : memref<10000x64xf32, #tpu.memory_space<vmem_shared>>)
        %add3A_504 = arith.constant 5 : i32
        %add3A_505 = arith.addi %add3A_452, %add3A_504 : i32
        %sub3A_506 = arith.constant 1 : i32
        %sub3A_507 = arith.subi %add3A_505, %sub3A_506 : i32
        %mul3A_508 = arith.constant 80 : i32
        %mul3A_509 = arith.muli %sub3A_507, %mul3A_508 : i32
        %multiple_of3A_510 = tpu.assume_multiple %mul3A_509, 8 : i32
        %dma_start3A_511 = arith.constant 3 : i32
        %dma_start3A_512 = arith.constant 3 : i32
        %dma_start3A_513 = arith.constant 0 : i32
        %dma_start3A_514 = arith.constant 0 : i32
        %dma_start3A_515 = tpu.memref_slice %arg9[%dma_start3A_511, %dma_start3A_513, %dma_start3A_514] : memref<5x80x64xf32, #tpu.memory_space<vmem>> -> memref<1x80x64xf32, #tpu.memory_space<vmem>>
        %dma_start3A_516 = tpu.memref_squeeze %dma_start3A_515 : memref<1x80x64xf32, #tpu.memory_space<vmem>> -> memref<80x64xf32, #tpu.memory_space<vmem>>
        %dma_start3A_517 = tpu.memref_slice %arg7[%multiple_of3A_510] : memref<10000xi32, #tpu.memory_space<vmem>> -> memref<80xi32, #tpu.memory_space<vmem>>
        %dma_start3A_518 = arith.constant 0 : i32
        %dma_start3A_519 = arith.constant 0 : i32
        %dma_start3A_520 = tpu.memref_slice %arg3[%dma_start3A_518, %dma_start3A_519] : memref<10000x64xf32, #tpu.memory_space<hbm>> -> memref<10000x64xf32, #tpu.memory_space<hbm>>
        %dma_start3A_521 = tpu.memref_slice %arg10[%dma_start3A_512] : memref<5x!tpu.dma_semaphore, #tpu.memory_space<semaphore_mem>> -> memref<1x!tpu.dma_semaphore, #tpu.memory_space<semaphore_mem>>
        %dma_start3A_522 = tpu.memref_squeeze %dma_start3A_521 : memref<1x!tpu.dma_semaphore, #tpu.memory_space<semaphore_mem>> -> memref<!tpu.dma_semaphore, #tpu.memory_space<semaphore_mem>>
        tpu.enqueue_indirect_dma source(%dma_start3A_520 : memref<10000x64xf32, #tpu.memory_space<hbm>>) target(%dma_start3A_516 : memref<80x64xf32, #tpu.memory_space<vmem>>) offsets(%dma_start3A_517 : memref<80xi32, #tpu.memory_space<vmem>>) semaphore(%dma_start3A_522 : memref<!tpu.dma_semaphore, #tpu.memory_space<semaphore_mem>>)
      } else {
      }
    }
    %scan3A_215 = arith.constant 25 : i32
    %dma_wait3A_216 = arith.constant 0 : i32
    %dma_wait3A_217 = arith.constant 0 : i32
    %dma_wait3A_218 = arith.constant 0 : i32
    %dma_wait3A_219 = arith.constant 0 : i32
    %dma_wait3A_220 = arith.constant 0 : i32
    %dma_wait3A_221 = tpu.memref_slice %arg9[%dma_wait3A_216, %dma_wait3A_219, %dma_wait3A_220] : memref<5x80x64xf32, #tpu.memory_space<vmem>> -> memref<1x80x64xf32, #tpu.memory_space<vmem>>
    %dma_wait3A_222 = tpu.memref_squeeze %dma_wait3A_221 : memref<1x80x64xf32, #tpu.memory_space<vmem>> -> memref<80x64xf32, #tpu.memory_space<vmem>>
    %dma_wait3A_223 = arith.constant 0 : i32
    %dma_wait3A_224 = tpu.memref_slice %arg8[%dma_wait3A_217, %dma_wait3A_223] : memref<125x80xi32, #tpu.memory_space<vmem>> -> memref<1x80xi32, #tpu.memory_space<vmem>>
    %dma_wait3A_225 = tpu.memref_squeeze %dma_wait3A_224 : memref<1x80xi32, #tpu.memory_space<vmem>> -> memref<80xi32, #tpu.memory_space<vmem>>
    %dma_wait3A_226 = arith.constant 0 : i32
    %dma_wait3A_227 = arith.constant 0 : i32
    %dma_wait3A_228 = tpu.memref_slice %arg12[%dma_wait3A_226, %dma_wait3A_227] : memref<10000x64xf32, #tpu.memory_space<vmem_shared>> -> memref<10000x64xf32, #tpu.memory_space<vmem_shared>>
    %dma_wait3A_229 = tpu.memref_slice %arg11[%dma_wait3A_218] : memref<5x!tpu.dma_semaphore, #tpu.memory_space<semaphore_mem>> -> memref<1x!tpu.dma_semaphore, #tpu.memory_space<semaphore_mem>>
    %dma_wait3A_230 = tpu.memref_squeeze %dma_wait3A_229 : memref<1x!tpu.dma_semaphore, #tpu.memory_space<semaphore_mem>> -> memref<!tpu.dma_semaphore, #tpu.memory_space<semaphore_mem>>
    tpu.wait_indirect_dma semaphore(%dma_wait3A_230 : memref<!tpu.dma_semaphore, #tpu.memory_space<semaphore_mem>>) src(%dma_wait3A_222 : memref<80x64xf32, #tpu.memory_space<vmem>>) dst(%dma_wait3A_228 : memref<10000x64xf32, #tpu.memory_space<vmem_shared>>)
    %dma_wait3A_231 = arith.constant 1 : i32
    %dma_wait3A_232 = arith.constant 0 : i32
    %dma_wait3A_233 = arith.constant 1 : i32
    %dma_wait3A_234 = arith.constant 0 : i32
    %dma_wait3A_235 = arith.constant 0 : i32
    %dma_wait3A_236 = tpu.memref_slice %arg9[%dma_wait3A_231, %dma_wait3A_234, %dma_wait3A_235] : memref<5x80x64xf32, #tpu.memory_space<vmem>> -> memref<1x80x64xf32, #tpu.memory_space<vmem>>
    %dma_wait3A_237 = tpu.memref_squeeze %dma_wait3A_236 : memref<1x80x64xf32, #tpu.memory_space<vmem>> -> memref<80x64xf32, #tpu.memory_space<vmem>>
    %dma_wait3A_238 = arith.constant 0 : i32
    %dma_wait3A_239 = tpu.memref_slice %arg8[%dma_wait3A_232, %dma_wait3A_238] : memref<125x80xi32, #tpu.memory_space<vmem>> -> memref<1x80xi32, #tpu.memory_space<vmem>>
    %dma_wait3A_240 = tpu.memref_squeeze %dma_wait3A_239 : memref<1x80xi32, #tpu.memory_space<vmem>> -> memref<80xi32, #tpu.memory_space<vmem>>
    %dma_wait3A_241 = arith.constant 0 : i32
    %dma_wait3A_242 = arith.constant 0 : i32
    %dma_wait3A_243 = tpu.memref_slice %arg12[%dma_wait3A_241, %dma_wait3A_242] : memref<10000x64xf32, #tpu.memory_space<vmem_shared>> -> memref<10000x64xf32, #tpu.memory_space<vmem_shared>>
    %dma_wait3A_244 = tpu.memref_slice %arg11[%dma_wait3A_233] : memref<5x!tpu.dma_semaphore, #tpu.memory_space<semaphore_mem>> -> memref<1x!tpu.dma_semaphore, #tpu.memory_space<semaphore_mem>>
    %dma_wait3A_245 = tpu.memref_squeeze %dma_wait3A_244 : memref<1x!tpu.dma_semaphore, #tpu.memory_space<semaphore_mem>> -> memref<!tpu.dma_semaphore, #tpu.memory_space<semaphore_mem>>
    tpu.wait_indirect_dma semaphore(%dma_wait3A_245 : memref<!tpu.dma_semaphore, #tpu.memory_space<semaphore_mem>>) src(%dma_wait3A_237 : memref<80x64xf32, #tpu.memory_space<vmem>>) dst(%dma_wait3A_243 : memref<10000x64xf32, #tpu.memory_space<vmem_shared>>)
    %dma_wait3A_246 = arith.constant 2 : i32
    %dma_wait3A_247 = arith.constant 0 : i32
    %dma_wait3A_248 = arith.constant 2 : i32
    %dma_wait3A_249 = arith.constant 0 : i32
    %dma_wait3A_250 = arith.constant 0 : i32
    %dma_wait3A_251 = tpu.memref_slice %arg9[%dma_wait3A_246, %dma_wait3A_249, %dma_wait3A_250] : memref<5x80x64xf32, #tpu.memory_space<vmem>> -> memref<1x80x64xf32, #tpu.memory_space<vmem>>
    %dma_wait3A_252 = tpu.memref_squeeze %dma_wait3A_251 : memref<1x80x64xf32, #tpu.memory_space<vmem>> -> memref<80x64xf32, #tpu.memory_space<vmem>>
    %dma_wait3A_253 = arith.constant 0 : i32
    %dma_wait3A_254 = tpu.memref_slice %arg8[%dma_wait3A_247, %dma_wait3A_253] : memref<125x80xi32, #tpu.memory_space<vmem>> -> memref<1x80xi32, #tpu.memory_space<vmem>>
    %dma_wait3A_255 = tpu.memref_squeeze %dma_wait3A_254 : memref<1x80xi32, #tpu.memory_space<vmem>> -> memref<80xi32, #tpu.memory_space<vmem>>
    %dma_wait3A_256 = arith.constant 0 : i32
    %dma_wait3A_257 = arith.constant 0 : i32
    %dma_wait3A_258 = tpu.memref_slice %arg12[%dma_wait3A_256, %dma_wait3A_257] : memref<10000x64xf32, #tpu.memory_space<vmem_shared>> -> memref<10000x64xf32, #tpu.memory_space<vmem_shared>>
    %dma_wait3A_259 = tpu.memref_slice %arg11[%dma_wait3A_248] : memref<5x!tpu.dma_semaphore, #tpu.memory_space<semaphore_mem>> -> memref<1x!tpu.dma_semaphore, #tpu.memory_space<semaphore_mem>>
    %dma_wait3A_260 = tpu.memref_squeeze %dma_wait3A_259 : memref<1x!tpu.dma_semaphore, #tpu.memory_space<semaphore_mem>> -> memref<!tpu.dma_semaphore, #tpu.memory_space<semaphore_mem>>
    tpu.wait_indirect_dma semaphore(%dma_wait3A_260 : memref<!tpu.dma_semaphore, #tpu.memory_space<semaphore_mem>>) src(%dma_wait3A_252 : memref<80x64xf32, #tpu.memory_space<vmem>>) dst(%dma_wait3A_258 : memref<10000x64xf32, #tpu.memory_space<vmem_shared>>)
    %dma_wait3A_261 = arith.constant 3 : i32
    %dma_wait3A_262 = arith.constant 0 : i32
    %dma_wait3A_263 = arith.constant 3 : i32
    %dma_wait3A_264 = arith.constant 0 : i32
    %dma_wait3A_265 = arith.constant 0 : i32
    %dma_wait3A_266 = tpu.memref_slice %arg9[%dma_wait3A_261, %dma_wait3A_264, %dma_wait3A_265] : memref<5x80x64xf32, #tpu.memory_space<vmem>> -> memref<1x80x64xf32, #tpu.memory_space<vmem>>
    %dma_wait3A_267 = tpu.memref_squeeze %dma_wait3A_266 : memref<1x80x64xf32, #tpu.memory_space<vmem>> -> memref<80x64xf32, #tpu.memory_space<vmem>>
    %dma_wait3A_268 = arith.constant 0 : i32
    %dma_wait3A_269 = tpu.memref_slice %arg8[%dma_wait3A_262, %dma_wait3A_268] : memref<125x80xi32, #tpu.memory_space<vmem>> -> memref<1x80xi32, #tpu.memory_space<vmem>>
    %dma_wait3A_270 = tpu.memref_squeeze %dma_wait3A_269 : memref<1x80xi32, #tpu.memory_space<vmem>> -> memref<80xi32, #tpu.memory_space<vmem>>
    %dma_wait3A_271 = arith.constant 0 : i32
    %dma_wait3A_272 = arith.constant 0 : i32
    %dma_wait3A_273 = tpu.memref_slice %arg12[%dma_wait3A_271, %dma_wait3A_272] : memref<10000x64xf32, #tpu.memory_space<vmem_shared>> -> memref<10000x64xf32, #tpu.memory_space<vmem_shared>>
    %dma_wait3A_274 = tpu.memref_slice %arg11[%dma_wait3A_263] : memref<5x!tpu.dma_semaphore, #tpu.memory_space<semaphore_mem>> -> memref<1x!tpu.dma_semaphore, #tpu.memory_space<semaphore_mem>>
    %dma_wait3A_275 = tpu.memref_squeeze %dma_wait3A_274 : memref<1x!tpu.dma_semaphore, #tpu.memory_space<semaphore_mem>> -> memref<!tpu.dma_semaphore, #tpu.memory_space<semaphore_mem>>
    tpu.wait_indirect_dma semaphore(%dma_wait3A_275 : memref<!tpu.dma_semaphore, #tpu.memory_space<semaphore_mem>>) src(%dma_wait3A_267 : memref<80x64xf32, #tpu.memory_space<vmem>>) dst(%dma_wait3A_273 : memref<10000x64xf32, #tpu.memory_space<vmem_shared>>)
    %dma_wait3A_276 = arith.constant 4 : i32
    %dma_wait3A_277 = arith.constant 0 : i32
    %dma_wait3A_278 = arith.constant 4 : i32
    %dma_wait3A_279 = arith.constant 0 : i32
    %dma_wait3A_280 = arith.constant 0 : i32
    %dma_wait3A_281 = tpu.memref_slice %arg9[%dma_wait3A_276, %dma_wait3A_279, %dma_wait3A_280] : memref<5x80x64xf32, #tpu.memory_space<vmem>> -> memref<1x80x64xf32, #tpu.memory_space<vmem>>
    %dma_wait3A_282 = tpu.memref_squeeze %dma_wait3A_281 : memref<1x80x64xf32, #tpu.memory_space<vmem>> -> memref<80x64xf32, #tpu.memory_space<vmem>>
    %dma_wait3A_283 = arith.constant 0 : i32
    %dma_wait3A_284 = tpu.memref_slice %arg8[%dma_wait3A_277, %dma_wait3A_283] : memref<125x80xi32, #tpu.memory_space<vmem>> -> memref<1x80xi32, #tpu.memory_space<vmem>>
    %dma_wait3A_285 = tpu.memref_squeeze %dma_wait3A_284 : memref<1x80xi32, #tpu.memory_space<vmem>> -> memref<80xi32, #tpu.memory_space<vmem>>
    %dma_wait3A_286 = arith.constant 0 : i32
    %dma_wait3A_287 = arith.constant 0 : i32
    %dma_wait3A_288 = tpu.memref_slice %arg12[%dma_wait3A_286, %dma_wait3A_287] : memref<10000x64xf32, #tpu.memory_space<vmem_shared>> -> memref<10000x64xf32, #tpu.memory_space<vmem_shared>>
    %dma_wait3A_289 = tpu.memref_slice %arg11[%dma_wait3A_278] : memref<5x!tpu.dma_semaphore, #tpu.memory_space<semaphore_mem>> -> memref<1x!tpu.dma_semaphore, #tpu.memory_space<semaphore_mem>>
    %dma_wait3A_290 = tpu.memref_squeeze %dma_wait3A_289 : memref<1x!tpu.dma_semaphore, #tpu.memory_space<semaphore_mem>> -> memref<!tpu.dma_semaphore, #tpu.memory_space<semaphore_mem>>
    tpu.wait_indirect_dma semaphore(%dma_wait3A_290 : memref<!tpu.dma_semaphore, #tpu.memory_space<semaphore_mem>>) src(%dma_wait3A_282 : memref<80x64xf32, #tpu.memory_space<vmem>>) dst(%dma_wait3A_288 : memref<10000x64xf32, #tpu.memory_space<vmem_shared>>)
    %barrier3A_291 = arith.constant 0 : index
    tpu.barrier barrier_id(%barrier3A_291)
    %run_scoped3A_292 = arith.constant 1 : i32
    "tpu.region"() ({
      %run_scoped3A_298 = tpu.sem_alloc : memref<!tpu.dma_semaphore, #tpu.memory_space<semaphore_mem>>
      %dma_start3A_299 = arith.constant 0 : i32
      %dma_start3A_300 = arith.constant 0 : i32
      %dma_start3A_301 = arith.constant 0 : i32
      %dma_start3A_302 = tpu.memref_slice %arg6[%arg0, %dma_start3A_299, %dma_start3A_300, %dma_start3A_301] : memref<2x2x10000x64xf32, #tpu.memory_space<hbm>> -> memref<1x2x10000x64xf32, #tpu.memory_space<hbm>>
      %dma_start3A_303 = tpu.memref_squeeze %dma_start3A_302 : memref<1x2x10000x64xf32, #tpu.memory_space<hbm>> -> memref<2x10000x64xf32, #tpu.memory_space<hbm>>
      %dma_start3A_304 = arith.constant 0 : i32
      %dma_start3A_305 = arith.constant 0 : i32
      %dma_start3A_306 = tpu.memref_slice %dma_start3A_303[%run_scoped3A_292, %dma_start3A_304, %dma_start3A_305] : memref<2x10000x64xf32, #tpu.memory_space<hbm>> -> memref<1x10000x64xf32, #tpu.memory_space<hbm>>
      %dma_start3A_307 = tpu.memref_squeeze %dma_start3A_306 : memref<1x10000x64xf32, #tpu.memory_space<hbm>> -> memref<10000x64xf32, #tpu.memory_space<hbm>>
      %dma_start3A_308 = arith.constant 0 : i32
      %dma_start3A_309 = tpu.memref_slice %dma_start3A_307[%multiple_of3A, %dma_start3A_308] : memref<10000x64xf32, #tpu.memory_space<hbm>> -> memref<624x64xf32, #tpu.memory_space<hbm>>
      %dma_start3A_310 = arith.constant 0 : i32
      %dma_start3A_311 = tpu.memref_slice %arg12[%multiple_of3A, %dma_start3A_310] : memref<10000x64xf32, #tpu.memory_space<vmem_shared>> -> memref<624x64xf32, #tpu.memory_space<vmem_shared>>
      tpu.enqueue_dma source(%dma_start3A_311 : memref<624x64xf32, #tpu.memory_space<vmem_shared>>) target(%dma_start3A_309 : memref<624x64xf32, #tpu.memory_space<hbm>>) target_semaphore(%run_scoped3A_298 : memref<!tpu.dma_semaphore, #tpu.memory_space<semaphore_mem>>)
      %dma_wait3A_312 = arith.constant 0 : i32
      %dma_wait3A_313 = arith.constant 0 : i32
      %dma_wait3A_314 = arith.constant 0 : i32
      %dma_wait3A_315 = tpu.memref_slice %arg6[%arg0, %dma_wait3A_312, %dma_wait3A_313, %dma_wait3A_314] : memref<2x2x10000x64xf32, #tpu.memory_space<hbm>> -> memref<1x2x10000x64xf32, #tpu.memory_space<hbm>>
      %dma_wait3A_316 = tpu.memref_squeeze %dma_wait3A_315 : memref<1x2x10000x64xf32, #tpu.memory_space<hbm>> -> memref<2x10000x64xf32, #tpu.memory_space<hbm>>
      %dma_wait3A_317 = arith.constant 0 : i32
      %dma_wait3A_318 = arith.constant 0 : i32
      %dma_wait3A_319 = tpu.memref_slice %dma_wait3A_316[%run_scoped3A_292, %dma_wait3A_317, %dma_wait3A_318] : memref<2x10000x64xf32, #tpu.memory_space<hbm>> -> memref<1x10000x64xf32, #tpu.memory_space<hbm>>
      %dma_wait3A_320 = tpu.memref_squeeze %dma_wait3A_319 : memref<1x10000x64xf32, #tpu.memory_space<hbm>> -> memref<10000x64xf32, #tpu.memory_space<hbm>>
      %dma_wait3A_321 = arith.constant 0 : i32
      %dma_wait3A_322 = tpu.memref_slice %dma_wait3A_320[%multiple_of3A, %dma_wait3A_321] : memref<10000x64xf32, #tpu.memory_space<hbm>> -> memref<624x64xf32, #tpu.memory_space<hbm>>
      %dma_wait3A_323 = arith.constant 0 : i32
      %dma_wait3A_324 = tpu.memref_slice %arg12[%multiple_of3A, %dma_wait3A_323] : memref<10000x64xf32, #tpu.memory_space<vmem_shared>> -> memref<624x64xf32, #tpu.memory_space<vmem_shared>>
      tpu.wait_dma2 semaphore(%run_scoped3A_298 : memref<!tpu.dma_semaphore, #tpu.memory_space<semaphore_mem>>) src(%dma_wait3A_324 : memref<624x64xf32, #tpu.memory_space<vmem_shared>>) dst(%dma_wait3A_322 : memref<624x64xf32, #tpu.memory_space<hbm>>)
      tpu.yield
    }) : () -> ()
    %eq3A_293 = arith.constant 0 : i32
    %eq3A_294 = arith.cmpi eq, %arg1, %eq3A_293 : i32
    %convert_element_type3A_295 = arith.extui %eq3A_294 : i1 to i32
    %cond3A_296 = arith.constant 0 : i32
    %cond3A_297 = arith.cmpi ne, %convert_element_type3A_295, %cond3A_296 : i32
    scf.if %cond3A_297 {
      %run_scoped3A_298 = arith.constant 1 : i32
      "tpu.region"() ({
        %run_scoped3A_299 = tpu.sem_alloc : memref<!tpu.dma_semaphore, #tpu.memory_space<semaphore_mem>>
        %dma_start3A_300 = arith.constant 0 : i32
        %dma_start3A_301 = arith.constant 0 : i32
        %dma_start3A_302 = arith.constant 0 : i32
        %dma_start3A_303 = tpu.memref_slice %arg6[%arg0, %dma_start3A_300, %dma_start3A_301, %dma_start3A_302] : memref<2x2x10000x64xf32, #tpu.memory_space<hbm>> -> memref<1x2x10000x64xf32, #tpu.memory_space<hbm>>
        %dma_start3A_304 = tpu.memref_squeeze %dma_start3A_303 : memref<1x2x10000x64xf32, #tpu.memory_space<hbm>> -> memref<2x10000x64xf32, #tpu.memory_space<hbm>>
        %dma_start3A_305 = arith.constant 0 : i32
        %dma_start3A_306 = arith.constant 0 : i32
        %dma_start3A_307 = tpu.memref_slice %dma_start3A_304[%run_scoped3A_298, %dma_start3A_305, %dma_start3A_306] : memref<2x10000x64xf32, #tpu.memory_space<hbm>> -> memref<1x10000x64xf32, #tpu.memory_space<hbm>>
        %dma_start3A_308 = tpu.memref_squeeze %dma_start3A_307 : memref<1x10000x64xf32, #tpu.memory_space<hbm>> -> memref<10000x64xf32, #tpu.memory_space<hbm>>
        %dma_start3A_309 = arith.constant 9984 : i32
        %dma_start3A_310 = arith.constant 0 : i32
        %dma_start3A_311 = tpu.memref_slice %dma_start3A_308[%dma_start3A_309, %dma_start3A_310] : memref<10000x64xf32, #tpu.memory_space<hbm>> -> memref<16x64xf32, #tpu.memory_space<hbm>>
        %dma_start3A_312 = arith.constant 9984 : i32
        %dma_start3A_313 = arith.constant 0 : i32
        %dma_start3A_314 = tpu.memref_slice %arg12[%dma_start3A_312, %dma_start3A_313] : memref<10000x64xf32, #tpu.memory_space<vmem_shared>> -> memref<16x64xf32, #tpu.memory_space<vmem_shared>>
        tpu.enqueue_dma source(%dma_start3A_314 : memref<16x64xf32, #tpu.memory_space<vmem_shared>>) target(%dma_start3A_311 : memref<16x64xf32, #tpu.memory_space<hbm>>) target_semaphore(%run_scoped3A_299 : memref<!tpu.dma_semaphore, #tpu.memory_space<semaphore_mem>>)
        %dma_wait3A_315 = arith.constant 0 : i32
        %dma_wait3A_316 = arith.constant 0 : i32
        %dma_wait3A_317 = arith.constant 0 : i32
        %dma_wait3A_318 = tpu.memref_slice %arg6[%arg0, %dma_wait3A_315, %dma_wait3A_316, %dma_wait3A_317] : memref<2x2x10000x64xf32, #tpu.memory_space<hbm>> -> memref<1x2x10000x64xf32, #tpu.memory_space<hbm>>
        %dma_wait3A_319 = tpu.memref_squeeze %dma_wait3A_318 : memref<1x2x10000x64xf32, #tpu.memory_space<hbm>> -> memref<2x10000x64xf32, #tpu.memory_space<hbm>>
        %dma_wait3A_320 = arith.constant 0 : i32
        %dma_wait3A_321 = arith.constant 0 : i32
        %dma_wait3A_322 = tpu.memref_slice %dma_wait3A_319[%run_scoped3A_298, %dma_wait3A_320, %dma_wait3A_321] : memref<2x10000x64xf32, #tpu.memory_space<hbm>> -> memref<1x10000x64xf32, #tpu.memory_space<hbm>>
        %dma_wait3A_323 = tpu.memref_squeeze %dma_wait3A_322 : memref<1x10000x64xf32, #tpu.memory_space<hbm>> -> memref<10000x64xf32, #tpu.memory_space<hbm>>
        %dma_wait3A_324 = arith.constant 9984 : i32
        %dma_wait3A_325 = arith.constant 0 : i32
        %dma_wait3A_326 = tpu.memref_slice %dma_wait3A_323[%dma_wait3A_324, %dma_wait3A_325] : memref<10000x64xf32, #tpu.memory_space<hbm>> -> memref<16x64xf32, #tpu.memory_space<hbm>>
        %dma_wait3A_327 = arith.constant 9984 : i32
        %dma_wait3A_328 = arith.constant 0 : i32
        %dma_wait3A_329 = tpu.memref_slice %arg12[%dma_wait3A_327, %dma_wait3A_328] : memref<10000x64xf32, #tpu.memory_space<vmem_shared>> -> memref<16x64xf32, #tpu.memory_space<vmem_shared>>
        tpu.wait_dma2 semaphore(%run_scoped3A_299 : memref<!tpu.dma_semaphore, #tpu.memory_space<semaphore_mem>>) src(%dma_wait3A_329 : memref<16x64xf32, #tpu.memory_space<vmem_shared>>) dst(%dma_wait3A_326 : memref<16x64xf32, #tpu.memory_space<hbm>>)
        tpu.yield
      }) : () -> ()
    } else {
    }
    return
  }
}

#map = affine_map<(d0, d1) -> (0, 0, 0)>
#map1 = affine_map<(d0, d1) -> (0, 0)>
module attributes {stable_mosaic.version = 14 : i64} {
  func.func @_deg_body(%arg0: i32, %arg1: i32, %arg2: memref<32x125x80xi32, #tpu.memory_space<hbm>>, %arg3: memref<10000x8xf32, #tpu.memory_space<hbm>>, %arg4: memref<2x10000x8xf32, #tpu.memory_space<hbm>>, %arg5: memref<125x80xi32, #tpu.memory_space<vmem>>, %arg6: memref<80x8xf32, #tpu.memory_space<vmem>>, %arg7: memref<!tpu.dma_semaphore, #tpu.memory_space<semaphore_mem>>, %arg8: memref<10000x8xf32, #tpu.memory_space<vmem_shared>>) attributes {dimension_semantics = [#tpu.dimension_semantics<core_parallel>, #tpu.dimension_semantics<subcore_parallel>], iteration_bounds = array<i64: 2, 16>, scalar_prefetch = 0 : i64, scratch_operands = 4 : i64, tpu.core_type = #tpu.core_type<sc_vector_subcore>, window_params = [{transform_indices = #map}, {transform_indices = #map1}, {transform_indices = #map}]} {
    %mul3A = arith.constant 2 : i32
    %mul3A_0 = arith.muli %arg1, %mul3A : i32
    %add3A = arith.addi %mul3A_0, %arg0 : i32
    %mul3A_1 = arith.constant 624 : i32
    %mul3A_2 = arith.muli %arg1, %mul3A_1 : i32
    %multiple_of3A = tpu.assume_multiple %mul3A_2, 8 : i32
    "tpu.region"() ({
      %run_scoped3A = tpu.sem_alloc : memref<!tpu.dma_semaphore, #tpu.memory_space<semaphore_mem>>
      %dma_start3A = arith.constant 0 : i32
      %dma_start3A_71 = tpu.memref_slice %arg8[%multiple_of3A, %dma_start3A] : memref<10000x8xf32, #tpu.memory_space<vmem_shared>> -> memref<624x8xf32, #tpu.memory_space<vmem_shared>>
      %dma_start3A_72 = arith.constant 0 : i32
      %dma_start3A_73 = tpu.memref_slice %arg3[%multiple_of3A, %dma_start3A_72] : memref<10000x8xf32, #tpu.memory_space<hbm>> -> memref<624x8xf32, #tpu.memory_space<hbm>>
      tpu.enqueue_dma source(%dma_start3A_73 : memref<624x8xf32, #tpu.memory_space<hbm>>) target(%dma_start3A_71 : memref<624x8xf32, #tpu.memory_space<vmem_shared>>) target_semaphore(%run_scoped3A : memref<!tpu.dma_semaphore, #tpu.memory_space<semaphore_mem>>)
      %dma_wait3A_74 = arith.constant 0 : i32
      %dma_wait3A_75 = tpu.memref_slice %arg8[%multiple_of3A, %dma_wait3A_74] : memref<10000x8xf32, #tpu.memory_space<vmem_shared>> -> memref<624x8xf32, #tpu.memory_space<vmem_shared>>
      %dma_wait3A_76 = arith.constant 0 : i32
      %dma_wait3A_77 = tpu.memref_slice %arg3[%multiple_of3A, %dma_wait3A_76] : memref<10000x8xf32, #tpu.memory_space<hbm>> -> memref<624x8xf32, #tpu.memory_space<hbm>>
      tpu.wait_dma2 semaphore(%run_scoped3A : memref<!tpu.dma_semaphore, #tpu.memory_space<semaphore_mem>>) src(%dma_wait3A_77 : memref<624x8xf32, #tpu.memory_space<hbm>>) dst(%dma_wait3A_75 : memref<624x8xf32, #tpu.memory_space<vmem_shared>>)
      tpu.yield
    }) : () -> ()
    %eq3A = arith.constant 0 : i32
    %eq3A_3 = arith.cmpi eq, %arg1, %eq3A : i32
    %convert_element_type3A = arith.extui %eq3A_3 : i1 to i32
    %cond3A = arith.constant 0 : i32
    %cond3A_4 = arith.cmpi ne, %convert_element_type3A, %cond3A : i32
    scf.if %cond3A_4 {
      "tpu.region"() ({
        %run_scoped3A = tpu.sem_alloc : memref<!tpu.dma_semaphore, #tpu.memory_space<semaphore_mem>>
        %dma_start3A = arith.constant 9984 : i32
        %dma_start3A_71 = arith.constant 0 : i32
        %dma_start3A_72 = tpu.memref_slice %arg8[%dma_start3A, %dma_start3A_71] : memref<10000x8xf32, #tpu.memory_space<vmem_shared>> -> memref<16x8xf32, #tpu.memory_space<vmem_shared>>
        %dma_start3A_73 = arith.constant 9984 : i32
        %dma_start3A_74 = arith.constant 0 : i32
        %dma_start3A_75 = tpu.memref_slice %arg3[%dma_start3A_73, %dma_start3A_74] : memref<10000x8xf32, #tpu.memory_space<hbm>> -> memref<16x8xf32, #tpu.memory_space<hbm>>
        tpu.enqueue_dma source(%dma_start3A_75 : memref<16x8xf32, #tpu.memory_space<hbm>>) target(%dma_start3A_72 : memref<16x8xf32, #tpu.memory_space<vmem_shared>>) target_semaphore(%run_scoped3A : memref<!tpu.dma_semaphore, #tpu.memory_space<semaphore_mem>>)
        %dma_wait3A_76 = arith.constant 9984 : i32
        %dma_wait3A_77 = arith.constant 0 : i32
        %dma_wait3A_78 = tpu.memref_slice %arg8[%dma_wait3A_76, %dma_wait3A_77] : memref<10000x8xf32, #tpu.memory_space<vmem_shared>> -> memref<16x8xf32, #tpu.memory_space<vmem_shared>>
        %dma_wait3A_79 = arith.constant 9984 : i32
        %dma_wait3A_80 = arith.constant 0 : i32
        %dma_wait3A_81 = tpu.memref_slice %arg3[%dma_wait3A_79, %dma_wait3A_80] : memref<10000x8xf32, #tpu.memory_space<hbm>> -> memref<16x8xf32, #tpu.memory_space<hbm>>
        tpu.wait_dma2 semaphore(%run_scoped3A : memref<!tpu.dma_semaphore, #tpu.memory_space<semaphore_mem>>) src(%dma_wait3A_81 : memref<16x8xf32, #tpu.memory_space<hbm>>) dst(%dma_wait3A_78 : memref<16x8xf32, #tpu.memory_space<vmem_shared>>)
        tpu.yield
      }) : () -> ()
    } else {
    }
    "tpu.region"() ({
      %run_scoped3A = tpu.sem_alloc : memref<!tpu.dma_semaphore, #tpu.memory_space<semaphore_mem>>
      %dma_start3A = arith.constant 0 : i32
      %dma_start3A_71 = arith.constant 0 : i32
      %dma_start3A_72 = tpu.memref_slice %arg2[%add3A, %dma_start3A, %dma_start3A_71] : memref<32x125x80xi32, #tpu.memory_space<hbm>> -> memref<1x125x80xi32, #tpu.memory_space<hbm>>
      %dma_start3A_73 = tpu.memref_squeeze %dma_start3A_72 : memref<1x125x80xi32, #tpu.memory_space<hbm>> -> memref<125x80xi32, #tpu.memory_space<hbm>>
      %dma_start3A_74 = arith.constant 0 : i32
      %dma_start3A_75 = arith.constant 0 : i32
      %dma_start3A_76 = tpu.memref_slice %arg2[%add3A, %dma_start3A_74, %dma_start3A_75] : memref<32x125x80xi32, #tpu.memory_space<hbm>> -> memref<1x125x80xi32, #tpu.memory_space<hbm>>
      %dma_start3A_77 = tpu.memref_squeeze %dma_start3A_76 : memref<1x125x80xi32, #tpu.memory_space<hbm>> -> memref<125x80xi32, #tpu.memory_space<hbm>>
      tpu.enqueue_dma source(%dma_start3A_77 : memref<125x80xi32, #tpu.memory_space<hbm>>) target(%arg5 : memref<125x80xi32, #tpu.memory_space<vmem>>) target_semaphore(%run_scoped3A : memref<!tpu.dma_semaphore, #tpu.memory_space<semaphore_mem>>)
      %dma_wait3A_78 = arith.constant 0 : i32
      %dma_wait3A_79 = arith.constant 0 : i32
      %dma_wait3A_80 = tpu.memref_slice %arg2[%add3A, %dma_wait3A_78, %dma_wait3A_79] : memref<32x125x80xi32, #tpu.memory_space<hbm>> -> memref<1x125x80xi32, #tpu.memory_space<hbm>>
      %dma_wait3A_81 = tpu.memref_squeeze %dma_wait3A_80 : memref<1x125x80xi32, #tpu.memory_space<hbm>> -> memref<125x80xi32, #tpu.memory_space<hbm>>
      %dma_wait3A_82 = arith.constant 0 : i32
      %dma_wait3A_83 = arith.constant 0 : i32
      %dma_wait3A_84 = tpu.memref_slice %arg2[%add3A, %dma_wait3A_82, %dma_wait3A_83] : memref<32x125x80xi32, #tpu.memory_space<hbm>> -> memref<1x125x80xi32, #tpu.memory_space<hbm>>
      %dma_wait3A_85 = tpu.memref_squeeze %dma_wait3A_84 : memref<1x125x80xi32, #tpu.memory_space<hbm>> -> memref<125x80xi32, #tpu.memory_space<hbm>>
      tpu.wait_dma2 semaphore(%run_scoped3A : memref<!tpu.dma_semaphore, #tpu.memory_space<semaphore_mem>>) src(%dma_wait3A_85 : memref<125x80xi32, #tpu.memory_space<hbm>>) dst(%arg5 : memref<125x80xi32, #tpu.memory_space<vmem>>)
      tpu.yield
    }) : () -> ()
    "tpu.region"() ({
      %run_scoped3A = tpu.sem_alloc : memref<!tpu.dma_semaphore, #tpu.memory_space<semaphore_mem>>
      %dma_start3A = arith.constant 0 : i32
      %dma_start3A_71 = arith.constant 0 : i32
      %dma_start3A_72 = tpu.memref_slice %arg3[%dma_start3A, %dma_start3A_71] : memref<10000x8xf32, #tpu.memory_space<hbm>> -> memref<80x8xf32, #tpu.memory_space<hbm>>
      %dma_start3A_73 = arith.constant 0 : i32
      %dma_start3A_74 = arith.constant 0 : i32
      %dma_start3A_75 = tpu.memref_slice %arg3[%dma_start3A_73, %dma_start3A_74] : memref<10000x8xf32, #tpu.memory_space<hbm>> -> memref<80x8xf32, #tpu.memory_space<hbm>>
      tpu.enqueue_dma source(%dma_start3A_75 : memref<80x8xf32, #tpu.memory_space<hbm>>) target(%arg6 : memref<80x8xf32, #tpu.memory_space<vmem>>) target_semaphore(%run_scoped3A : memref<!tpu.dma_semaphore, #tpu.memory_space<semaphore_mem>>)
      %dma_wait3A_76 = arith.constant 0 : i32
      %dma_wait3A_77 = arith.constant 0 : i32
      %dma_wait3A_78 = tpu.memref_slice %arg3[%dma_wait3A_76, %dma_wait3A_77] : memref<10000x8xf32, #tpu.memory_space<hbm>> -> memref<80x8xf32, #tpu.memory_space<hbm>>
      %dma_wait3A_79 = arith.constant 0 : i32
      %dma_wait3A_80 = arith.constant 0 : i32
      %dma_wait3A_81 = tpu.memref_slice %arg3[%dma_wait3A_79, %dma_wait3A_80] : memref<10000x8xf32, #tpu.memory_space<hbm>> -> memref<80x8xf32, #tpu.memory_space<hbm>>
      tpu.wait_dma2 semaphore(%run_scoped3A : memref<!tpu.dma_semaphore, #tpu.memory_space<semaphore_mem>>) src(%dma_wait3A_81 : memref<80x8xf32, #tpu.memory_space<hbm>>) dst(%arg6 : memref<80x8xf32, #tpu.memory_space<vmem>>)
      tpu.yield
    }) : () -> ()
    %barrier3A = arith.constant 0 : index
    tpu.barrier barrier_id(%barrier3A)
    %scan3A = arith.constant 0 : i32
    %scan3A_5 = arith.constant 0 : i32
    %scan3A_6 = arith.constant 125 : i32
    %scan3A_7 = arith.addi %scan3A_5, %scan3A_6 : i32
    %scan3A_8 = arith.constant 1 : i32
    scf.for %scan3A_71 = %scan3A_5 to %scan3A_7 step %scan3A_8  : i32 {
      %ge3A = arith.constant 8 : i32
      %ge3A_72 = arith.cmpi sge, %scan3A_71, %ge3A : i32
      %convert_element_type3A_73 = arith.extui %ge3A_72 : i1 to i32
      %cond3A_74 = arith.constant 0 : i32
      %cond3A_75 = arith.cmpi ne, %convert_element_type3A_73, %cond3A_74 : i32
      scf.if %cond3A_75 {
        %dma_wait3A_81 = arith.constant 0 : i32
        %dma_wait3A_82 = arith.constant 0 : i32
        %dma_wait3A_83 = tpu.memref_slice %arg5[%dma_wait3A_81, %dma_wait3A_82] : memref<125x80xi32, #tpu.memory_space<vmem>> -> memref<1x80xi32, #tpu.memory_space<vmem>>
        %dma_wait3A_84 = tpu.memref_squeeze %dma_wait3A_83 : memref<1x80xi32, #tpu.memory_space<vmem>> -> memref<80xi32, #tpu.memory_space<vmem>>
        %dma_wait3A_85 = arith.constant 0 : i32
        %dma_wait3A_86 = arith.constant 0 : i32
        %dma_wait3A_87 = tpu.memref_slice %arg8[%dma_wait3A_85, %dma_wait3A_86] : memref<10000x8xf32, #tpu.memory_space<vmem_shared>> -> memref<10000x8xf32, #tpu.memory_space<vmem_shared>>
        tpu.wait_indirect_dma semaphore(%arg7 : memref<!tpu.dma_semaphore, #tpu.memory_space<semaphore_mem>>) src(%arg6 : memref<80x8xf32, #tpu.memory_space<vmem>>) dst(%dma_wait3A_87 : memref<10000x8xf32, #tpu.memory_space<vmem_shared>>)
      } else {
      }
      %dma_start3A = arith.constant 0 : i32
      %dma_start3A_76 = tpu.memref_slice %arg5[%scan3A_71, %dma_start3A] : memref<125x80xi32, #tpu.memory_space<vmem>> -> memref<1x80xi32, #tpu.memory_space<vmem>>
      %dma_start3A_77 = tpu.memref_squeeze %dma_start3A_76 : memref<1x80xi32, #tpu.memory_space<vmem>> -> memref<80xi32, #tpu.memory_space<vmem>>
      %dma_start3A_78 = arith.constant 0 : i32
      %dma_start3A_79 = arith.constant 0 : i32
      %dma_start3A_80 = tpu.memref_slice %arg8[%dma_start3A_78, %dma_start3A_79] : memref<10000x8xf32, #tpu.memory_space<vmem_shared>> -> memref<10000x8xf32, #tpu.memory_space<vmem_shared>>
      tpu.enqueue_indirect_dma source(%arg6 : memref<80x8xf32, #tpu.memory_space<vmem>>) target(%dma_start3A_80 : memref<10000x8xf32, #tpu.memory_space<vmem_shared>>) offsets(%dma_start3A_77 : memref<80xi32, #tpu.memory_space<vmem>>) semaphore(%arg7 : memref<!tpu.dma_semaphore, #tpu.memory_space<semaphore_mem>>) {add = true}
    }
    %scan3A_9 = arith.constant 125 : i32
    %dma_wait3A = arith.constant 0 : i32
    %dma_wait3A_10 = arith.constant 0 : i32
    %dma_wait3A_11 = tpu.memref_slice %arg5[%dma_wait3A, %dma_wait3A_10] : memref<125x80xi32, #tpu.memory_space<vmem>> -> memref<1x80xi32, #tpu.memory_space<vmem>>
    %dma_wait3A_12 = tpu.memref_squeeze %dma_wait3A_11 : memref<1x80xi32, #tpu.memory_space<vmem>> -> memref<80xi32, #tpu.memory_space<vmem>>
    %dma_wait3A_13 = arith.constant 0 : i32
    %dma_wait3A_14 = arith.constant 0 : i32
    %dma_wait3A_15 = tpu.memref_slice %arg8[%dma_wait3A_13, %dma_wait3A_14] : memref<10000x8xf32, #tpu.memory_space<vmem_shared>> -> memref<10000x8xf32, #tpu.memory_space<vmem_shared>>
    tpu.wait_indirect_dma semaphore(%arg7 : memref<!tpu.dma_semaphore, #tpu.memory_space<semaphore_mem>>) src(%arg6 : memref<80x8xf32, #tpu.memory_space<vmem>>) dst(%dma_wait3A_15 : memref<10000x8xf32, #tpu.memory_space<vmem_shared>>)
    %dma_wait3A_16 = arith.constant 0 : i32
    %dma_wait3A_17 = arith.constant 0 : i32
    %dma_wait3A_18 = tpu.memref_slice %arg5[%dma_wait3A_16, %dma_wait3A_17] : memref<125x80xi32, #tpu.memory_space<vmem>> -> memref<1x80xi32, #tpu.memory_space<vmem>>
    %dma_wait3A_19 = tpu.memref_squeeze %dma_wait3A_18 : memref<1x80xi32, #tpu.memory_space<vmem>> -> memref<80xi32, #tpu.memory_space<vmem>>
    %dma_wait3A_20 = arith.constant 0 : i32
    %dma_wait3A_21 = arith.constant 0 : i32
    %dma_wait3A_22 = tpu.memref_slice %arg8[%dma_wait3A_20, %dma_wait3A_21] : memref<10000x8xf32, #tpu.memory_space<vmem_shared>> -> memref<10000x8xf32, #tpu.memory_space<vmem_shared>>
    tpu.wait_indirect_dma semaphore(%arg7 : memref<!tpu.dma_semaphore, #tpu.memory_space<semaphore_mem>>) src(%arg6 : memref<80x8xf32, #tpu.memory_space<vmem>>) dst(%dma_wait3A_22 : memref<10000x8xf32, #tpu.memory_space<vmem_shared>>)
    %dma_wait3A_23 = arith.constant 0 : i32
    %dma_wait3A_24 = arith.constant 0 : i32
    %dma_wait3A_25 = tpu.memref_slice %arg5[%dma_wait3A_23, %dma_wait3A_24] : memref<125x80xi32, #tpu.memory_space<vmem>> -> memref<1x80xi32, #tpu.memory_space<vmem>>
    %dma_wait3A_26 = tpu.memref_squeeze %dma_wait3A_25 : memref<1x80xi32, #tpu.memory_space<vmem>> -> memref<80xi32, #tpu.memory_space<vmem>>
    %dma_wait3A_27 = arith.constant 0 : i32
    %dma_wait3A_28 = arith.constant 0 : i32
    %dma_wait3A_29 = tpu.memref_slice %arg8[%dma_wait3A_27, %dma_wait3A_28] : memref<10000x8xf32, #tpu.memory_space<vmem_shared>> -> memref<10000x8xf32, #tpu.memory_space<vmem_shared>>
    tpu.wait_indirect_dma semaphore(%arg7 : memref<!tpu.dma_semaphore, #tpu.memory_space<semaphore_mem>>) src(%arg6 : memref<80x8xf32, #tpu.memory_space<vmem>>) dst(%dma_wait3A_29 : memref<10000x8xf32, #tpu.memory_space<vmem_shared>>)
    %dma_wait3A_30 = arith.constant 0 : i32
    %dma_wait3A_31 = arith.constant 0 : i32
    %dma_wait3A_32 = tpu.memref_slice %arg5[%dma_wait3A_30, %dma_wait3A_31] : memref<125x80xi32, #tpu.memory_space<vmem>> -> memref<1x80xi32, #tpu.memory_space<vmem>>
    %dma_wait3A_33 = tpu.memref_squeeze %dma_wait3A_32 : memref<1x80xi32, #tpu.memory_space<vmem>> -> memref<80xi32, #tpu.memory_space<vmem>>
    %dma_wait3A_34 = arith.constant 0 : i32
    %dma_wait3A_35 = arith.constant 0 : i32
    %dma_wait3A_36 = tpu.memref_slice %arg8[%dma_wait3A_34, %dma_wait3A_35] : memref<10000x8xf32, #tpu.memory_space<vmem_shared>> -> memref<10000x8xf32, #tpu.memory_space<vmem_shared>>
    tpu.wait_indirect_dma semaphore(%arg7 : memref<!tpu.dma_semaphore, #tpu.memory_space<semaphore_mem>>) src(%arg6 : memref<80x8xf32, #tpu.memory_space<vmem>>) dst(%dma_wait3A_36 : memref<10000x8xf32, #tpu.memory_space<vmem_shared>>)
    %dma_wait3A_37 = arith.constant 0 : i32
    %dma_wait3A_38 = arith.constant 0 : i32
    %dma_wait3A_39 = tpu.memref_slice %arg5[%dma_wait3A_37, %dma_wait3A_38] : memref<125x80xi32, #tpu.memory_space<vmem>> -> memref<1x80xi32, #tpu.memory_space<vmem>>
    %dma_wait3A_40 = tpu.memref_squeeze %dma_wait3A_39 : memref<1x80xi32, #tpu.memory_space<vmem>> -> memref<80xi32, #tpu.memory_space<vmem>>
    %dma_wait3A_41 = arith.constant 0 : i32
    %dma_wait3A_42 = arith.constant 0 : i32
    %dma_wait3A_43 = tpu.memref_slice %arg8[%dma_wait3A_41, %dma_wait3A_42] : memref<10000x8xf32, #tpu.memory_space<vmem_shared>> -> memref<10000x8xf32, #tpu.memory_space<vmem_shared>>
    tpu.wait_indirect_dma semaphore(%arg7 : memref<!tpu.dma_semaphore, #tpu.memory_space<semaphore_mem>>) src(%arg6 : memref<80x8xf32, #tpu.memory_space<vmem>>) dst(%dma_wait3A_43 : memref<10000x8xf32, #tpu.memory_space<vmem_shared>>)
    %dma_wait3A_44 = arith.constant 0 : i32
    %dma_wait3A_45 = arith.constant 0 : i32
    %dma_wait3A_46 = tpu.memref_slice %arg5[%dma_wait3A_44, %dma_wait3A_45] : memref<125x80xi32, #tpu.memory_space<vmem>> -> memref<1x80xi32, #tpu.memory_space<vmem>>
    %dma_wait3A_47 = tpu.memref_squeeze %dma_wait3A_46 : memref<1x80xi32, #tpu.memory_space<vmem>> -> memref<80xi32, #tpu.memory_space<vmem>>
    %dma_wait3A_48 = arith.constant 0 : i32
    %dma_wait3A_49 = arith.constant 0 : i32
    %dma_wait3A_50 = tpu.memref_slice %arg8[%dma_wait3A_48, %dma_wait3A_49] : memref<10000x8xf32, #tpu.memory_space<vmem_shared>> -> memref<10000x8xf32, #tpu.memory_space<vmem_shared>>
    tpu.wait_indirect_dma semaphore(%arg7 : memref<!tpu.dma_semaphore, #tpu.memory_space<semaphore_mem>>) src(%arg6 : memref<80x8xf32, #tpu.memory_space<vmem>>) dst(%dma_wait3A_50 : memref<10000x8xf32, #tpu.memory_space<vmem_shared>>)
    %dma_wait3A_51 = arith.constant 0 : i32
    %dma_wait3A_52 = arith.constant 0 : i32
    %dma_wait3A_53 = tpu.memref_slice %arg5[%dma_wait3A_51, %dma_wait3A_52] : memref<125x80xi32, #tpu.memory_space<vmem>> -> memref<1x80xi32, #tpu.memory_space<vmem>>
    %dma_wait3A_54 = tpu.memref_squeeze %dma_wait3A_53 : memref<1x80xi32, #tpu.memory_space<vmem>> -> memref<80xi32, #tpu.memory_space<vmem>>
    %dma_wait3A_55 = arith.constant 0 : i32
    %dma_wait3A_56 = arith.constant 0 : i32
    %dma_wait3A_57 = tpu.memref_slice %arg8[%dma_wait3A_55, %dma_wait3A_56] : memref<10000x8xf32, #tpu.memory_space<vmem_shared>> -> memref<10000x8xf32, #tpu.memory_space<vmem_shared>>
    tpu.wait_indirect_dma semaphore(%arg7 : memref<!tpu.dma_semaphore, #tpu.memory_space<semaphore_mem>>) src(%arg6 : memref<80x8xf32, #tpu.memory_space<vmem>>) dst(%dma_wait3A_57 : memref<10000x8xf32, #tpu.memory_space<vmem_shared>>)
    %dma_wait3A_58 = arith.constant 0 : i32
    %dma_wait3A_59 = arith.constant 0 : i32
    %dma_wait3A_60 = tpu.memref_slice %arg5[%dma_wait3A_58, %dma_wait3A_59] : memref<125x80xi32, #tpu.memory_space<vmem>> -> memref<1x80xi32, #tpu.memory_space<vmem>>
    %dma_wait3A_61 = tpu.memref_squeeze %dma_wait3A_60 : memref<1x80xi32, #tpu.memory_space<vmem>> -> memref<80xi32, #tpu.memory_space<vmem>>
    %dma_wait3A_62 = arith.constant 0 : i32
    %dma_wait3A_63 = arith.constant 0 : i32
    %dma_wait3A_64 = tpu.memref_slice %arg8[%dma_wait3A_62, %dma_wait3A_63] : memref<10000x8xf32, #tpu.memory_space<vmem_shared>> -> memref<10000x8xf32, #tpu.memory_space<vmem_shared>>
    tpu.wait_indirect_dma semaphore(%arg7 : memref<!tpu.dma_semaphore, #tpu.memory_space<semaphore_mem>>) src(%arg6 : memref<80x8xf32, #tpu.memory_space<vmem>>) dst(%dma_wait3A_64 : memref<10000x8xf32, #tpu.memory_space<vmem_shared>>)
    %barrier3A_65 = arith.constant 0 : index
    tpu.barrier barrier_id(%barrier3A_65)
    "tpu.region"() ({
      %run_scoped3A = tpu.sem_alloc : memref<!tpu.dma_semaphore, #tpu.memory_space<semaphore_mem>>
      %dma_start3A = arith.constant 0 : i32
      %dma_start3A_71 = arith.constant 0 : i32
      %dma_start3A_72 = tpu.memref_slice %arg4[%arg0, %dma_start3A, %dma_start3A_71] : memref<2x10000x8xf32, #tpu.memory_space<hbm>> -> memref<1x10000x8xf32, #tpu.memory_space<hbm>>
      %dma_start3A_73 = tpu.memref_squeeze %dma_start3A_72 : memref<1x10000x8xf32, #tpu.memory_space<hbm>> -> memref<10000x8xf32, #tpu.memory_space<hbm>>
      %dma_start3A_74 = arith.constant 0 : i32
      %dma_start3A_75 = tpu.memref_slice %dma_start3A_73[%multiple_of3A, %dma_start3A_74] : memref<10000x8xf32, #tpu.memory_space<hbm>> -> memref<624x8xf32, #tpu.memory_space<hbm>>
      %dma_start3A_76 = arith.constant 0 : i32
      %dma_start3A_77 = tpu.memref_slice %arg8[%multiple_of3A, %dma_start3A_76] : memref<10000x8xf32, #tpu.memory_space<vmem_shared>> -> memref<624x8xf32, #tpu.memory_space<vmem_shared>>
      tpu.enqueue_dma source(%dma_start3A_77 : memref<624x8xf32, #tpu.memory_space<vmem_shared>>) target(%dma_start3A_75 : memref<624x8xf32, #tpu.memory_space<hbm>>) target_semaphore(%run_scoped3A : memref<!tpu.dma_semaphore, #tpu.memory_space<semaphore_mem>>)
      %dma_wait3A_78 = arith.constant 0 : i32
      %dma_wait3A_79 = arith.constant 0 : i32
      %dma_wait3A_80 = tpu.memref_slice %arg4[%arg0, %dma_wait3A_78, %dma_wait3A_79] : memref<2x10000x8xf32, #tpu.memory_space<hbm>> -> memref<1x10000x8xf32, #tpu.memory_space<hbm>>
      %dma_wait3A_81 = tpu.memref_squeeze %dma_wait3A_80 : memref<1x10000x8xf32, #tpu.memory_space<hbm>> -> memref<10000x8xf32, #tpu.memory_space<hbm>>
      %dma_wait3A_82 = arith.constant 0 : i32
      %dma_wait3A_83 = tpu.memref_slice %dma_wait3A_81[%multiple_of3A, %dma_wait3A_82] : memref<10000x8xf32, #tpu.memory_space<hbm>> -> memref<624x8xf32, #tpu.memory_space<hbm>>
      %dma_wait3A_84 = arith.constant 0 : i32
      %dma_wait3A_85 = tpu.memref_slice %arg8[%multiple_of3A, %dma_wait3A_84] : memref<10000x8xf32, #tpu.memory_space<vmem_shared>> -> memref<624x8xf32, #tpu.memory_space<vmem_shared>>
      tpu.wait_dma2 semaphore(%run_scoped3A : memref<!tpu.dma_semaphore, #tpu.memory_space<semaphore_mem>>) src(%dma_wait3A_85 : memref<624x8xf32, #tpu.memory_space<vmem_shared>>) dst(%dma_wait3A_83 : memref<624x8xf32, #tpu.memory_space<hbm>>)
      tpu.yield
    }) : () -> ()
    %eq3A_66 = arith.constant 0 : i32
    %eq3A_67 = arith.cmpi eq, %arg1, %eq3A_66 : i32
    %convert_element_type3A_68 = arith.extui %eq3A_67 : i1 to i32
    %cond3A_69 = arith.constant 0 : i32
    %cond3A_70 = arith.cmpi ne, %convert_element_type3A_68, %cond3A_69 : i32
    scf.if %cond3A_70 {
      "tpu.region"() ({
        %run_scoped3A = tpu.sem_alloc : memref<!tpu.dma_semaphore, #tpu.memory_space<semaphore_mem>>
        %dma_start3A = arith.constant 0 : i32
        %dma_start3A_71 = arith.constant 0 : i32
        %dma_start3A_72 = tpu.memref_slice %arg4[%arg0, %dma_start3A, %dma_start3A_71] : memref<2x10000x8xf32, #tpu.memory_space<hbm>> -> memref<1x10000x8xf32, #tpu.memory_space<hbm>>
        %dma_start3A_73 = tpu.memref_squeeze %dma_start3A_72 : memref<1x10000x8xf32, #tpu.memory_space<hbm>> -> memref<10000x8xf32, #tpu.memory_space<hbm>>
        %dma_start3A_74 = arith.constant 9984 : i32
        %dma_start3A_75 = arith.constant 0 : i32
        %dma_start3A_76 = tpu.memref_slice %dma_start3A_73[%dma_start3A_74, %dma_start3A_75] : memref<10000x8xf32, #tpu.memory_space<hbm>> -> memref<16x8xf32, #tpu.memory_space<hbm>>
        %dma_start3A_77 = arith.constant 9984 : i32
        %dma_start3A_78 = arith.constant 0 : i32
        %dma_start3A_79 = tpu.memref_slice %arg8[%dma_start3A_77, %dma_start3A_78] : memref<10000x8xf32, #tpu.memory_space<vmem_shared>> -> memref<16x8xf32, #tpu.memory_space<vmem_shared>>
        tpu.enqueue_dma source(%dma_start3A_79 : memref<16x8xf32, #tpu.memory_space<vmem_shared>>) target(%dma_start3A_76 : memref<16x8xf32, #tpu.memory_space<hbm>>) target_semaphore(%run_scoped3A : memref<!tpu.dma_semaphore, #tpu.memory_space<semaphore_mem>>)
        %dma_wait3A_80 = arith.constant 0 : i32
        %dma_wait3A_81 = arith.constant 0 : i32
        %dma_wait3A_82 = tpu.memref_slice %arg4[%arg0, %dma_wait3A_80, %dma_wait3A_81] : memref<2x10000x8xf32, #tpu.memory_space<hbm>> -> memref<1x10000x8xf32, #tpu.memory_space<hbm>>
        %dma_wait3A_83 = tpu.memref_squeeze %dma_wait3A_82 : memref<1x10000x8xf32, #tpu.memory_space<hbm>> -> memref<10000x8xf32, #tpu.memory_space<hbm>>
        %dma_wait3A_84 = arith.constant 9984 : i32
        %dma_wait3A_85 = arith.constant 0 : i32
        %dma_wait3A_86 = tpu.memref_slice %dma_wait3A_83[%dma_wait3A_84, %dma_wait3A_85] : memref<10000x8xf32, #tpu.memory_space<hbm>> -> memref<16x8xf32, #tpu.memory_space<hbm>>
        %dma_wait3A_87 = arith.constant 9984 : i32
        %dma_wait3A_88 = arith.constant 0 : i32
        %dma_wait3A_89 = tpu.memref_slice %arg8[%dma_wait3A_87, %dma_wait3A_88] : memref<10000x8xf32, #tpu.memory_space<vmem_shared>> -> memref<16x8xf32, #tpu.memory_space<vmem_shared>>
        tpu.wait_dma2 semaphore(%run_scoped3A : memref<!tpu.dma_semaphore, #tpu.memory_space<semaphore_mem>>) src(%dma_wait3A_89 : memref<16x8xf32, #tpu.memory_space<vmem_shared>>) dst(%dma_wait3A_86 : memref<16x8xf32, #tpu.memory_space<hbm>>)
        tpu.yield
      }) : () -> ()
    } else {
    }
    return
  }
}

module attributes {stable_mosaic.version = 14 : i64} {
  func.func @_mm_body(%arg0: i32, %arg1: memref<1000x128xf32, #tpu.memory_space<vmem>>, %arg2: memref<128x128xf32, #tpu.memory_space<vmem>>, %arg3: memref<2x1000x8xf32, #tpu.memory_space<vmem>>, %arg4: memref<1000x64xf32, #tpu.memory_space<vmem>>, %arg5: memref<1000x64xf32, #tpu.memory_space<vmem>>) attributes {dimension_semantics = [#tpu.dimension_semantics<arbitrary>], iteration_bounds = array<i64: 10>, scalar_prefetch = 0 : i64, scratch_operands = 0 : i64, tpu.core_type = #tpu.core_type<tc>, window_params = [{transform_indices = @transform_0, window_bounds = array<i64: 1000, 128>}, {pipeline_mode = #tpu.pipeline_mode<synchronous>, transform_indices = @transform_1, window_bounds = array<i64: 128, 128>}, {transform_indices = @transform_2, window_bounds = array<i64: 2, 1000, 8>}, {transform_indices = @transform_3, window_bounds = array<i64: 1000, 64>}, {transform_indices = @transform_4, window_bounds = array<i64: 1000, 64>}]} {
    %get3A = arith.constant 0 : index
    %get3A_0 = arith.constant 0 : index
    %get3A_1 = arith.constant 0 : index
    %get3A_2 = vector.load %arg3[%get3A, %get3A_0, %get3A_1] : memref<2x1000x8xf32, #tpu.memory_space<vmem>>, vector<1x1000x1xf32>
    %get3A_3 = vector.shape_cast %get3A_2 : vector<1x1000x1xf32> to vector<1000xf32>
    %get3A_4 = arith.constant 1 : index
    %get3A_5 = arith.constant 0 : index
    %get3A_6 = arith.constant 0 : index
    %get3A_7 = vector.load %arg3[%get3A_4, %get3A_5, %get3A_6] : memref<2x1000x8xf32, #tpu.memory_space<vmem>>, vector<1x1000x1xf32>
    %get3A_8 = vector.shape_cast %get3A_7 : vector<1x1000x1xf32> to vector<1000xf32>
    %add3A = arith.addf %get3A_3, %get3A_8 : vector<1000xf32>
    %sub3A = arith.constant 1.000000e+00 : f32
    %sub3A_9 = vector.broadcast %sub3A : f32 to vector<1000xf32>
    %sub3A_10 = arith.subf %add3A, %sub3A_9 : vector<1000xf32>
    %rsqrt3A = math.rsqrt %sub3A_10 : vector<1000xf32>
    %get3A_11 = arith.constant 0 : index
    %get3A_12 = arith.constant 0 : index
    %get3A_13 = vector.load %arg1[%get3A_11, %get3A_12] : memref<1000x128xf32, #tpu.memory_space<vmem>>, vector<1000x128xf32>
    %get3A_14 = arith.constant 0 : index
    %get3A_15 = arith.constant 0 : index
    %get3A_16 = vector.load %arg2[%get3A_14, %get3A_15] : memref<128x128xf32, #tpu.memory_space<vmem>>, vector<128x128xf32>
    %dot_general3A = arith.constant dense<0.000000e+00> : vector<1000x128xf32>
    %dot_general3A_17 = tpu.matmul %get3A_13, %get3A_16, %dot_general3A {dimension_numbers = #tpu.dot_dimension_numbers<[1], [0], [0], [1], [0, 0, 1, 1], [], []>, transpose_lhs_hint = false} : vector<1000x128xf32>, vector<128x128xf32>, vector<1000x128xf32> -> vector<1000x128xf32>
    %broadcast_in_dim3A = vector.shape_cast %rsqrt3A : vector<1000xf32> to vector<1000x1xf32>
    %mul3A = vector.broadcast %broadcast_in_dim3A : vector<1000x1xf32> to vector<1000x128xf32>
    %mul3A_18 = arith.mulf %dot_general3A_17, %mul3A : vector<1000x128xf32>
    %slice3A = vector.extract_strided_slice %mul3A_18 {offsets = [0, 0], sizes = [1000, 64], strides = [1, 1]} : vector<1000x128xf32> to vector<1000x64xf32>
    %swap3A = arith.constant 0 : index
    %swap3A_19 = arith.constant 0 : index
    %swap3A_20 = vector.load %arg4[%swap3A, %swap3A_19] : memref<1000x64xf32, #tpu.memory_space<vmem>>, vector<1000x64xf32>
    tpu.vector_store %arg4[%swap3A, %swap3A_19], %slice3A {strides = array<i32>} : memref<1000x64xf32, #tpu.memory_space<vmem>>, vector<1000x64xf32>,
    %slice3A_21 = vector.extract_strided_slice %mul3A_18 {offsets = [0, 64], sizes = [1000, 64], strides = [1, 1]} : vector<1000x128xf32> to vector<1000x64xf32>
    %swap3A_22 = arith.constant 0 : index
    %swap3A_23 = arith.constant 0 : index
    %swap3A_24 = vector.load %arg5[%swap3A_22, %swap3A_23] : memref<1000x64xf32, #tpu.memory_space<vmem>>, vector<1000x64xf32>
    tpu.vector_store %arg5[%swap3A_22, %swap3A_23], %slice3A_21 {strides = array<i32>} : memref<1000x64xf32, #tpu.memory_space<vmem>>, vector<1000x64xf32>,
    return
  }
  func.func @transform_0(%arg0: i32) -> (i32, i32) {
    %c0_i32 = arith.constant 0 : i32
    %c0_i32_0 = arith.constant 0 : i32
    return %arg0, %c0_i32 : i32, i32
  }
  func.func @transform_1(%arg0: i32) -> (i32, i32) {
    %c0_i32 = arith.constant 0 : i32
    %c0_i32_0 = arith.constant 0 : i32
    %c0_i32_1 = arith.constant 0 : i32
    return %c0_i32, %c0_i32_0 : i32, i32
  }
  func.func @transform_2(%arg0: i32) -> (i32, i32, i32) {
    %c0_i32 = arith.constant 0 : i32
    %c0_i32_0 = arith.constant 0 : i32
    %c0_i32_1 = arith.constant 0 : i32
    return %c0_i32, %arg0, %c0_i32_0 : i32, i32, i32
  }
  func.func @transform_3(%arg0: i32) -> (i32, i32) {
    %c0_i32 = arith.constant 0 : i32
    %c0_i32_0 = arith.constant 0 : i32
    return %arg0, %c0_i32 : i32, i32
  }
  func.func @transform_4(%arg0: i32) -> (i32, i32) {
    %c0_i32 = arith.constant 0 : i32
    %c0_i32_0 = arith.constant 0 : i32
    return %arg0, %c0_i32 : i32, i32
  }
}

module attributes {stable_mosaic.version = 14 : i64} {
  func.func @_fin_body(%arg0: i32, %arg1: memref<2x2x1000x64xf32, #tpu.memory_space<vmem>>, %arg2: memref<1000x64xf32, #tpu.memory_space<vmem>>, %arg3: memref<1000x64xf32, #tpu.memory_space<vmem>>, %arg4: memref<2x1000x8xf32, #tpu.memory_space<vmem>>, %arg5: memref<128xf32, #tpu.memory_space<vmem>>, %arg6: memref<1000x128xf32, #tpu.memory_space<vmem>>) attributes {dimension_semantics = [#tpu.dimension_semantics<arbitrary>], iteration_bounds = array<i64: 10>, scalar_prefetch = 0 : i64, scratch_operands = 0 : i64, tpu.core_type = #tpu.core_type<tc>, window_params = [{transform_indices = @transform_0, window_bounds = array<i64: 2, 2, 1000, 64>}, {transform_indices = @transform_1, window_bounds = array<i64: 1000, 64>}, {transform_indices = @transform_2, window_bounds = array<i64: 1000, 64>}, {transform_indices = @transform_3, window_bounds = array<i64: 2, 1000, 8>}, {pipeline_mode = #tpu.pipeline_mode<synchronous>, transform_indices = @transform_4, window_bounds = array<i64: 128>}, {transform_indices = @transform_5, window_bounds = array<i64: 1000, 128>}]} {
    %get3A = arith.constant 0 : index
    %get3A_0 = arith.constant 0 : index
    %get3A_1 = arith.constant 0 : index
    %get3A_2 = vector.load %arg4[%get3A, %get3A_0, %get3A_1] : memref<2x1000x8xf32, #tpu.memory_space<vmem>>, vector<1x1000x1xf32>
    %get3A_3 = vector.shape_cast %get3A_2 : vector<1x1000x1xf32> to vector<1000xf32>
    %get3A_4 = arith.constant 1 : index
    %get3A_5 = arith.constant 0 : index
    %get3A_6 = arith.constant 0 : index
    %get3A_7 = vector.load %arg4[%get3A_4, %get3A_5, %get3A_6] : memref<2x1000x8xf32, #tpu.memory_space<vmem>>, vector<1x1000x1xf32>
    %get3A_8 = vector.shape_cast %get3A_7 : vector<1x1000x1xf32> to vector<1000xf32>
    %add3A = arith.addf %get3A_3, %get3A_8 : vector<1000xf32>
    %sub3A = arith.constant 1.000000e+00 : f32
    %sub3A_9 = vector.broadcast %sub3A : f32 to vector<1000xf32>
    %sub3A_10 = arith.subf %add3A, %sub3A_9 : vector<1000xf32>
    %rsqrt3A = math.rsqrt %sub3A_10 : vector<1000xf32>
    %get3A_11 = arith.constant 0 : index
    %get3A_12 = arith.constant 0 : index
    %get3A_13 = arith.constant 0 : index
    %get3A_14 = arith.constant 0 : index
    %get3A_15 = vector.load %arg1[%get3A_11, %get3A_12, %get3A_13, %get3A_14] : memref<2x2x1000x64xf32, #tpu.memory_space<vmem>>, vector<1x1x1000x64xf32>
    %get3A_16 = vector.shape_cast %get3A_15 : vector<1x1x1000x64xf32> to vector<1000x64xf32>
    %get3A_17 = arith.constant 1 : index
    %get3A_18 = arith.constant 0 : index
    %get3A_19 = arith.constant 0 : index
    %get3A_20 = arith.constant 0 : index
    %get3A_21 = vector.load %arg1[%get3A_17, %get3A_18, %get3A_19, %get3A_20] : memref<2x2x1000x64xf32, #tpu.memory_space<vmem>>, vector<1x1x1000x64xf32>
    %get3A_22 = vector.shape_cast %get3A_21 : vector<1x1x1000x64xf32> to vector<1000x64xf32>
    %add3A_23 = arith.addf %get3A_16, %get3A_22 : vector<1000x64xf32>
    %get3A_24 = arith.constant 0 : index
    %get3A_25 = arith.constant 0 : index
    %get3A_26 = vector.load %arg2[%get3A_24, %get3A_25] : memref<1000x64xf32, #tpu.memory_space<vmem>>, vector<1000x64xf32>
    %sub3A_27 = arith.subf %add3A_23, %get3A_26 : vector<1000x64xf32>
    %get3A_28 = arith.constant 0 : index
    %get3A_29 = arith.constant 1 : index
    %get3A_30 = arith.constant 0 : index
    %get3A_31 = arith.constant 0 : index
    %get3A_32 = vector.load %arg1[%get3A_28, %get3A_29, %get3A_30, %get3A_31] : memref<2x2x1000x64xf32, #tpu.memory_space<vmem>>, vector<1x1x1000x64xf32>
    %get3A_33 = vector.shape_cast %get3A_32 : vector<1x1x1000x64xf32> to vector<1000x64xf32>
    %get3A_34 = arith.constant 1 : index
    %get3A_35 = arith.constant 1 : index
    %get3A_36 = arith.constant 0 : index
    %get3A_37 = arith.constant 0 : index
    %get3A_38 = vector.load %arg1[%get3A_34, %get3A_35, %get3A_36, %get3A_37] : memref<2x2x1000x64xf32, #tpu.memory_space<vmem>>, vector<1x1x1000x64xf32>
    %get3A_39 = vector.shape_cast %get3A_38 : vector<1x1x1000x64xf32> to vector<1000x64xf32>
    %add3A_40 = arith.addf %get3A_33, %get3A_39 : vector<1000x64xf32>
    %get3A_41 = arith.constant 0 : index
    %get3A_42 = arith.constant 0 : index
    %get3A_43 = vector.load %arg3[%get3A_41, %get3A_42] : memref<1000x64xf32, #tpu.memory_space<vmem>>, vector<1000x64xf32>
    %sub3A_44 = arith.subf %add3A_40, %get3A_43 : vector<1000x64xf32>
    %concatenate3A = tpu.concatenate %sub3A_27, %sub3A_44 in 1 : vector<1000x64xf32>, vector<1000x64xf32> -> vector<1000x128xf32>
    %broadcast_in_dim3A = vector.shape_cast %rsqrt3A : vector<1000xf32> to vector<1000x1xf32>
    %mul3A = vector.broadcast %broadcast_in_dim3A : vector<1000x1xf32> to vector<1000x128xf32>
    %mul3A_45 = arith.mulf %concatenate3A, %mul3A : vector<1000x128xf32>
    %get3A_46 = arith.constant 0 : index
    %get3A_47 = vector.load %arg5[%get3A_46] : memref<128xf32, #tpu.memory_space<vmem>>, vector<128xf32>
    %broadcast_in_dim3A_48 = vector.shape_cast %get3A_47 : vector<128xf32> to vector<1x128xf32>
    %add3A_49 = vector.broadcast %broadcast_in_dim3A_48 : vector<1x128xf32> to vector<1000x128xf32>
    %add3A_50 = arith.addf %mul3A_45, %add3A_49 : vector<1000x128xf32>
    %max3A = arith.constant 0.000000e+00 : f32
    %max3A_51 = vector.broadcast %max3A : f32 to vector<1000x128xf32>
    %max3A_52 = arith.maximumf %add3A_50, %max3A_51 : vector<1000x128xf32>
    %swap3A = arith.constant 0 : index
    %swap3A_53 = arith.constant 0 : index
    %swap3A_54 = vector.load %arg6[%swap3A, %swap3A_53] : memref<1000x128xf32, #tpu.memory_space<vmem>>, vector<1000x128xf32>
    tpu.vector_store %arg6[%swap3A, %swap3A_53], %max3A_52 {strides = array<i32>} : memref<1000x128xf32, #tpu.memory_space<vmem>>, vector<1000x128xf32>,
    return
  }
  func.func @transform_0(%arg0: i32) -> (i32, i32, i32, i32) {
    %c0_i32 = arith.constant 0 : i32
    %c0_i32_0 = arith.constant 0 : i32
    %c0_i32_1 = arith.constant 0 : i32
    %c0_i32_2 = arith.constant 0 : i32
    return %c0_i32, %c0_i32_0, %arg0, %c0_i32_1 : i32, i32, i32, i32
  }
  func.func @transform_1(%arg0: i32) -> (i32, i32) {
    %c0_i32 = arith.constant 0 : i32
    %c0_i32_0 = arith.constant 0 : i32
    return %arg0, %c0_i32 : i32, i32
  }
  func.func @transform_2(%arg0: i32) -> (i32, i32) {
    %c0_i32 = arith.constant 0 : i32
    %c0_i32_0 = arith.constant 0 : i32
    return %arg0, %c0_i32 : i32, i32
  }
  func.func @transform_3(%arg0: i32) -> (i32, i32, i32) {
    %c0_i32 = arith.constant 0 : i32
    %c0_i32_0 = arith.constant 0 : i32
    %c0_i32_1 = arith.constant 0 : i32
    return %c0_i32, %arg0, %c0_i32_0 : i32, i32, i32
  }
  func.func @transform_4(%arg0: i32) -> i32 {
    %c0_i32 = arith.constant 0 : i32
    %c0_i32_0 = arith.constant 0 : i32
    return %c0_i32 : i32
  }
  func.func @transform_5(%arg0: i32) -> (i32, i32) {
    %c0_i32 = arith.constant 0 : i32
    %c0_i32_0 = arith.constant 0 : i32
    return %arg0, %c0_i32 : i32, i32
  }
}

</mosaic_0001>

<sc_bundles>
// kernel: kernel.6.cloned.1.call-start
scs
__scs_entry_jumppad:
0x0: {  	(pc) =	sbr.rel $0x88, $3  }
0x1: {  	(tag) =	ssettag $0x0;
	lr =	simm.s32 $0x1  }
0x2: {  	[smem:$0x3F9D] =	sst lr;
	_ =	strace $0xD0000000  }
0x3: {  	_ = 	snop  }
0x4: {  	_ = 	snop  }
0x5: {  	_ = 	snop  }
0x6: {  	_ = 	snop  }
0x7: {  	_ = 	snop  }
__scs_overlays_trampoline_lowered:
0x8: {  	[smem:$0x3FAC] =	sst s0  }
0x9: {  	[smem:$0x3FAD] =	sst s1  }
0xa: {  	[smem:$0x3FAE] =	sst s2  }
0xb: {  	[smem:$0x3FAF] =	sst s3  }
0xc: {  	[smem:$0x3FB0] =	sst s4  }
0xd: {  	[smem:$0x3FB1] =	sst s5  }
0xe: {  	[smem:$0x3FB2] =	sst s6  }
0xf: {  	[smem:$0x3FB3] =	sst s7  }
0x10: {  	[smem:$0x3FB4] =	sst s8  }
0x11: {  	[smem:$0x3FB5] =	sst s9;
	s0 =	simm.s32 @!p0 $0x0  }
0x12: {  	s1 =	sld [smem:$0x3F9B];
	s0 =	simm.s32 @p0 $0x1  }
0x13: {  	[smem:$0x3FB6] =	sst s0;
	s0 =	simm.s32 @!p1 $0x0  }
0x14: {  	s2 =	sld [smem:$0x3F9A];
	s0 =	simm.s32 @p1 $0x1  }
0x15: {  	[smem:$0x3FB7] =	sst s0;
	s0 =	simm.s32 @!p2 $0x0  }
0x16: {  	s3 =	sld [smem:$0x3FDB];
	s0 =	simm.s32 @p2 $0x1  }
0x17: {  	s4 =	simm.s32 $0x1BF5;
	[smem:$0x3FB9] =	sst s0  }
0x18: {  	s0 =	sld [smem:$0x3F9C];
	_ =	swait.ge [sflag:s4], $0x0  }
0x19: {  	s7 =	sld [smem:$0x3F9D]  }
0x1a: {  	s8 =	sadd.s32 $0xFFFFE003, lr  }
0x1b: {  	s9 =	sadd.s32 $0xFFFFFEF7, lr;
	s5 =	simm.s32 $0xFFFFFFFF;
	p2 =	slt.u32 s8, $0xFFFFF086  }
0x1c: {  	p1 =	slt.u32 s9, $0xF7A;
	s5 =	simm.s32 @!p2 $0x0  }
0x1d: {  	s5 =	simm.s32 @p1 $0x1;
	p0 =	seq.s32 s7, s2  }
0x1e: {  	s7 =	smul.u32 @!p0 $0xF7A, s2;
	p2 =	seq.s32 @!p0 s5, $0x0  }
0x1f: {  	s9 =	smul.u32 $0xF7A, s1;
	s8 =	simm.s32 @!p0 $0x1BF5;
	p2 =	por !p2, p0  }
0x20: {  	[sflag:s8] =	ssyncset.s32 @!p0 $0xFFFFF086;
	s6 =	sadd.s32 @!p0 s3, s7;
	s7 =	simm.s32 @!p0 $0x108  }
0x21: {  	s3 =	sadd.s32 s3, s9;
	s6 =	sadd.s32 @!p0 $0x88, s6;
	s7 =	simm.s32 @p2 $0x1082  }
0x22: {  	[simem:s7], [sflag:s8] =	dma.local @!p0 [hbm:s6], $0xF7A  }
0x23: {  	s9 =	sor.u32 $0xD0000000, s2;
	s6 =	simm.s32 $0x108;
	_ =	swait.ge @!p0 [sflag:s8], $0x0  }
0x24: {  	s3 =	sadd.s32 $0x88, s3;
	s6 =	simm.s32 @!p1 $0x1082;
	[sflag:s4] =	ssyncset.s32 $0xFFFFF086  }
0x25: {  	[simem:s6], [sflag:s4] =	dma.local [hbm:s3], $0xF7A  }
0x26: {  	[smem:$0x3F9D] =	sst s1;
	(tag) =	ssettag s2;
	_ =	strace s9  }
0x27: {  	s1 =	sld [smem:$0x3FAD]  }
0x28: {  	s2 =	sld [smem:$0x3FAE]  }
0x29: {  	s4 =	sld [smem:$0x3FB0]  }
0x2a: {  	p0 =	seq.s32 s5, $0x0;
	s5 =	sld [smem:$0x3FB1]  }
0x2b: {  	s6 =	sld [smem:$0x3FB2]  }
0x2c: {  	s7 =	sld [smem:$0x3FB3]  }
0x2d: {  	s3 =	simm.s32 $0x108;
	s8 =	sld [smem:$0x3FB4]  }
0x2e: {  	s3 =	simm.s32 @!p0 $0x1082;
	s9 =	sld [smem:$0x3FB5]  }
0x2f: {  	lr =	sadd.s32 s0, s3;
	s0 =	sld [smem:$0x3FAC]  }
0x30: {  	s3 =	sld [smem:$0x3FAF]  }
0x31: {  	[smem:$0x3FB8] =	sst s10  }
0x32: {  	s10 =	sld [smem:$0x3FB6];
	_ =	sdelay $0x3  }
0x33: {  	p0 =	seq.s32 s10, $0x1;
	s10 =	sld [smem:$0x3FB8];
	_ =	sdelay $0x3  }
0x34: {  	[smem:$0x3FB8] =	sst s10  }
0x35: {  	s10 =	sld [smem:$0x3FB7];
	_ =	sdelay $0x3  }
0x36: {  	p1 =	seq.s32 s10, $0x1;
	s10 =	sld [smem:$0x3FB8];
	_ =	sdelay $0x3  }
0x37: {  	[smem:$0x3FB8] =	sst s10  }
0x38: {  	s10 =	sld [smem:$0x3FB9]  }
0x39: {  	_ = 	snop;
	(pc) =	sbr.ind lr, $3  }
0x3a: {  	_ = 	snop  }
0x3b: {  	_ = 	snop  }
0x3c: {  	p2 =	seq.s32 s10, $0x1;
	s10 =	sld [smem:$0x3FB8]  }
0x3d: {  	_ =	shalt  }
0x3e: {  	_ =	shalt  }
0x3f: {  	_ =	shalt  }
0x40: {  	_ =	shalt  }
0x41: {  	_ =	shalt  }
0x42: {  	_ =	shalt  }
0x43: {  	_ =	shalt  }
0x44: {  	_ =	shalt  }
0x45: {  	_ =	shalt  }
0x46: {  	_ =	shalt  }
0x47: {  	_ =	shalt  }
0x48: {  	_ =	shalt  }
0x49: {  	_ =	shalt  }
0x4a: {  	_ =	shalt  }
0x4b: {  	_ =	shalt  }
0x4c: {  	_ =	shalt  }
0x4d: {  	_ =	shalt  }
0x4e: {  	_ =	shalt  }
0x4f: {  	_ =	shalt  }
0x50: {  	_ =	shalt  }
0x51: {  	_ =	shalt  }
0x52: {  	_ =	shalt  }
0x53: {  	_ =	shalt  }
0x54: {  	_ =	shalt  }
0x55: {  	_ =	shalt  }
0x56: {  	_ =	shalt  }
0x57: {  	_ =	shalt  }
0x58: {  	_ =	shalt  }
0x59: {  	_ =	shalt  }
0x5a: {  	_ =	shalt  }
0x5b: {  	_ =	shalt  }
0x5c: {  	_ =	shalt  }
0x5d: {  	_ =	shalt  }
0x5e: {  	_ =	shalt  }
0x5f: {  	_ =	shalt  }
0x60: {  	_ =	shalt  }
0x61: {  	_ =	shalt  }
0x62: {  	_ =	shalt  }
0x63: {  	_ =	shalt  }
0x64: {  	_ =	shalt  }
0x65: {  	_ =	shalt  }
0x66: {  	_ =	shalt  }
0x67: {  	_ =	shalt  }
0x68: {  	_ =	shalt  }
0x69: {  	_ =	shalt  }
0x6a: {  	_ =	shalt  }
0x6b: {  	_ =	shalt  }
0x6c: {  	_ =	shalt  }
0x6d: {  	_ =	shalt  }
0x6e: {  	_ =	shalt  }
0x6f: {  	_ =	shalt  }
0x70: {  	_ =	shalt  }
0x71: {  	_ =	shalt  }
0x72: {  	_ =	shalt  }
0x73: {  	_ =	shalt  }
0x74: {  	_ =	shalt  }
0x75: {  	_ =	shalt  }
0x76: {  	_ =	shalt  }
0x77: {  	_ =	shalt  }
0x78: {  	_ =	shalt  }
0x79: {  	_ =	shalt  }
0x7a: {  	_ =	shalt  }
0x7b: {  	_ =	shalt  }
0x7c: {  	_ =	shalt  }
0x7d: {  	_ =	shalt  }
0x7e: {  	_ =	shalt  }
0x7f: {  	_ =	shalt  }
0x80: {  	_ =	shalt  }
0x81: {  	_ =	shalt  }
0x82: {  	_ =	shalt  }
0x83: {  	_ =	shalt  }
0x84: {  	_ =	shalt  }
0x85: {  	_ =	shalt  }
0x86: {  	_ =	shalt  }
0x87: {  	_ =	shalt  }
.Lfunc_end0:
.L_simem_size_0:
called_computation_lowered:
.L_overlay_start_0:
0x88: {  	s2 =	sld [smem:$0x3FD9]  }
0x89: {  	s3 =	sld [smem:$0x3FFE];
	_ =	sdelay $0x1  }
0x8a: {  	s1 =	srdreg.scid  }
0x8b: {  	s0 =	sand.u32 $0x1, s1  }
0x8c: {  	s17 =	sshll.u32 s0, $0xA;
	s2 =	sadd.s32 s3, s2  }
0x8d: {  	s2 =	sadd.s32 s2, s17  }
0x8e: {  	[smem:$0x3FC4] =	sst s2  }
0x8f: {  	_ = 	snop  }
0x90: {  	s2 =	sld [smem:$0x3FD0];
	(tm) =	ssettm $0x1  }
0x91: {  	s18 =	sld [smem:$0x3FFB];
	_ =	sdelay $0x3  }
0x92: {  	_ =	strace s18  }
0x93: {  	s3 =	sld [smem:$0x3FFC];
	_ =	sdelay $0x3  }
0x94: {  	_ =	strace s3  }
0x95: {  	s3 =	sld [smem:$0x3FFD];
	_ =	sdelay $0x3  }
0x96: {  	_ =	strace s3  }
0x97: {  	_ =	strace $0x8FFFFFFF  }
0x98: {  	s19 =	sld [smem:$0x3FDB];
	_ =	sdelay $0x1  }
0x99: {  	s4 =	simm.s32 $_scs_section_size  }
0x9a: {  	s5 =	simm.s32 $_size__tile_overlayer_lowered;
	s6 =	simm.s32 $_tile_overlayer_lowered  }
0x9b: {  	s22 =	simm.s32 $0x1BFF;
	s21 =	sshll.u32 s6, $0x1;
	s3 =	sadd.s32 s4, s19  }
0x9c: {  	s7 =	simm.s32 $0x0;
	s20 =	sshll.u32 s5, $0x1;
	s5 =	sadd.s32 s21, s3  }
0x9d: {  	[timem:s7], [sflag:s22] =	dma.local [hbm:s5], s20  }
0x9e: {  	_ =	swait.ge [sflag:s22], s20  }
0x9f: {  	s4 =	ssub.s32 $0x0, s20;
	[sflag:s22] =	ssyncset.done $0x0  }
0xa0: {  	[sflag:s22] =	ssyncadd.s32 s4;
	_ =	sdelay $0x1  }
0xa1: {  	s23 =	simm.s32 $0x1B8B  }
0xa2: {  	_ =	swait.ge [sflag:s23], $0x1  }
0xa3: {  	[sflag:s23] =	ssyncset.done $0x0  }
0xa4: {  	s25 =	simm.s32 $0x1B8E;
	s24 =	sld [smem:$0x3FFE];
	[sflag:s23] =	ssyncadd.s32 $0xFFFFFFFF  }
0xa5: {  	s26 =	simm.s32 $execute0_lowered;
	[smem:$0x3FD2] =	sst s25  }
0xa6: {  	s5 =	sshll.u32 s26, $0x1;
	_ =	strace $0x80000046;
	[dreg:$0x1] =	wrdreg $0xFFFFFFFF  }
0xa7: {  	s28 =	simm.s32 $_size_execute0_lowered;
	s3 =	sadd.s32 s3, s5;
	[dreg:$0x0] =	wrdreg $0x0  }
0xa8: {  	s5 =	sshll.u32 s28, $0x1;
	[dreg:$0x2] =	wrdreg s3  }
0xa9: {  	[dreg:$0x3] =	wrdreg s5  }
0xaa: {  	[dreg:$0x4] =	wrdreg $0xC0  }
0xab: {  	_ =	task [dreg:s7], $0x5FFFF  }
0xac: {  	[dreg:$0x1] =	wrdreg $0xFFFFFFFF  }
0xad: {  	[dreg:$0x0] =	wrdreg $0x60  }
0xae: {  	[dreg:$0x2] =	wrdreg s24  }
0xaf: {  	[dreg:$0x3] =	wrdreg s2  }
0xb0: {  	[dreg:$0x4] =	wrdreg $0x68000  }
0xb1: {  	[dreg:$0x5] =	wrdreg $0x9  }
0xb2: {  	_ =	task.clear_ibuf [dreg:s7], $0x6FFFF;
	_ =	strace $0x90000046  }
0xb3: {  	s29 =	simm.s32 $0x9;
	_ =	strace $0x80000048  }
0xb4: {  	_ =	swait.ge [sflag:s29], $0x1  }
0xb5: {  	[sflag:s29] =	ssyncadd.s32 $0xFFFFFFFF  }
0xb6: {  	_ =	strace $0x90000048  }
0xb7: {  	_ =	sfence  }
0xb8: {  	s30 =	sld [smem:$0x0];
	_ =	sdelay $0x2  }
0xb9: {  	s31 =	sshll.u32 s1, $0xD;
	s1 =	sshrl.u32 s1, $0x2  }
0xba: {  	s3 =	sand.u32 $0x4000, s31;
	s1 =	sadd.s32 s1, s30  }
0xbb: {  	s0 =	sor.u32 s3, s0;
	s1 =	sshll.u32 s1, $0x11  }
0xbc: {  	s0 =	sor.u32 s1, s0  }
0xbd: {  	s0 =	sadd.s32 $0x8F2B, s0  }
0xbe: {  	[sflag:s0] =	ssyncadd.remote.s32 $0x1  }
0xbf: {  	_ =	sfence.sel $0xFFFF  }
0xc0: {  	[dreg:$0x0] =	wrdreg $0xFFFFFFFF;
	(pc) =	sbr.abs _section_cstart, $3  }
0xc1: {  	[dreg:$0x1] =	wrdreg $0xFFFFFFFF  }
0xc2: {  	_ =	task.clear_ibuf [dreg:s7], $0x2FFFF;
	_ =	strace $0x9FFFFFFF  }
0xc3: {  	(tm) =	ssettm $0x7FFFFFFF  }
tec
execute0_lowered:
.L_overlay_start_1:
0x0: {  	(tag) =	ssettag $0x1  }
0x1: {  	s4 =	rddreg [dreg:$0x0]  }
0x2: {  	s1 =	rddreg [dreg:$0x1]  }
0x3: {  	s2 =	rddreg [dreg:$0x2]  }
0x4: {  	s0 =	rddreg [dreg:$0x3];
	s3 =	simm.s32 $0x0  }
0x5: {  	s5 =	srdreg.scid;
	s9 =	stileid.u32;
	s14 =	simm.s32 $0x1  }
0x6: {  	s17 =	simm.s32 $0x0;
	[smem:$0x7FF] =	sst s3;
	s8 =	smul.u32 $0x4E000, s9  }
0x7: {  	s5 =	sand.u32 $0x1, s5;
	s15 =	smul.u32 $0x2700, s9;
	s30 =	sshll.u32 s9, $0x6  }
0x8: {  	s31 =	sshll.u32 s9, $0xC;
	s13 =	sadd.s32 $0x138000, s2;
	p0 =	sne.s32 s9, $0x0  }
0x9: {  	s6 =	smul.u32 $0x27100, s5;
	s7 =	sshll.u32 s5, $0xB;
	s5 =	ssub.s32 $0x2, s5  }
0xa: {  	_ =	strace $0x80000047;
	s7 =	sadd.s32 s7, s4;
	s28 =	sshrl.u32 s5, $0x1  }
0xb: {  	s29 =	sshrl.u32 s8, $0x2;
	s10 =	sadd.s32 s6, s4;
	s11 =	ssub.s32 s5, s28  }
0xc: {  	s12 =	sadd.s32 s29, s2;
	s4 =	sadd.s32 s1, s15;
	s7 =	sadd.s32 s31, s7  }
0xd: {  	s5 =	sor.u32 $0x1C02, s30;
	s6 =	sadd.s32 $0x27000, s1;
	s7 =	sadd.s32 $0x15800, s7  }
0xe: {  	s16 =	sadd.s32 $0x25800, s10;
	s8 =	smax.u32 s11, $0x1;
	s9 =	sshrl.u32 s12, $0x3  }
0xf: {  	s10 =	simm.s32 $0x2;
	s11 =	sshrl.u32 @!p0 s13, $0x3;
	s12 =	simm.s32 $0x4000  }
0x10: {  	s13 =	simm.s32 $0x50;
	s15 =	sadd.s32 s15, s16;
	s16 =	sadd.s32 @!p0 $0x27000, s16  }
.LBB2_1:
0x11: {  	[spmem:s9], [sflag:s5] =	dma.local [hbm:s4], $0x2700  }
0x12: {  	_ =	swait.ge [sflag:s10], $0x2700  }
0x13: {  	[sflag:s10] =	ssyncset.done $0x0  }
0x14: {  	s18 =	simm.s32 @!p0 $0x2;
	[sflag:s10] =	ssyncadd.s32 $0xFFFFD900  }
0x15: {  	[spmem:s11], [sflag:s5] =	dma.local @!p0 [hbm:s6], $0x100  }
0x16: {  	_ =	swait.ge @!p0 [sflag:s18], $0x100  }
0x17: {  	[sflag:s18] =	ssyncset.done @!p0 $0x0  }
0x18: {  	[sflag:s18] =	ssyncadd.s32 @!p0 $0xFFFFFF00  }
0x19: {  	[tilespmem:s3], [sflag:$0x2] =	stream.linear.gather [hbm4b:s7+s3], $0x3E80, $0x38;
	[tilespmem:$0x7B88] =	vst v63  }
0x1a: {  	_ =	swait.ge [sflag:s10], $0x3E80  }
0x1b: {  	[sflag:s10] =	ssyncset.done $0x0  }
0x1c: {  	[sflag:s10] =	ssyncadd.s32 $0xFFFFC180  }
0x1d: {  	[tilespmem:s12], [sflag:$0x2] =	stream.linear.gather [hbm4b:s1+s3], $0x2800, $0x38;
	[tilespmem:$0x7B88] =	vst v63  }
0x1e: {  	_ =	swait.ge [sflag:s10], $0x2800  }
0x1f: {  	[sflag:s10] =	ssyncset.done $0x0  }
0x20: {  	p1 =	por $0x1, $0x1;
	[sflag:s10] =	ssyncadd.s32 $0xFFFFD800  }
0x21: {  	s19 =	simm.s32 @!p1 $0x1;
	[bflag:$0x0] =	sbarrier.arrive $0xFFFF  }
0x22: {  	_ =	swait.ge @!p1 [sflag:s19], $0x280  }
0x23: {  	s20 =	simm.s32 $0x0;
	[sflag:s19] =	ssyncset.done @!p1 $0x0  }
0x24: {  	s18 =	simm.s32 $0x1;
	[sflag:s19] =	ssyncadd.s32 @!p1 $0xFFFFFD80;
	s19 =	simm.s32 $0x80  }
.LBB2_2:
0x25: {  	[spmem:s2] =	stream.indirect.scatter.add.f32 [tilespmem:s12], [sflag:$0x1], $0x8, s20, s13, $0xb8;
	[tilespmem:$0x7B88] =	vst v63  }
0x26: {  	p1 =	slt.u32 s18, $0x8;
	s18 =	sadd.s32 $0x1, s18  }
0x27: {  	p2 =	sne.s32 s18, $0x7D  }
.Ltmp0:
0x28: {  	(pc) =	sbr.rel @p2 .LBB2_2-.Ltmp0, $4  }
0x29: {  	s20 =	smov.u32 s19;
	s21 =	simm.s32 @!p1 $0x1  }
0x2a: {  	_ =	swait.ge @!p1 [sflag:s21], $0x280  }
0x2b: {  	[sflag:s21] =	ssyncset.done @!p1 $0x0  }
0x2c: {  	s19 =	sadd.s32 $0x80, s19;
	[sflag:s21] =	ssyncadd.s32 @!p1 $0xFFFFFD80  }
0x2d: {  	[spmem:s2] =	stream.indirect.scatter.add.f32 [tilespmem:s12], [sflag:$0x1], $0x8, s20, s13, $0xb8;
	[tilespmem:$0x7B88] =	vst v63  }
0x2e: {  	_ =	swait.ge [sflag:s14], $0x280  }
0x2f: {  	[sflag:s14] =	ssyncset.done $0x0  }
0x30: {  	[sflag:s14] =	ssyncadd.s32 $0xFFFFFD80  }
0x31: {  	_ =	swait.ge [sflag:s14], $0x280  }
0x32: {  	[sflag:s14] =	ssyncset.done $0x0  }
0x33: {  	[sflag:s14] =	ssyncadd.s32 $0xFFFFFD80  }
0x34: {  	_ =	swait.ge [sflag:s14], $0x280  }
0x35: {  	[sflag:s14] =	ssyncset.done $0x0  }
0x36: {  	[sflag:s14] =	ssyncadd.s32 $0xFFFFFD80  }
0x37: {  	_ =	swait.ge [sflag:s14], $0x280  }
0x38: {  	[sflag:s14] =	ssyncset.done $0x0  }
0x39: {  	[sflag:s14] =	ssyncadd.s32 $0xFFFFFD80  }
0x3a: {  	_ =	swait.ge [sflag:s14], $0x280  }
0x3b: {  	[sflag:s14] =	ssyncset.done $0x0  }
0x3c: {  	[sflag:s14] =	ssyncadd.s32 $0xFFFFFD80  }
0x3d: {  	_ =	swait.ge [sflag:s14], $0x280  }
0x3e: {  	[sflag:s14] =	ssyncset.done $0x0  }
0x3f: {  	[sflag:s14] =	ssyncadd.s32 $0xFFFFFD80  }
0x40: {  	_ =	swait.ge [sflag:s14], $0x280  }
0x41: {  	[sflag:s14] =	ssyncset.done $0x0  }
0x42: {  	[sflag:s14] =	ssyncadd.s32 $0xFFFFFD80  }
0x43: {  	_ =	swait.ge [sflag:s14], $0x280  }
0x44: {  	[sflag:s14] =	ssyncset.done $0x0  }
0x45: {  	[sflag:s14] =	ssyncadd.s32 $0xFFFFFD80  }
0x46: {  	[bflag:$0x0] =	sbarrier.arrive $0xFFFF  }
0x47: {  	[hbm:s15], [sflag:s5] =	dma.local [spmem:s9], $0x2700  }
0x48: {  	s17 =	sadd.s32 $0x1, s17;
	_ =	swait.ge [sflag:s10], $0x2700  }
0x49: {  	p1 =	sne.s32 s17, s8;
	[sflag:s10] =	ssyncset.done $0x0  }
.Ltmp1:
0x4a: {  	s18 =	simm.s32 @!p0 $0x2;
	[sflag:s10] =	ssyncadd.s32 $0xFFFFD900;
	(pc) =	sbr.rel @p1 .LBB2_1-.Ltmp1, $4  }
0x4b: {  	[hbm:s16], [sflag:s5] =	dma.local @!p0 [spmem:s11], $0x100  }
0x4c: {  	_ =	swait.ge @!p0 [sflag:s18], $0x100  }
0x4d: {  	[sflag:s18] =	ssyncset.done @!p0 $0x0  }
0x4e: {  	[sflag:s18] =	ssyncadd.s32 @!p0 $0xFFFFFF00  }
0x4f: {  	_ =	sfence.sel $0x180000  }
0x50: {  	[bflag:$0x0] =	sbarrier.arrive $0xFFFF  }
0x51: {  	_ =	strace $0x90000047  }
0x52: {  	s0 =	sadd.s32 @!p0 $0x100000, s0;
	[bflag:$0x2] =	sbarrier.arrive $0xFFFF  }
0x53: {  	[sflag:s0] =	ssyncadd.tile.s32 @!p0 $0x1;
	_ =	shalt  }
.Lfunc_end2:
_tile_overlayer_lowered:
.L_overlay_start_2:
0x54: {  	(tag) =	ssettag $0x2  }
0x55: {  	s0 =	rddreg [dreg:$0x0];
	s2 =	stileid.u32  }
0x56: {  	s1 =	rddreg [dreg:$0x1];
	p0 =	sne.s32 s2, $0x0  }
0x57: {  	s3 =	rddreg [dreg:$0x2];
	[bflag:$0x3] =	sbarrier.arrive $0xFFFF;
	s2 =	simm.s32 @!p0 $0x1C02  }
0x58: {  	[timem:s3], [sflag:s2] =	dma.local @!p0 [hbm:s0], s1  }
0x59: {  	s0 =	simm.s32 @!p0 $0x2  }
0x5a: {  	_ =	swait.ge @!p0 [sflag:s0], s1  }
0x5b: {  	s1 =	ssub.s32 @!p0 $0x0, s1;
	[sflag:s0] =	ssyncset.done @!p0 $0x0  }
0x5c: {  	[sflag:s0] =	ssyncadd.s32 @!p0 s1  }
0x5d: {  	[bflag:$0x3] =	sbarrier.arrive $0xFFFF  }
0x5e: {  	_ =	shalt  }

// kernel: kernel.9.cloned.1.call-start
scs
__scs_entry_jumppad:
0x0: {  	(pc) =	sbr.rel $0x88, $3  }
0x1: {  	(tag) =	ssettag $0x0;
	lr =	simm.s32 $0x1  }
0x2: {  	[smem:$0x3F9D] =	sst lr;
	_ =	strace $0xD0000000  }
0x3: {  	_ = 	snop  }
0x4: {  	_ = 	snop  }
0x5: {  	_ = 	snop  }
0x6: {  	_ = 	snop  }
0x7: {  	_ = 	snop  }
__scs_overlays_trampoline_lowered:
0x8: {  	[smem:$0x3FAC] =	sst s0  }
0x9: {  	[smem:$0x3FAD] =	sst s1  }
0xa: {  	[smem:$0x3FAE] =	sst s2  }
0xb: {  	[smem:$0x3FAF] =	sst s3  }
0xc: {  	[smem:$0x3FB0] =	sst s4  }
0xd: {  	[smem:$0x3FB1] =	sst s5  }
0xe: {  	[smem:$0x3FB2] =	sst s6  }
0xf: {  	[smem:$0x3FB3] =	sst s7  }
0x10: {  	[smem:$0x3FB4] =	sst s8  }
0x11: {  	[smem:$0x3FB5] =	sst s9;
	s0 =	simm.s32 @!p0 $0x0  }
0x12: {  	s1 =	sld [smem:$0x3F9B];
	s0 =	simm.s32 @p0 $0x1  }
0x13: {  	[smem:$0x3FB6] =	sst s0;
	s0 =	simm.s32 @!p1 $0x0  }
0x14: {  	s2 =	sld [smem:$0x3F9A];
	s0 =	simm.s32 @p1 $0x1  }
0x15: {  	[smem:$0x3FB7] =	sst s0;
	s0 =	simm.s32 @!p2 $0x0  }
0x16: {  	s3 =	sld [smem:$0x3FDB];
	s0 =	simm.s32 @p2 $0x1  }
0x17: {  	s4 =	simm.s32 $0x1BF5;
	[smem:$0x3FB9] =	sst s0  }
0x18: {  	s0 =	sld [smem:$0x3F9C];
	_ =	swait.ge [sflag:s4], $0x0  }
0x19: {  	s7 =	sld [smem:$0x3F9D]  }
0x1a: {  	s8 =	sadd.s32 $0xFFFFE003, lr  }
0x1b: {  	s9 =	sadd.s32 $0xFFFFFEF7, lr;
	s5 =	simm.s32 $0xFFFFFFFF;
	p2 =	slt.u32 s8, $0xFFFFF086  }
0x1c: {  	p1 =	slt.u32 s9, $0xF7A;
	s5 =	simm.s32 @!p2 $0x0  }
0x1d: {  	s5 =	simm.s32 @p1 $0x1;
	p0 =	seq.s32 s7, s2  }
0x1e: {  	s7 =	smul.u32 @!p0 $0xF7A, s2;
	p2 =	seq.s32 @!p0 s5, $0x0  }
0x1f: {  	s9 =	smul.u32 $0xF7A, s1;
	s8 =	simm.s32 @!p0 $0x1BF5;
	p2 =	por !p2, p0  }
0x20: {  	[sflag:s8] =	ssyncset.s32 @!p0 $0xFFFFF086;
	s6 =	sadd.s32 @!p0 s3, s7;
	s7 =	simm.s32 @!p0 $0x108  }
0x21: {  	s3 =	sadd.s32 s3, s9;
	s6 =	sadd.s32 @!p0 $0x88, s6;
	s7 =	simm.s32 @p2 $0x1082  }
0x22: {  	[simem:s7], [sflag:s8] =	dma.local @!p0 [hbm:s6], $0xF7A  }
0x23: {  	s9 =	sor.u32 $0xD0000000, s2;
	s6 =	simm.s32 $0x108;
	_ =	swait.ge @!p0 [sflag:s8], $0x0  }
0x24: {  	s3 =	sadd.s32 $0x88, s3;
	s6 =	simm.s32 @!p1 $0x1082;
	[sflag:s4] =	ssyncset.s32 $0xFFFFF086  }
0x25: {  	[simem:s6], [sflag:s4] =	dma.local [hbm:s3], $0xF7A  }
0x26: {  	[smem:$0x3F9D] =	sst s1;
	(tag) =	ssettag s2;
	_ =	strace s9  }
0x27: {  	s1 =	sld [smem:$0x3FAD]  }
0x28: {  	s2 =	sld [smem:$0x3FAE]  }
0x29: {  	s4 =	sld [smem:$0x3FB0]  }
0x2a: {  	p0 =	seq.s32 s5, $0x0;
	s5 =	sld [smem:$0x3FB1]  }
0x2b: {  	s6 =	sld [smem:$0x3FB2]  }
0x2c: {  	s7 =	sld [smem:$0x3FB3]  }
0x2d: {  	s3 =	simm.s32 $0x108;
	s8 =	sld [smem:$0x3FB4]  }
0x2e: {  	s3 =	simm.s32 @!p0 $0x1082;
	s9 =	sld [smem:$0x3FB5]  }
0x2f: {  	lr =	sadd.s32 s0, s3;
	s0 =	sld [smem:$0x3FAC]  }
0x30: {  	s3 =	sld [smem:$0x3FAF]  }
0x31: {  	[smem:$0x3FB8] =	sst s10  }
0x32: {  	s10 =	sld [smem:$0x3FB6];
	_ =	sdelay $0x3  }
0x33: {  	p0 =	seq.s32 s10, $0x1;
	s10 =	sld [smem:$0x3FB8];
	_ =	sdelay $0x3  }
0x34: {  	[smem:$0x3FB8] =	sst s10  }
0x35: {  	s10 =	sld [smem:$0x3FB7];
	_ =	sdelay $0x3  }
0x36: {  	p1 =	seq.s32 s10, $0x1;
	s10 =	sld [smem:$0x3FB8];
	_ =	sdelay $0x3  }
0x37: {  	[smem:$0x3FB8] =	sst s10  }
0x38: {  	s10 =	sld [smem:$0x3FB9]  }
0x39: {  	_ = 	snop;
	(pc) =	sbr.ind lr, $3  }
0x3a: {  	_ = 	snop  }
0x3b: {  	_ = 	snop  }
0x3c: {  	p2 =	seq.s32 s10, $0x1;
	s10 =	sld [smem:$0x3FB8]  }
0x3d: {  	_ =	shalt  }
0x3e: {  	_ =	shalt  }
0x3f: {  	_ =	shalt  }
0x40: {  	_ =	shalt  }
0x41: {  	_ =	shalt  }
0x42: {  	_ =	shalt  }
0x43: {  	_ =	shalt  }
0x44: {  	_ =	shalt  }
0x45: {  	_ =	shalt  }
0x46: {  	_ =	shalt  }
0x47: {  	_ =	shalt  }
0x48: {  	_ =	shalt  }
0x49: {  	_ =	shalt  }
0x4a: {  	_ =	shalt  }
0x4b: {  	_ =	shalt  }
0x4c: {  	_ =	shalt  }
0x4d: {  	_ =	shalt  }
0x4e: {  	_ =	shalt  }
0x4f: {  	_ =	shalt  }
0x50: {  	_ =	shalt  }
0x51: {  	_ =	shalt  }
0x52: {  	_ =	shalt  }
0x53: {  	_ =	shalt  }
0x54: {  	_ =	shalt  }
0x55: {  	_ =	shalt  }
0x56: {  	_ =	shalt  }
0x57: {  	_ =	shalt  }
0x58: {  	_ =	shalt  }
0x59: {  	_ =	shalt  }
0x5a: {  	_ =	shalt  }
0x5b: {  	_ =	shalt  }
0x5c: {  	_ =	shalt  }
0x5d: {  	_ =	shalt  }
0x5e: {  	_ =	shalt  }
0x5f: {  	_ =	shalt  }
0x60: {  	_ =	shalt  }
0x61: {  	_ =	shalt  }
0x62: {  	_ =	shalt  }
0x63: {  	_ =	shalt  }
0x64: {  	_ =	shalt  }
0x65: {  	_ =	shalt  }
0x66: {  	_ =	shalt  }
0x67: {  	_ =	shalt  }
0x68: {  	_ =	shalt  }
0x69: {  	_ =	shalt  }
0x6a: {  	_ =	shalt  }
0x6b: {  	_ =	shalt  }
0x6c: {  	_ =	shalt  }
0x6d: {  	_ =	shalt  }
0x6e: {  	_ =	shalt  }
0x6f: {  	_ =	shalt  }
0x70: {  	_ =	shalt  }
0x71: {  	_ =	shalt  }
0x72: {  	_ =	shalt  }
0x73: {  	_ =	shalt  }
0x74: {  	_ =	shalt  }
0x75: {  	_ =	shalt  }
0x76: {  	_ =	shalt  }
0x77: {  	_ =	shalt  }
0x78: {  	_ =	shalt  }
0x79: {  	_ =	shalt  }
0x7a: {  	_ =	shalt  }
0x7b: {  	_ =	shalt  }
0x7c: {  	_ =	shalt  }
0x7d: {  	_ =	shalt  }
0x7e: {  	_ =	shalt  }
0x7f: {  	_ =	shalt  }
0x80: {  	_ =	shalt  }
0x81: {  	_ =	shalt  }
0x82: {  	_ =	shalt  }
0x83: {  	_ =	shalt  }
0x84: {  	_ =	shalt  }
0x85: {  	_ =	shalt  }
0x86: {  	_ =	shalt  }
0x87: {  	_ =	shalt  }
.Lfunc_end0:
.L_simem_size_0:
called_computation.1_lowered:
.L_overlay_start_0:
0x88: {  	s2 =	sld [smem:$0x3FD9]  }
0x89: {  	s3 =	sld [smem:$0x3FFE];
	_ =	sdelay $0x1  }
0x8a: {  	s1 =	srdreg.scid  }
0x8b: {  	s0 =	sand.u32 $0x1, s1  }
0x8c: {  	s17 =	sshll.u32 s0, $0xA;
	s2 =	sadd.s32 s3, s2  }
0x8d: {  	s2 =	sadd.s32 s2, s17  }
0x8e: {  	[smem:$0x3FC4] =	sst s2  }
0x8f: {  	_ = 	snop  }
0x90: {  	s2 =	sld [smem:$0x3FD0];
	(tm) =	ssettm $0x1  }
0x91: {  	s18 =	sld [smem:$0x3FFB];
	_ =	sdelay $0x3  }
0x92: {  	_ =	strace s18  }
0x93: {  	s3 =	sld [smem:$0x3FFC];
	_ =	sdelay $0x3  }
0x94: {  	_ =	strace s3  }
0x95: {  	s3 =	sld [smem:$0x3FFD];
	_ =	sdelay $0x3  }
0x96: {  	_ =	strace s3  }
0x97: {  	_ =	strace $0x8FFFFFFF  }
0x98: {  	s19 =	sld [smem:$0x3FDB];
	_ =	sdelay $0x1  }
0x99: {  	s4 =	simm.s32 $_scs_section_size  }
0x9a: {  	s5 =	simm.s32 $_size__tile_overlayer_lowered;
	s6 =	simm.s32 $_tile_overlayer_lowered  }
0x9b: {  	s22 =	simm.s32 $0x1BFF;
	s21 =	sshll.u32 s6, $0x1;
	s3 =	sadd.s32 s4, s19  }
0x9c: {  	s7 =	simm.s32 $0x0;
	s20 =	sshll.u32 s5, $0x1;
	s5 =	sadd.s32 s21, s3  }
0x9d: {  	[timem:s7], [sflag:s22] =	dma.local [hbm:s5], s20  }
0x9e: {  	_ =	swait.ge [sflag:s22], s20  }
0x9f: {  	s4 =	ssub.s32 $0x0, s20;
	[sflag:s22] =	ssyncset.done $0x0  }
0xa0: {  	[sflag:s22] =	ssyncadd.s32 s4;
	_ =	sdelay $0x1  }
0xa1: {  	s23 =	simm.s32 $0x1B8B  }
0xa2: {  	_ =	swait.ge [sflag:s23], $0x1  }
0xa3: {  	[sflag:s23] =	ssyncset.done $0x0  }
0xa4: {  	s25 =	simm.s32 $0x1B8E;
	s24 =	sld [smem:$0x3FFE];
	[sflag:s23] =	ssyncadd.s32 $0xFFFFFFFF  }
0xa5: {  	s26 =	simm.s32 $execute0_lowered;
	[smem:$0x3FD2] =	sst s25  }
0xa6: {  	s5 =	sshll.u32 s26, $0x1;
	_ =	strace $0x80000049;
	[dreg:$0x1] =	wrdreg $0xFFFFFFFF  }
0xa7: {  	s28 =	simm.s32 $_size_execute0_lowered;
	s3 =	sadd.s32 s3, s5;
	[dreg:$0x0] =	wrdreg $0x0  }
0xa8: {  	s5 =	sshll.u32 s28, $0x1;
	[dreg:$0x2] =	wrdreg s3  }
0xa9: {  	[dreg:$0x3] =	wrdreg s5  }
0xaa: {  	[dreg:$0x4] =	wrdreg $0xC0  }
0xab: {  	_ =	task [dreg:s7], $0x5FFFF  }
0xac: {  	[dreg:$0x1] =	wrdreg $0xFFFFFFFF  }
0xad: {  	[dreg:$0x0] =	wrdreg $0x60  }
0xae: {  	[dreg:$0x2] =	wrdreg s2  }
0xaf: {  	[dreg:$0x3] =	wrdreg s24  }
0xb0: {  	[dreg:$0x4] =	wrdreg $0xB2200  }
0xb1: {  	[dreg:$0x5] =	wrdreg $0x9  }
0xb2: {  	_ =	task.clear_ibuf [dreg:s7], $0x6FFFF;
	_ =	strace $0x90000049  }
0xb3: {  	s29 =	simm.s32 $0x9;
	_ =	strace $0x8000004B  }
0xb4: {  	_ =	swait.ge [sflag:s29], $0x1  }
0xb5: {  	[sflag:s29] =	ssyncadd.s32 $0xFFFFFFFF  }
0xb6: {  	_ =	strace $0x9000004B  }
0xb7: {  	_ =	sfence  }
0xb8: {  	s30 =	sld [smem:$0x0];
	_ =	sdelay $0x2  }
0xb9: {  	s31 =	sshll.u32 s1, $0xD;
	s1 =	sshrl.u32 s1, $0x2  }
0xba: {  	s3 =	sand.u32 $0x4000, s31;
	s1 =	sadd.s32 s1, s30  }
0xbb: {  	s0 =	sor.u32 s3, s0;
	s1 =	sshll.u32 s1, $0x11  }
0xbc: {  	s0 =	sor.u32 s1, s0  }
0xbd: {  	s0 =	sadd.s32 $0x8F2B, s0  }
0xbe: {  	[sflag:s0] =	ssyncadd.remote.s32 $0x1  }
0xbf: {  	_ =	sfence.sel $0xFFFF  }
0xc0: {  	[dreg:$0x0] =	wrdreg $0xFFFFFFFF;
	(pc) =	sbr.abs _section_cstart, $3  }
0xc1: {  	[dreg:$0x1] =	wrdreg $0xFFFFFFFF  }
0xc2: {  	_ =	task.clear_ibuf [dreg:s7], $0x2FFFF;
	_ =	strace $0x9FFFFFFF  }
0xc3: {  	(tm) =	ssettm $0x7FFFFFFF  }
tec
execute0_lowered:
.L_overlay_start_1:
0x0: {  	(tag) =	ssettag $0x1  }
0x1: {  	s1 =	rddreg [dreg:$0x0]  }
0x2: {  	s0 =	rddreg [dreg:$0x1]  }
0x3: {  	s2 =	rddreg [dreg:$0x2];
	s3 =	srdreg.scid  }
0x4: {  	s5 =	stileid.u32;
	s6 =	simm.s32 $0x0;
	s15 =	simm.s32 $0xB  }
0x5: {  	s28 =	simm.s32 $0x1;
	s30 =	simm.s32 $0x9E20;
	s31 =	simm.s32 $0x2  }
0x6: {  	s12 =	simm.s32 $0x7;
	s14 =	simm.s32 $0x4;
	s29 =	simm.s32 $0x0  }
0x7: {  	s3 =	sand.u32 $0x1, s3;
	s4 =	sshll.u32 s5, $0x1;
	[smem:$0x7FF] =	sst s6  }
0x8: {  	s9 =	smul.u32 $0x9C00, s5;
	s23 =	sadd.s32 $0x13800, s1;
	p0 =	sne.s32 s5, $0x0  }
0x9: {  	s26 =	sshll.u32 s5, $0x6;
	s5 =	simm.s32 $0x6;
	s4 =	sor.u32 s3, s4  }
0xa: {  	_ =	strace $0x8000004A;
	s7 =	smul.u32 $0x27100, s3;
	s3 =	ssub.s32 $0x2, s3  }
0xb: {  	[dreg:$0x8] =	wrdreg s23;
	s17 =	sor.u32 $0x1C0B, s26;
	s26 =	simm.s32 $0x8A20  }
0xc: {  	s23 =	simm.s32 $0xA;
	s19 =	smul.u32 $0x4E2, s4;
	s4 =	sadd.s32 $0x73A00, s0  }
0xd: {  	s8 =	sshrl.u32 s3, $0x1;
	s21 =	sadd.s32 s9, s2;
	s10 =	sadd.s32 s7, s0  }
0xe: {  	s3 =	ssub.s32 s3, s8;
	s8 =	sshrl.u32 s9, $0x3;
	[dreg:$0x6] =	wrdreg s21  }
0xf: {  	s18 =	sshrl.u32 s21, $0x3;
	s21 =	simm.s32 $0x4E20;
	s9 =	simm.s32 $0x3  }
0x10: {  	s6 =	sadd.s32 s19, s0;
	s22 =	sadd.s32 s1, s8;
	s16 =	sadd.s32 $0x87400, s10  }
0x11: {  	s24 =	sadd.s32 s4, s8;
	s0 =	sadd.s32 $0x87200, s0;
	[dreg:$0x7] =	wrdreg s22  }
0x12: {  	s25 =	smax.u32 s3, $0x1;
	s10 =	simm.s32 $0x9;
	[dreg:$0x9] =	wrdreg s24  }
.Ltmp0:
0x13: {  	s20 =	sadd.s32 $0x1C00, s6;
	[dreg:$0xa] =	wrdreg s0;
	(pc) =	sbr.rel .LBB2_1-.Ltmp0, $4  }
0x14: {  	s6 =	sadd.s32 $0xBA00, s6;
	[dreg:$0xb] =	wrdreg s25;
	s22 =	simm.s32 $0x6220  }
0x15: {  	s24 =	simm.s32 $0x7620;
	[dreg:$0x5] =	wrdreg s6;
	s6 =	sadd.s32 $0x9C000, s2  }
0x16: {  	s25 =	simm.s32 $0x8;
	[dreg:$0x4] =	wrdreg s20;
	s11 =	sshrl.u32 @!p0 s6, $0x3  }
0x17: {  	s0 =	simm.s32 $0x5;
	s20 =	simm.s32 $0x50;
	[dreg:$0xc] =	wrdreg s11  }
.LBB2_6:
0x18: {  	_ =	swait.ge [sflag:s0], $0x1400  }
0x19: {  	[sflag:s0] =	ssyncset.done $0x0  }
0x1a: {  	[sflag:s0] =	ssyncadd.s32 $0xFFFFEC00  }
0x1b: {  	[spmem:s2] =	stream.indirect.scatter.add.f32 [tilespmem:s30], [sflag:$0xA], $0x40, s3, s20, $0xb8;
	[tilespmem:$0x14E60] =	vst v63  }
0x1c: {  	_ =	swait.ge [sflag:s5], $0x1400  }
0x1d: {  	[sflag:s5] =	ssyncset.done $0x0  }
0x1e: {  	[sflag:s5] =	ssyncadd.s32 $0xFFFFEC00  }
0x1f: {  	_ =	swait.ge [sflag:s12], $0x1400  }
0x20: {  	[sflag:s12] =	ssyncset.done $0x0  }
0x21: {  	[sflag:s12] =	ssyncadd.s32 $0xFFFFEC00  }
0x22: {  	_ =	swait.ge [sflag:s25], $0x1400  }
0x23: {  	[sflag:s25] =	ssyncset.done $0x0  }
0x24: {  	[sflag:s25] =	ssyncadd.s32 $0xFFFFEC00  }
0x25: {  	_ =	swait.ge [sflag:s10], $0x1400  }
0x26: {  	[sflag:s10] =	ssyncset.done $0x0  }
0x27: {  	[sflag:s10] =	ssyncadd.s32 $0xFFFFEC00  }
0x28: {  	_ =	swait.ge [sflag:s23], $0x1400  }
0x29: {  	[sflag:s23] =	ssyncset.done $0x0  }
0x2a: {  	s3 =	sadd.s32 $0x13880, s18;
	[sflag:s23] =	ssyncadd.s32 $0xFFFFEC00  }
0x2b: {  	s6 =	sadd.s32 s11, s3;
	[bflag:$0x0] =	sbarrier.arrive $0xFFFF  }
0x2c: {  	[hbm:s6], [sflag:s17] =	dma.local [spmem:s19], $0x1380  }
0x2d: {  	_ =	swait.ge [sflag:s15], $0x1380  }
0x2e: {  	s8 =	smov.u32 s11;
	[sflag:s15] =	ssyncset.done $0x0  }
0x2f: {  	s3 =	sadd.s32 @!p0 $0x13800, s3;
	s11 =	rddreg [dreg:$0xc];
	[sflag:s15] =	ssyncadd.s32 $0xFFFFEC80  }
0x30: {  	[hbm:s3], [sflag:s17] =	dma.local @!p0 [spmem:s11], $0x80  }
0x31: {  	s3 =	simm.s32 @!p0 $0xB  }
0x32: {  	s16 =	smov.u32 s18;
	_ =	swait.ge @!p0 [sflag:s3], $0x80  }
0x33: {  	s29 =	sadd.s32 $0x1, s29;
	s18 =	smov.u32 s19;
	s19 =	rddreg [dreg:$0xb]  }
0x34: {  	p1 =	sne.s32 s29, s19  }
.Ltmp1:
0x35: {  	_ = 	snop;
	(pc) =	sbr.rel @!p1 .LBB2_7-.Ltmp1, $3  }
0x36: {  	_ =	sdelay $0x1  }
0x37: {  	[sflag:s3] =	ssyncset.done @!p0 $0x0  }
0x38: {  	[sflag:s3] =	ssyncadd.s32 @!p0 $0xFFFFFF80  }
.LBB2_1:
0x39: {  	s6 =	simm.s32 $0x0;
	s3 =	rddreg [dreg:$0x4]  }
0x3a: {  	[tilespmem:s6], [sflag:$0xB] =	stream.linear.gather [hbm4b:s3+s6], $0x2710, $0x38;
	[tilespmem:$0x14E60] =	vst v63  }
0x3b: {  	_ =	swait.ge [sflag:s15], $0x2710  }
0x3c: {  	[sflag:s15] =	ssyncset.done $0x0  }
0x3d: {  	s7 =	simm.s32 $0x2710;
	s13 =	rddreg [dreg:$0x5];
	[sflag:s15] =	ssyncadd.s32 $0xFFFFD8F0  }
0x3e: {  	[tilespmem:s7], [sflag:$0xB] =	stream.linear.gather [hbm4b:s13+s6], $0x2710, $0x38;
	[tilespmem:$0x14E60] =	vst v63  }
0x3f: {  	_ =	swait.ge [sflag:s15], $0x2710  }
0x40: {  	[sflag:s15] =	ssyncset.done $0x0  }
0x41: {  	s19 =	rddreg [dreg:$0x7];
	[sflag:s15] =	ssyncadd.s32 $0xFFFFD8F0  }
0x42: {  	[spmem:s18], [sflag:s17] =	dma.local [hbm:s19], $0x1380  }
0x43: {  	_ =	swait.ge [sflag:s15], $0x1380  }
0x44: {  	[sflag:s15] =	ssyncset.done $0x0  }
0x45: {  	s3 =	rddreg [dreg:$0x8];
	[sflag:s15] =	ssyncadd.s32 $0xFFFFEC80  }
0x46: {  	[spmem:s11], [sflag:s17] =	dma.local @!p0 [hbm:s3], $0x80  }
0x47: {  	s3 =	simm.s32 @!p0 $0xB  }
0x48: {  	_ =	swait.ge @!p0 [sflag:s3], $0x80  }
0x49: {  	[sflag:s3] =	ssyncset.done @!p0 $0x0  }
0x4a: {  	[sflag:s3] =	ssyncadd.s32 @!p0 $0xFFFFFF80  }
0x4b: {  	[bflag:$0x0] =	sbarrier.arrive $0xFFFF  }
0x4c: {  	[tilespmem:s21], [sflag:$0x1] =	stream.indirect.gather [hbm4b:s1+s20], $0x40, s6, s20, $0xb8;
	[tilespmem:$0x14E60] =	vst v63  }
0x4d: {  	_ = 	snop  }
0x4e: {  	[tilespmem:s22], [sflag:$0x2] =	stream.indirect.gather [hbm4b:s1+s20], $0x40, s20, s20, $0xb8;
	[tilespmem:$0x14E60] =	vst v63  }
0x4f: {  	s11 =	simm.s32 $0xA0  }
0x50: {  	[tilespmem:s24], [sflag:$0x3] =	stream.indirect.gather [hbm4b:s1+s20], $0x40, s11, s20, $0xb8;
	[tilespmem:$0x14E60] =	vst v63  }
0x51: {  	s13 =	simm.s32 $0xF0  }
0x52: {  	[tilespmem:s26], [sflag:$0x4] =	stream.indirect.gather [hbm4b:s1+s20], $0x40, s13, s20, $0xb8;
	[tilespmem:$0x14E60] =	vst v63  }
0x53: {  	_ =	swait.ge [sflag:s28], $0x1400  }
0x54: {  	[sflag:s28] =	ssyncset.done $0x0  }
0x55: {  	[sflag:s28] =	ssyncadd.s32 $0xFFFFEC00  }
0x56: {  	[spmem:s2] =	stream.indirect.scatter.add.f32 [tilespmem:s21], [sflag:$0x6], $0x40, s7, s20, $0xb8;
	[tilespmem:$0x14E60] =	vst v63  }
0x57: {  	s19 =	simm.s32 $0x140  }
0x58: {  	[tilespmem:s30], [sflag:$0x5] =	stream.indirect.gather [hbm4b:s1+s20], $0x40, s19, s20, $0xb8;
	[tilespmem:$0x14E60] =	vst v63  }
0x59: {  	_ =	swait.ge [sflag:s31], $0x1400  }
0x5a: {  	[sflag:s31] =	ssyncset.done $0x0  }
0x5b: {  	s6 =	simm.s32 $0x2760;
	[sflag:s31] =	ssyncadd.s32 $0xFFFFEC00  }
0x5c: {  	[spmem:s2] =	stream.indirect.scatter.add.f32 [tilespmem:s22], [sflag:$0x7], $0x40, s6, s20, $0xb8;
	[tilespmem:$0x14E60] =	vst v63  }
0x5d: {  	_ =	swait.ge [sflag:s5], $0x1400  }
0x5e: {  	[sflag:s5] =	ssyncset.done $0x0  }
0x5f: {  	s7 =	simm.s32 $0x190;
	[sflag:s5] =	ssyncadd.s32 $0xFFFFEC00  }
0x60: {  	[tilespmem:s21], [sflag:$0x1] =	stream.indirect.gather [hbm4b:s1+s20], $0x40, s7, s20, $0xb8;
	[tilespmem:$0x14E60] =	vst v63  }
0x61: {  	_ =	swait.ge [sflag:s9], $0x1400  }
0x62: {  	[sflag:s9] =	ssyncset.done $0x0  }
0x63: {  	s11 =	simm.s32 $0x27B0;
	[sflag:s9] =	ssyncadd.s32 $0xFFFFEC00  }
0x64: {  	[spmem:s2] =	stream.indirect.scatter.add.f32 [tilespmem:s24], [sflag:$0x8], $0x40, s11, s20, $0xb8;
	[tilespmem:$0x14E60] =	vst v63  }
0x65: {  	_ =	swait.ge [sflag:s12], $0x1400  }
0x66: {  	[sflag:s12] =	ssyncset.done $0x0  }
0x67: {  	s13 =	simm.s32 $0x1E0;
	[sflag:s12] =	ssyncadd.s32 $0xFFFFEC00  }
0x68: {  	[tilespmem:s22], [sflag:$0x2] =	stream.indirect.gather [hbm4b:s1+s20], $0x40, s13, s20, $0xb8;
	[tilespmem:$0x14E60] =	vst v63  }
0x69: {  	_ =	swait.ge [sflag:s14], $0x1400  }
0x6a: {  	[sflag:s14] =	ssyncset.done $0x0  }
0x6b: {  	s19 =	simm.s32 $0x2800;
	[sflag:s14] =	ssyncadd.s32 $0xFFFFEC00  }
0x6c: {  	[spmem:s2] =	stream.indirect.scatter.add.f32 [tilespmem:s26], [sflag:$0x9], $0x40, s19, s20, $0xb8;
	[tilespmem:$0x14E60] =	vst v63  }
0x6d: {  	_ =	swait.ge [sflag:s25], $0x1400  }
0x6e: {  	[sflag:s25] =	ssyncset.done $0x0  }
0x6f: {  	s6 =	simm.s32 $0x230;
	[sflag:s25] =	ssyncadd.s32 $0xFFFFEC00  }
0x70: {  	[tilespmem:s24], [sflag:$0x3] =	stream.indirect.gather [hbm4b:s1+s20], $0x40, s6, s20, $0xb8;
	[tilespmem:$0x14E60] =	vst v63  }
0x71: {  	_ =	swait.ge [sflag:s0], $0x1400  }
0x72: {  	[sflag:s0] =	ssyncset.done $0x0  }
0x73: {  	s7 =	simm.s32 $0x2850;
	[sflag:s0] =	ssyncadd.s32 $0xFFFFEC00  }
0x74: {  	[spmem:s2] =	stream.indirect.scatter.add.f32 [tilespmem:s30], [sflag:$0xA], $0x40, s7, s20, $0xb8;
	[tilespmem:$0x14E60] =	vst v63  }
0x75: {  	_ =	swait.ge [sflag:s10], $0x1400  }
0x76: {  	[sflag:s10] =	ssyncset.done $0x0  }
0x77: {  	s11 =	simm.s32 $0x280;
	[sflag:s10] =	ssyncadd.s32 $0xFFFFEC00  }
0x78: {  	[tilespmem:s26], [sflag:$0x4] =	stream.indirect.gather [hbm4b:s1+s20], $0x40, s11, s20, $0xb8;
	[tilespmem:$0x14E60] =	vst v63  }
0x79: {  	_ =	swait.ge [sflag:s28], $0x1400  }
0x7a: {  	[sflag:s28] =	ssyncset.done $0x0  }
0x7b: {  	s13 =	simm.s32 $0x28A0;
	[sflag:s28] =	ssyncadd.s32 $0xFFFFEC00  }
0x7c: {  	[spmem:s2] =	stream.indirect.scatter.add.f32 [tilespmem:s21], [sflag:$0x6], $0x40, s13, s20, $0xb8;
	[tilespmem:$0x14E60] =	vst v63  }
0x7d: {  	_ =	swait.ge [sflag:s23], $0x1400  }
0x7e: {  	[sflag:s23] =	ssyncset.done $0x0  }
0x7f: {  	s19 =	simm.s32 $0x2D0;
	[sflag:s23] =	ssyncadd.s32 $0xFFFFEC00  }
0x80: {  	[tilespmem:s30], [sflag:$0x5] =	stream.indirect.gather [hbm4b:s1+s20], $0x40, s19, s20, $0xb8;
	[tilespmem:$0x14E60] =	vst v63  }
0x81: {  	_ =	swait.ge [sflag:s31], $0x1400  }
0x82: {  	[sflag:s31] =	ssyncset.done $0x0  }
0x83: {  	s6 =	simm.s32 $0x28F0;
	[sflag:s31] =	ssyncadd.s32 $0xFFFFEC00  }
0x84: {  	[spmem:s2] =	stream.indirect.scatter.add.f32 [tilespmem:s22], [sflag:$0x7], $0x40, s6, s20, $0xb8;
	[tilespmem:$0x14E60] =	vst v63  }
0x85: {  	_ =	swait.ge [sflag:s5], $0x1400  }
0x86: {  	[sflag:s5] =	ssyncset.done $0x0  }
0x87: {  	s7 =	simm.s32 $0x320;
	[sflag:s5] =	ssyncadd.s32 $0xFFFFEC00  }
0x88: {  	[tilespmem:s21], [sflag:$0x1] =	stream.indirect.gather [hbm4b:s1+s20], $0x40, s7, s20, $0xb8;
	[tilespmem:$0x14E60] =	vst v63  }
0x89: {  	_ =	swait.ge [sflag:s9], $0x1400  }
0x8a: {  	[sflag:s9] =	ssyncset.done $0x0  }
0x8b: {  	s11 =	simm.s32 $0x2940;
	[sflag:s9] =	ssyncadd.s32 $0xFFFFEC00  }
0x8c: {  	[spmem:s2] =	stream.indirect.scatter.add.f32 [tilespmem:s24], [sflag:$0x8], $0x40, s11, s20, $0xb8;
	[tilespmem:$0x14E60] =	vst v63  }
0x8d: {  	_ =	swait.ge [sflag:s12], $0x1400  }
0x8e: {  	[sflag:s12] =	ssyncset.done $0x0  }
0x8f: {  	s13 =	simm.s32 $0x370;
	[sflag:s12] =	ssyncadd.s32 $0xFFFFEC00  }
0x90: {  	[tilespmem:s22], [sflag:$0x2] =	stream.indirect.gather [hbm4b:s1+s20], $0x40, s13, s20, $0xb8;
	[tilespmem:$0x14E60] =	vst v63  }
0x91: {  	_ =	swait.ge [sflag:s14], $0x1400  }
0x92: {  	[sflag:s14] =	ssyncset.done $0x0  }
0x93: {  	s19 =	simm.s32 $0x2990;
	[sflag:s14] =	ssyncadd.s32 $0xFFFFEC00  }
0x94: {  	[spmem:s2] =	stream.indirect.scatter.add.f32 [tilespmem:s26], [sflag:$0x9], $0x40, s19, s20, $0xb8;
	[tilespmem:$0x14E60] =	vst v63  }
0x95: {  	_ =	swait.ge [sflag:s25], $0x1400  }
0x96: {  	[sflag:s25] =	ssyncset.done $0x0  }
0x97: {  	s6 =	simm.s32 $0x3C0;
	[sflag:s25] =	ssyncadd.s32 $0xFFFFEC00  }
0x98: {  	[tilespmem:s24], [sflag:$0x3] =	stream.indirect.gather [hbm4b:s1+s20], $0x40, s6, s20, $0xb8;
	[tilespmem:$0x14E60] =	vst v63  }
0x99: {  	_ =	swait.ge [sflag:s0], $0x1400  }
0x9a: {  	[sflag:s0] =	ssyncset.done $0x0  }
0x9b: {  	s7 =	simm.s32 $0x29E0;
	[sflag:s0] =	ssyncadd.s32 $0xFFFFEC00  }
0x9c: {  	[spmem:s2] =	stream.indirect.scatter.add.f32 [tilespmem:s30], [sflag:$0xA], $0x40, s7, s20, $0xb8;
	[tilespmem:$0x14E60] =	vst v63  }
0x9d: {  	_ =	swait.ge [sflag:s10], $0x1400  }
0x9e: {  	[sflag:s10] =	ssyncset.done $0x0  }
0x9f: {  	s11 =	simm.s32 $0x410;
	[sflag:s10] =	ssyncadd.s32 $0xFFFFEC00  }
0xa0: {  	[tilespmem:s26], [sflag:$0x4] =	stream.indirect.gather [hbm4b:s1+s20], $0x40, s11, s20, $0xb8;
	[tilespmem:$0x14E60] =	vst v63  }
0xa1: {  	_ =	swait.ge [sflag:s28], $0x1400  }
0xa2: {  	[sflag:s28] =	ssyncset.done $0x0  }
0xa3: {  	s13 =	simm.s32 $0x2A30;
	[sflag:s28] =	ssyncadd.s32 $0xFFFFEC00  }
0xa4: {  	[spmem:s2] =	stream.indirect.scatter.add.f32 [tilespmem:s21], [sflag:$0x6], $0x40, s13, s20, $0xb8;
	[tilespmem:$0x14E60] =	vst v63  }
0xa5: {  	_ =	swait.ge [sflag:s23], $0x1400  }
0xa6: {  	[sflag:s23] =	ssyncset.done $0x0  }
0xa7: {  	s19 =	simm.s32 $0x460;
	[sflag:s23] =	ssyncadd.s32 $0xFFFFEC00  }
0xa8: {  	[tilespmem:s30], [sflag:$0x5] =	stream.indirect.gather [hbm4b:s1+s20], $0x40, s19, s20, $0xb8;
	[tilespmem:$0x14E60] =	vst v63  }
0xa9: {  	_ =	swait.ge [sflag:s31], $0x1400  }
0xaa: {  	[sflag:s31] =	ssyncset.done $0x0  }
0xab: {  	s3 =	simm.s32 $0x2A80;
	s6 =	simm.s32 $0x640;
	[sflag:s31] =	ssyncadd.s32 $0xFFFFEC00  }
.LBB2_2:
0xac: {  	[spmem:s2] =	stream.indirect.scatter.add.f32 [tilespmem:s22], [sflag:$0x7], $0x40, s3, s20, $0xb8;
	[tilespmem:$0x14E60] =	vst v63  }
0xad: {  	s3 =	smov.u32 s6;
	s6 =	sadd.s32 $0x640, s6;
	_ =	swait.ge [sflag:s5], $0x1400  }
0xae: {  	s13 =	sshra.s32 s3, $0x2;
	p1 =	sne.s32 s6, $0x8FC0;
	[sflag:s5] =	ssyncset.done $0x0  }
0xaf: {  	s3 =	sadd.s32 $0x320, s13;
	[sflag:s5] =	ssyncadd.s32 $0xFFFFEC00  }
0xb0: {  	[tilespmem:s21], [sflag:$0x1] =	stream.indirect.gather [hbm4b:s1+s20], $0x40, s3, s20, $0xb8;
	[tilespmem:$0x14E60] =	vst v63  }
0xb1: {  	_ =	swait.ge [sflag:s9], $0x1400  }
0xb2: {  	[sflag:s9] =	ssyncset.done $0x0  }
0xb3: {  	s3 =	sadd.s32 $0x2940, s13;
	[sflag:s9] =	ssyncadd.s32 $0xFFFFEC00  }
0xb4: {  	[spmem:s2] =	stream.indirect.scatter.add.f32 [tilespmem:s24], [sflag:$0x8], $0x40, s3, s20, $0xb8;
	[tilespmem:$0x14E60] =	vst v63  }
0xb5: {  	_ =	swait.ge [sflag:s12], $0x1400  }
0xb6: {  	[sflag:s12] =	ssyncset.done $0x0  }
0xb7: {  	s3 =	sadd.s32 $0x370, s13;
	[sflag:s12] =	ssyncadd.s32 $0xFFFFEC00  }
0xb8: {  	[tilespmem:s22], [sflag:$0x2] =	stream.indirect.gather [hbm4b:s1+s20], $0x40, s3, s20, $0xb8;
	[tilespmem:$0x14E60] =	vst v63  }
0xb9: {  	_ =	swait.ge [sflag:s14], $0x1400  }
0xba: {  	[sflag:s14] =	ssyncset.done $0x0  }
0xbb: {  	s3 =	sadd.s32 $0x2990, s13;
	[sflag:s14] =	ssyncadd.s32 $0xFFFFEC00  }
0xbc: {  	[spmem:s2] =	stream.indirect.scatter.add.f32 [tilespmem:s26], [sflag:$0x9], $0x40, s3, s20, $0xb8;
	[tilespmem:$0x14E60] =	vst v63  }
0xbd: {  	_ =	swait.ge [sflag:s25], $0x1400  }
0xbe: {  	[sflag:s25] =	ssyncset.done $0x0  }
0xbf: {  	s3 =	sadd.s32 $0x3C0, s13;
	[sflag:s25] =	ssyncadd.s32 $0xFFFFEC00  }
0xc0: {  	[tilespmem:s24], [sflag:$0x3] =	stream.indirect.gather [hbm4b:s1+s20], $0x40, s3, s20, $0xb8;
	[tilespmem:$0x14E60] =	vst v63  }
0xc1: {  	_ =	swait.ge [sflag:s0], $0x1400  }
0xc2: {  	[sflag:s0] =	ssyncset.done $0x0  }
0xc3: {  	s3 =	sadd.s32 $0x29E0, s13;
	[sflag:s0] =	ssyncadd.s32 $0xFFFFEC00  }
0xc4: {  	[spmem:s2] =	stream.indirect.scatter.add.f32 [tilespmem:s30], [sflag:$0xA], $0x40, s3, s20, $0xb8;
	[tilespmem:$0x14E60] =	vst v63  }
0xc5: {  	_ =	swait.ge [sflag:s10], $0x1400  }
0xc6: {  	[sflag:s10] =	ssyncset.done $0x0  }
0xc7: {  	s3 =	sadd.s32 $0x410, s13;
	[sflag:s10] =	ssyncadd.s32 $0xFFFFEC00  }
0xc8: {  	[tilespmem:s26], [sflag:$0x4] =	stream.indirect.gather [hbm4b:s1+s20], $0x40, s3, s20, $0xb8;
	[tilespmem:$0x14E60] =	vst v63  }
0xc9: {  	_ =	swait.ge [sflag:s28], $0x1400  }
0xca: {  	[sflag:s28] =	ssyncset.done $0x0  }
0xcb: {  	s3 =	sadd.s32 $0x2A30, s13;
	[sflag:s28] =	ssyncadd.s32 $0xFFFFEC00  }
0xcc: {  	[spmem:s2] =	stream.indirect.scatter.add.f32 [tilespmem:s21], [sflag:$0x6], $0x40, s3, s20, $0xb8;
	[tilespmem:$0x14E60] =	vst v63  }
0xcd: {  	_ =	swait.ge [sflag:s23], $0x1400  }
0xce: {  	[sflag:s23] =	ssyncset.done $0x0  }
.Ltmp2:
0xcf: {  	s3 =	sadd.s32 $0x460, s13;
	[sflag:s23] =	ssyncadd.s32 $0xFFFFEC00;
	(pc) =	sbr.rel @p1 .LBB2_2-.Ltmp2, $4  }
0xd0: {  	[tilespmem:s30], [sflag:$0x5] =	stream.indirect.gather [hbm4b:s1+s20], $0x40, s3, s20, $0xb8;
	[tilespmem:$0x14E60] =	vst v63  }
0xd1: {  	_ =	swait.ge [sflag:s31], $0x1400  }
0xd2: {  	[sflag:s31] =	ssyncset.done $0x0  }
0xd3: {  	s3 =	sadd.s32 $0x2A80, s13;
	[sflag:s31] =	ssyncadd.s32 $0xFFFFEC00  }
0xd4: {  	[spmem:s2] =	stream.indirect.scatter.add.f32 [tilespmem:s22], [sflag:$0x7], $0x40, s3, s20, $0xb8;
	[tilespmem:$0x14E60] =	vst v63  }
0xd5: {  	_ =	swait.ge [sflag:s9], $0x1400  }
0xd6: {  	s13 =	sshra.s32 s6, $0x2;
	[sflag:s9] =	ssyncset.done $0x0  }
0xd7: {  	s6 =	sadd.s32 $0x2940, s13;
	[sflag:s9] =	ssyncadd.s32 $0xFFFFEC00  }
0xd8: {  	[spmem:s2] =	stream.indirect.scatter.add.f32 [tilespmem:s24], [sflag:$0x8], $0x40, s6, s20, $0xb8;
	[tilespmem:$0x14E60] =	vst v63  }
0xd9: {  	_ =	swait.ge [sflag:s14], $0x1400  }
0xda: {  	[sflag:s14] =	ssyncset.done $0x0  }
0xdb: {  	s19 =	sadd.s32 $0x2990, s13;
	[sflag:s14] =	ssyncadd.s32 $0xFFFFEC00  }
0xdc: {  	[spmem:s2] =	stream.indirect.scatter.add.f32 [tilespmem:s26], [sflag:$0x9], $0x40, s19, s20, $0xb8;
	[tilespmem:$0x14E60] =	vst v63  }
0xdd: {  	_ =	swait.ge [sflag:s0], $0x1400  }
0xde: {  	[sflag:s0] =	ssyncset.done $0x0  }
0xdf: {  	s3 =	sadd.s32 $0x29E0, s13;
	[sflag:s0] =	ssyncadd.s32 $0xFFFFEC00  }
0xe0: {  	[spmem:s2] =	stream.indirect.scatter.add.f32 [tilespmem:s30], [sflag:$0xA], $0x40, s3, s20, $0xb8;
	[tilespmem:$0x14E60] =	vst v63  }
0xe1: {  	_ =	swait.ge [sflag:s5], $0x1400  }
0xe2: {  	[sflag:s5] =	ssyncset.done $0x0  }
0xe3: {  	[sflag:s5] =	ssyncadd.s32 $0xFFFFEC00  }
0xe4: {  	_ =	swait.ge [sflag:s12], $0x1400  }
0xe5: {  	[sflag:s12] =	ssyncset.done $0x0  }
0xe6: {  	[sflag:s12] =	ssyncadd.s32 $0xFFFFEC00  }
0xe7: {  	_ =	swait.ge [sflag:s25], $0x1400  }
0xe8: {  	[sflag:s25] =	ssyncset.done $0x0  }
0xe9: {  	[sflag:s25] =	ssyncadd.s32 $0xFFFFEC00  }
0xea: {  	_ =	swait.ge [sflag:s10], $0x1400  }
0xeb: {  	[sflag:s10] =	ssyncset.done $0x0  }
0xec: {  	[sflag:s10] =	ssyncadd.s32 $0xFFFFEC00  }
0xed: {  	_ =	swait.ge [sflag:s23], $0x1400  }
0xee: {  	[sflag:s23] =	ssyncset.done $0x0  }
0xef: {  	[sflag:s23] =	ssyncadd.s32 $0xFFFFEC00  }
0xf0: {  	s6 =	sadd.s32 s8, s16;
	[bflag:$0x0] =	sbarrier.arrive $0xFFFF  }
0xf1: {  	[hbm:s6], [sflag:s17] =	dma.local [spmem:s18], $0x1380  }
0xf2: {  	_ =	swait.ge [sflag:s15], $0x1380  }
0xf3: {  	[sflag:s15] =	ssyncset.done $0x0;
	s6 =	rddreg [dreg:$0x6]  }
0xf4: {  	s7 =	rddreg [dreg:$0x9];
	[sflag:s15] =	ssyncadd.s32 $0xFFFFEC80;
	s3 =	sshrl.u32 @p0 s6, $0x3  }
0xf5: {  	[spmem:s3], [sflag:s17] =	dma.local @p0 [hbm:s7], $0x1380  }
0xf6: {  	s3 =	simm.s32 @p0 $0xB  }
0xf7: {  	_ =	swait.ge @p0 [sflag:s3], $0x1380  }
0xf8: {  	[sflag:s3] =	ssyncset.done @p0 $0x0  }
0xf9: {  	s7 =	rddreg [dreg:$0xc];
	[sflag:s3] =	ssyncadd.s32 @p0 $0xFFFFEC80;
	s3 =	sadd.s32 @!p0 $0x13800, s16  }
0xfa: {  	[hbm:s3], [sflag:s17] =	dma.local @!p0 [spmem:s7], $0x80  }
0xfb: {  	s3 =	simm.s32 @!p0 $0xB  }
0xfc: {  	_ =	swait.ge @!p0 [sflag:s3], $0x80  }
0xfd: {  	[sflag:s3] =	ssyncset.done @!p0 $0x0  }
0xfe: {  	s6 =	sshrl.u32 @!p0 s6, $0x3;
	[sflag:s3] =	ssyncadd.s32 @!p0 $0xFFFFFF80  }
0xff: {  	[spmem:s6], [sflag:s17] =	dma.local @!p0 [hbm:s4], $0x1380  }
0x100: {  	_ =	swait.ge @!p0 [sflag:s3], $0x1380  }
0x101: {  	[sflag:s3] =	ssyncset.done @!p0 $0x0  }
0x102: {  	s6 =	rddreg [dreg:$0xa];
	[sflag:s3] =	ssyncadd.s32 @!p0 $0xFFFFEC80  }
0x103: {  	[spmem:s7], [sflag:s17] =	dma.local @!p0 [hbm:s6], $0x80  }
0x104: {  	_ =	swait.ge @!p0 [sflag:s3], $0x80  }
0x105: {  	[sflag:s3] =	ssyncset.done @!p0 $0x0  }
0x106: {  	[sflag:s3] =	ssyncadd.s32 @!p0 $0xFFFFFF80  }
0x107: {  	s6 =	simm.s32 $0x0;
	[bflag:$0x0] =	sbarrier.arrive $0xFFFF  }
0x108: {  	[tilespmem:s21], [sflag:$0x1] =	stream.indirect.gather [hbm4b:s4+s20], $0x40, s6, s20, $0xb8;
	[tilespmem:$0x14E60] =	vst v63  }
0x109: {  	_ = 	snop  }
0x10a: {  	[tilespmem:s22], [sflag:$0x2] =	stream.indirect.gather [hbm4b:s4+s20], $0x40, s20, s20, $0xb8;
	[tilespmem:$0x14E60] =	vst v63  }
0x10b: {  	s7 =	simm.s32 $0xA0  }
0x10c: {  	[tilespmem:s24], [sflag:$0x3] =	stream.indirect.gather [hbm4b:s4+s20], $0x40, s7, s20, $0xb8;
	[tilespmem:$0x14E60] =	vst v63  }
0x10d: {  	s11 =	smov.u32 s8;
	s8 =	simm.s32 $0xF0  }
0x10e: {  	[tilespmem:s26], [sflag:$0x4] =	stream.indirect.gather [hbm4b:s4+s20], $0x40, s8, s20, $0xb8;
	[tilespmem:$0x14E60] =	vst v63  }
0x10f: {  	_ =	swait.ge [sflag:s28], $0x1400  }
0x110: {  	[sflag:s28] =	ssyncset.done $0x0  }
0x111: {  	s13 =	simm.s32 $0x2710;
	[sflag:s28] =	ssyncadd.s32 $0xFFFFEC00  }
0x112: {  	[spmem:s2] =	stream.indirect.scatter.add.f32 [tilespmem:s21], [sflag:$0x6], $0x40, s13, s20, $0xb8;
	[tilespmem:$0x14E60] =	vst v63  }
0x113: {  	s19 =	smov.u32 s18;
	s18 =	smov.u32 s16;
	s16 =	simm.s32 $0x140  }
0x114: {  	[tilespmem:s30], [sflag:$0x5] =	stream.indirect.gather [hbm4b:s4+s20], $0x40, s16, s20, $0xb8;
	[tilespmem:$0x14E60] =	vst v63  }
0x115: {  	_ =	swait.ge [sflag:s31], $0x1400  }
0x116: {  	[sflag:s31] =	ssyncset.done $0x0  }
0x117: {  	s7 =	simm.s32 $0x2760;
	[sflag:s31] =	ssyncadd.s32 $0xFFFFEC00  }
0x118: {  	[spmem:s2] =	stream.indirect.scatter.add.f32 [tilespmem:s22], [sflag:$0x7], $0x40, s7, s20, $0xb8;
	[tilespmem:$0x14E60] =	vst v63  }
0x119: {  	_ =	swait.ge [sflag:s5], $0x1400  }
0x11a: {  	[sflag:s5] =	ssyncset.done $0x0  }
0x11b: {  	s8 =	simm.s32 $0x190;
	[sflag:s5] =	ssyncadd.s32 $0xFFFFEC00  }
0x11c: {  	[tilespmem:s21], [sflag:$0x1] =	stream.indirect.gather [hbm4b:s4+s20], $0x40, s8, s20, $0xb8;
	[tilespmem:$0x14E60] =	vst v63  }
0x11d: {  	_ =	swait.ge [sflag:s9], $0x1400  }
0x11e: {  	[sflag:s9] =	ssyncset.done $0x0  }
0x11f: {  	s13 =	simm.s32 $0x27B0;
	[sflag:s9] =	ssyncadd.s32 $0xFFFFEC00  }
0x120: {  	[spmem:s2] =	stream.indirect.scatter.add.f32 [tilespmem:s24], [sflag:$0x8], $0x40, s13, s20, $0xb8;
	[tilespmem:$0x14E60] =	vst v63  }
0x121: {  	_ =	swait.ge [sflag:s12], $0x1400  }
0x122: {  	[sflag:s12] =	ssyncset.done $0x0  }
0x123: {  	s16 =	simm.s32 $0x1E0;
	[sflag:s12] =	ssyncadd.s32 $0xFFFFEC00  }
0x124: {  	[tilespmem:s22], [sflag:$0x2] =	stream.indirect.gather [hbm4b:s4+s20], $0x40, s16, s20, $0xb8;
	[tilespmem:$0x14E60] =	vst v63  }
0x125: {  	_ =	swait.ge [sflag:s14], $0x1400  }
0x126: {  	[sflag:s14] =	ssyncset.done $0x0  }
0x127: {  	s7 =	simm.s32 $0x2800;
	[sflag:s14] =	ssyncadd.s32 $0xFFFFEC00  }
0x128: {  	[spmem:s2] =	stream.indirect.scatter.add.f32 [tilespmem:s26], [sflag:$0x9], $0x40, s7, s20, $0xb8;
	[tilespmem:$0x14E60] =	vst v63  }
0x129: {  	_ =	swait.ge [sflag:s25], $0x1400  }
0x12a: {  	[sflag:s25] =	ssyncset.done $0x0  }
0x12b: {  	s8 =	simm.s32 $0x230;
	[sflag:s25] =	ssyncadd.s32 $0xFFFFEC00  }
0x12c: {  	[tilespmem:s24], [sflag:$0x3] =	stream.indirect.gather [hbm4b:s4+s20], $0x40, s8, s20, $0xb8;
	[tilespmem:$0x14E60] =	vst v63  }
0x12d: {  	_ =	swait.ge [sflag:s0], $0x1400  }
0x12e: {  	[sflag:s0] =	ssyncset.done $0x0  }
0x12f: {  	s13 =	simm.s32 $0x2850;
	[sflag:s0] =	ssyncadd.s32 $0xFFFFEC00  }
0x130: {  	[spmem:s2] =	stream.indirect.scatter.add.f32 [tilespmem:s30], [sflag:$0xA], $0x40, s13, s20, $0xb8;
	[tilespmem:$0x14E60] =	vst v63  }
0x131: {  	_ =	swait.ge [sflag:s10], $0x1400  }
0x132: {  	[sflag:s10] =	ssyncset.done $0x0  }
0x133: {  	s16 =	simm.s32 $0x280;
	[sflag:s10] =	ssyncadd.s32 $0xFFFFEC00  }
0x134: {  	[tilespmem:s26], [sflag:$0x4] =	stream.indirect.gather [hbm4b:s4+s20], $0x40, s16, s20, $0xb8;
	[tilespmem:$0x14E60] =	vst v63  }
.LBB2_4:
0x135: {  	_ =	swait.ge [sflag:s28], $0x1400  }
0x136: {  	s13 =	sshra.s32 s6, $0x2;
	[sflag:s28] =	ssyncset.done $0x0  }
0x137: {  	s3 =	sadd.s32 $0x28A0, s13;
	[sflag:s28] =	ssyncadd.s32 $0xFFFFEC00  }
0x138: {  	[spmem:s2] =	stream.indirect.scatter.add.f32 [tilespmem:s21], [sflag:$0x6], $0x40, s3, s20, $0xb8;
	[tilespmem:$0x14E60] =	vst v63  }
0x139: {  	_ =	swait.ge [sflag:s23], $0x1400  }
0x13a: {  	[sflag:s23] =	ssyncset.done $0x0  }
0x13b: {  	s7 =	sadd.s32 $0x2D0, s13;
	[sflag:s23] =	ssyncadd.s32 $0xFFFFEC00  }
0x13c: {  	[tilespmem:s30], [sflag:$0x5] =	stream.indirect.gather [hbm4b:s4+s20], $0x40, s7, s20, $0xb8;
	[tilespmem:$0x14E60] =	vst v63  }
0x13d: {  	_ =	swait.ge [sflag:s31], $0x1400  }
0x13e: {  	p1 =	seq.s32 s6, $0x8FC0;
	[sflag:s31] =	ssyncset.done $0x0  }
0x13f: {  	s8 =	sadd.s32 $0x28F0, s13;
	s3 =	simm.s32 @p1 $0x3;
	[sflag:s31] =	ssyncadd.s32 $0xFFFFEC00  }
0x140: {  	[spmem:s2] =	stream.indirect.scatter.add.f32 [tilespmem:s22], [sflag:$0x7], $0x40, s8, s20, $0xb8;
	[tilespmem:$0x14E60] =	vst v63  }
0x141: {  	_ =	swait.ge @p1 [sflag:s3], $0x1400  }
0x142: {  	[sflag:s3] =	ssyncset.done @p1 $0x0  }
0x143: {  	[sflag:s3] =	ssyncadd.s32 @p1 $0xFFFFEC00;
	s3 =	sshra.s32 @p1 s6, $0x2  }
0x144: {  	s16 =	simm.s32 @p1 $0x50;
	s7 =	simm.s32 @p1 $0x7620;
	s3 =	sadd.s32 @p1 $0x2940, s3  }
0x145: {  	[spmem:s2] =	stream.indirect.scatter.add.f32 @p1 [tilespmem:s7], [sflag:$0x8], $0x40, s3, s16, $0xb8;
	[tilespmem:$0x14E60] =	vst v63  }
0x146: {  	s3 =	simm.s32 @!p1 $0x6  }
0x147: {  	_ =	swait.ge @!p1 [sflag:s3], $0x1400  }
0x148: {  	[sflag:s3] =	ssyncset.done @!p1 $0x0  }
0x149: {  	[sflag:s3] =	ssyncadd.s32 @!p1 $0xFFFFEC00;
	s3 =	sshra.s32 @!p1 s6, $0x2  }
0x14a: {  	s8 =	simm.s32 @!p1 $0x4E20;
	s16 =	simm.s32 @!p1 $0x50;
	s7 =	sadd.s32 @!p1 $0x320, s3  }
0x14b: {  	[tilespmem:s8], [sflag:$0x1] =	stream.indirect.gather @!p1 [hbm4b:s4+s16], $0x40, s7, s16, $0xb8;
	[tilespmem:$0x14E60] =	vst v63  }
0x14c: {  	s7 =	simm.s32 @!p1 $0x3  }
0x14d: {  	_ =	swait.ge @!p1 [sflag:s7], $0x1400  }
0x14e: {  	[sflag:s7] =	ssyncset.done @!p1 $0x0  }
0x14f: {  	s8 =	simm.s32 @!p1 $0x7620;
	[sflag:s7] =	ssyncadd.s32 @!p1 $0xFFFFEC00;
	s7 =	sadd.s32 @!p1 $0x2940, s3  }
0x150: {  	[spmem:s2] =	stream.indirect.scatter.add.f32 @!p1 [tilespmem:s8], [sflag:$0x8], $0x40, s7, s16, $0xb8;
	[tilespmem:$0x14E60] =	vst v63  }
0x151: {  	s7 =	simm.s32 @!p1 $0x7  }
0x152: {  	_ =	swait.ge @!p1 [sflag:s7], $0x1400  }
0x153: {  	[sflag:s7] =	ssyncset.done @!p1 $0x0  }
0x154: {  	s3 =	sadd.s32 @!p1 $0x370, s3;
	[sflag:s7] =	ssyncadd.s32 @!p1 $0xFFFFEC00;
	s7 =	simm.s32 @!p1 $0x6220  }
0x155: {  	[tilespmem:s7], [sflag:$0x2] =	stream.indirect.gather @!p1 [hbm4b:s4+s16], $0x40, s3, s16, $0xb8;
	[tilespmem:$0x14E60] =	vst v63  }
.Ltmp3:
0x156: {  	_ = 	snop;
	(pc) =	sbr.rel @p1 .LBB2_6-.Ltmp3, $4  }
0x157: {  	_ =	swait.ge [sflag:s14], $0x1400  }
0x158: {  	[sflag:s14] =	ssyncset.done $0x0  }
0x159: {  	s16 =	sadd.s32 $0x2990, s13;
	s3 =	sadd.s32 $0x29E0, s13;
	[sflag:s14] =	ssyncadd.s32 $0xFFFFEC00  }
0x15a: {  	[spmem:s2] =	stream.indirect.scatter.add.f32 [tilespmem:s26], [sflag:$0x9], $0x40, s16, s20, $0xb8;
	[tilespmem:$0x14E60] =	vst v63  }
0x15b: {  	_ =	swait.ge [sflag:s25], $0x1400  }
0x15c: {  	[sflag:s25] =	ssyncset.done $0x0  }
0x15d: {  	s7 =	sadd.s32 $0x3C0, s13;
	[sflag:s25] =	ssyncadd.s32 $0xFFFFEC00  }
0x15e: {  	[tilespmem:s24], [sflag:$0x3] =	stream.indirect.gather [hbm4b:s4+s20], $0x40, s7, s20, $0xb8;
	[tilespmem:$0x14E60] =	vst v63  }
0x15f: {  	_ =	swait.ge [sflag:s0], $0x1400  }
0x160: {  	[sflag:s0] =	ssyncset.done $0x0  }
0x161: {  	[sflag:s0] =	ssyncadd.s32 $0xFFFFEC00  }
0x162: {  	[spmem:s2] =	stream.indirect.scatter.add.f32 [tilespmem:s30], [sflag:$0xA], $0x40, s3, s20, $0xb8;
	[tilespmem:$0x14E60] =	vst v63  }
.Ltmp4:
0x163: {  	_ = 	snop;
	(pc) =	sbr.rel .LBB2_4-.Ltmp4, $4  }
0x164: {  	_ =	swait.ge [sflag:s10], $0x1400  }
0x165: {  	[sflag:s10] =	ssyncset.done $0x0  }
0x166: {  	s16 =	sadd.s32 $0x410, s13;
	s6 =	sadd.s32 $0x640, s6;
	[sflag:s10] =	ssyncadd.s32 $0xFFFFEC00  }
0x167: {  	[tilespmem:s26], [sflag:$0x4] =	stream.indirect.gather [hbm4b:s4+s20], $0x40, s16, s20, $0xb8;
	[tilespmem:$0x14E60] =	vst v63  }
.LBB2_7:
0x168: {  	_ =	sfence.sel $0x180000  }
0x169: {  	[bflag:$0x0] =	sbarrier.arrive $0xFFFF  }
0x16a: {  	_ =	strace $0x9000004A  }
0x16b: {  	[bflag:$0x2] =	sbarrier.arrive $0xFFFF  }
0x16c: {  	s0 =	rddreg [dreg:$0x3]  }
0x16d: {  	s0 =	sadd.s32 @!p0 $0x100000, s0  }
0x16e: {  	[sflag:s0] =	ssyncadd.tile.s32 @!p0 $0x1;
	_ =	shalt  }
.Lfunc_end2:
_tile_overlayer_lowered:
.L_overlay_start_2:
0x16f: {  	(tag) =	ssettag $0x2  }
0x170: {  	s0 =	rddreg [dreg:$0x0];
	s2 =	stileid.u32  }
0x171: {  	s1 =	rddreg [dreg:$0x1];
	p0 =	sne.s32 s2, $0x0  }
0x172: {  	s3 =	rddreg [dreg:$0x2];
	[bflag:$0x3] =	sbarrier.arrive $0xFFFF;
	s2 =	simm.s32 @!p0 $0x1C0B  }
0x173: {  	[timem:s3], [sflag:s2] =	dma.local @!p0 [hbm:s0], s1  }
0x174: {  	s0 =	simm.s32 @!p0 $0xB  }
0x175: {  	_ =	swait.ge @!p0 [sflag:s0], s1  }
0x176: {  	s1 =	ssub.s32 @!p0 $0x0, s1;
	[sflag:s0] =	ssyncset.done @!p0 $0x0  }
0x177: {  	[sflag:s0] =	ssyncadd.s32 @!p0 s1  }
0x178: {  	[bflag:$0x3] =	sbarrier.arrive $0xFFFF  }
0x179: {  	_ =	shalt  }

</sc_bundles>
